<compile_context>
chip_gen: v7x
topology: tpu7x:2x2x1
jax: 0.10.2.dev20260603
libtpu: 0.0.44.dev20260713+nightly
codegen_flags: <defaults>
</compile_context>

<pallas_src>
import functools

import jax
import jax.numpy as jnp
from jax import lax
from jax.experimental import pallas as pl
from jax.experimental.pallas import tpu as pltpu
from jax.experimental.pallas import tpu_sc as plsc

_NC, _NS, _LANES = 2, 16, 16
_NW = _NC * _NS


def _make_hist(B, L, V):
    rows_per_w = B // _NW
    steps = L // _LANES
    mesh = plsc.VectorSubcoreMesh(
        core_axis_name="c", subcore_axis_name="s",
        num_cores=_NC, num_subcores=_NS)

    @functools.partial(
        pl.kernel,
        out_type=jax.ShapeDtypeStruct((B, V), jnp.float32),
        mesh=mesh,
        scratch_types=[
            pltpu.VMEM((rows_per_w, L), jnp.int32),
            pltpu.VMEM((rows_per_w * V * _LANES,), jnp.float32),
            pltpu.VMEM((rows_per_w, V), jnp.float32),
            pltpu.SemaphoreType.DMA,
            pltpu.SemaphoreType.DMA,
        ],
        compiler_params=pltpu.CompilerParams(needs_layout_passes=False),
    )
    def hist(seq_hbm, out_hbm, seq_v, hist_v, cnt_v, sem0, sem1):
        wid = lax.axis_index("s") * _NC + lax.axis_index("c")
        row0 = wid * rows_per_w
        half = rows_per_w // 2
        cp0 = pltpu.async_copy(seq_hbm.at[pl.ds(row0, half)],
                               seq_v.at[pl.ds(0, half)], sem0)
        cp1 = pltpu.async_copy(seq_hbm.at[pl.ds(row0 + half, half)],
                               seq_v.at[pl.ds(half, half)], sem1)
        zeros = jnp.zeros((_LANES,), jnp.float32)
        for j in range(rows_per_w * V):
            hist_v[pl.ds(j * _LANES, _LANES)] = zeros
        lane = lax.iota(jnp.int32, _LANES)
        ones = jnp.ones((_LANES,), jnp.float32)
        lane16 = lane * _LANES
        nchunks = V // _LANES
        ch = 16
        n = steps // ch

        def do_row(r):
            roff = r * (V * _LANES)
            laneoff = lane + roff

            def load(i, j):
                return seq_v[r, pl.ds(i * (_LANES * ch) + j * _LANES,
                                      _LANES)]

            def scat(v):
                plsc.addupdate_scatter(hist_v, [v * _LANES + laneoff], ones)

            def body(i, vals):
                nxt = tuple(load(i + 1, j) for j in range(ch))
                for v in vals:
                    scat(v)
                return nxt

            last = lax.fori_loop(0, n - 1, body,
                                 tuple(load(0, j) for j in range(ch)))
            for v in last:
                scat(v)
            bases = [lane16 + (roff + c * _LANES * _LANES)
                     for c in range(nchunks)]

            def ebody(j, accs, bases=bases):
                return tuple(a + plsc.load_gather(hist_v, [b + j])
                             for a, b in zip(accs, bases))

            accs = lax.fori_loop(0, _LANES, ebody, (zeros,) * nchunks,
                                 unroll=2)
            for c in range(nchunks):
                cnt_v[r, pl.ds(c * _LANES, _LANES)] = accs[c]

        cp0.wait()
        lax.fori_loop(0, half, lambda r, c: (do_row(r), c)[1], 0)
        cp1.wait()
        lax.fori_loop(half, rows_per_w, lambda r, c: (do_row(r), c)[1], 0)
        pltpu.sync_copy(cnt_v,
                        out_hbm.at[pl.ds(wid * rows_per_w, rows_per_w)])

    return hist


def _table_body(e_ref, w1_ref, b1_ref, w2_ref, b2_ref, gamma_ref, beta_ref,
                wg_ref, wq_ref, tn_ref, tnwq_ref, c_ref):
    f32 = jnp.float32
    E = e_ref[...]
    ff = jnp.maximum(
        jnp.dot(E, w1_ref[...], preferred_element_type=f32) + b1_ref[...], 0.0)
    T = E + jnp.dot(ff, w2_ref[...], preferred_element_type=f32) + b2_ref[...]
    mu = jnp.mean(T, axis=-1, keepdims=True)
    var = jnp.mean((T - mu) ** 2, axis=-1, keepdims=True)
    Tn = (T - mu) * lax.rsqrt(var + 1e-5) * gamma_ref[...] + beta_ref[...]
    tn_ref[...] = Tn
    tnwq_ref[...] = jnp.dot(Tn, wq_ref[...], preferred_element_type=f32)
    c_ref[...] = jnp.dot(Tn, wg_ref[...], preferred_element_type=f32)


def _final_body(counts_ref, seqtail_ref, tn_ref, tnwq_ref, c_ref, bq_ref,
                wo_ref, bo_ref, out_ref, *, B, V, K):
    f32 = jnp.float32
    Tn = tn_ref[...]
    c = c_ref[...]
    c_row = lax.dot_general(jnp.ones((V, 1), f32), c,
                            (((1,), (1,)), ((), ())),
                            preferred_element_type=f32)
    P = (jnp.broadcast_to(c, (V, V)) > c_row).astype(f32)
    counts = counts_ref[...]
    N = jnp.dot(counts, P, preferred_element_type=f32)
    m = jnp.minimum(jnp.maximum(K - N, 0.0), counts)
    tail = seqtail_ref[...]
    last = tail[:, -1:]
    onehot = (jnp.broadcast_to(last, (B, V))
              == lax.broadcasted_iota(jnp.int32, (B, V), 1)).astype(f32)
    q = (jnp.dot(onehot, tnwq_ref[...], preferred_element_type=f32)
         + bq_ref[...])
    s = lax.dot_general(q, Tn, (((1,), (1,)), ((), ())),
                        preferred_element_type=f32)
    mx = jnp.max(jnp.where(m > 0.0, s, -1e30), axis=-1, keepdims=True)
    w = m * jnp.exp(jnp.minimum(s - mx, 0.0))
    pooled = (jnp.dot(w, Tn, preferred_element_type=f32)
              / jnp.sum(w, axis=-1, keepdims=True))
    out_ref[...] = (lax.dot_general(wo_ref[...], pooled,
                                    (((0,), (1,)), ((), ())),
                                    preferred_element_type=f32)
                    + bo_ref[...])


def kernel(seq, embed_table, W1, b1, W2, b2, gamma, beta, Wg, bg, Wq, bq, Wo,
           bo):
    B, L = seq.shape
    V, d = embed_table.shape
    seq = seq.astype(jnp.int32)
    counts = _make_hist(B, L, V)(seq)
    full = lambda a: pl.BlockSpec(a.shape, lambda i: (0,) * a.ndim)
    targs = (embed_table, W1, b1.reshape(1, -1), W2, b2.reshape(1, -1),
             gamma.reshape(1, -1), beta.reshape(1, -1), Wg, Wq)
    f32 = jnp.float32
    Tn, TnWq, c = pl.pallas_call(
        _table_body,
        grid=(1,),
        in_specs=[full(a) for a in targs],
        out_specs=[pl.BlockSpec((V, d), lambda i: (0, 0)),
                   pl.BlockSpec((V, d), lambda i: (0, 0)),
                   pl.BlockSpec((V, 1), lambda i: (0, 0))],
        out_shape=[jax.ShapeDtypeStruct((V, d), f32),
                   jax.ShapeDtypeStruct((V, d), f32),
                   jax.ShapeDtypeStruct((V, 1), f32)],
    )(*targs)
    body = functools.partial(_final_body, B=B, V=V, K=float(min(8, L)))
    args = (counts, seq, Tn, TnWq, c, bq.reshape(1, -1), Wo,
            bo.reshape(-1, 1))
    in_specs = [full(a) for a in args]
    in_specs[1] = pl.BlockSpec((B, 128), lambda i: (0, L // 128 - 1))
    out_t = pl.pallas_call(
        body,
        grid=(1,),
        in_specs=in_specs,
        out_specs=pl.BlockSpec((Wo.shape[1], B), lambda i: (0, 0)),
        out_shape=jax.ShapeDtypeStruct((Wo.shape[1], B), jnp.float32),
    )(*args)
    return jnp.transpose(out_t)

# --- scband reference (transcript-rebuilt; emitter-appended) ---
"""Pipeline reference for scband-context-only-model-3204045603593 (READ-ONLY COPY).

The authoritative reference and input builder live on the scoring server;
editing this copy changes nothing except your own understanding.
"""

import jax, jax.numpy as jnp
import numpy as np

HIDDEN_DIM = 64
VOCAB_SIZE = 64
MEMORY_SLOTS = 8


def layernorm(x, gamma, beta, eps=1e-5):
    mu = jnp.mean(x, axis=-1, keepdims=True)
    var = jnp.mean((x - mu) ** 2, axis=-1, keepdims=True)
    return (x - mu) / jnp.sqrt(var + eps) * gamma + beta


def setup_inputs(seed: int = 0) -> dict:
    key = jax.random.key(seed)
    ks = jax.random.split(key, 16)
    B, L = 128, 8192
    d = HIDDEN_DIM
    seq = jax.random.randint(ks[0], (B, L), 0, VOCAB_SIZE, dtype=jnp.int64 if jax.config.jax_enable_x64 else jnp.int32)
    scale = 0.05
    return {
        "seq": seq,
        "embed_table": jax.random.normal(ks[1], (VOCAB_SIZE, d), jnp.float32) * scale,
        "W1": jax.random.normal(ks[2], (d, d * 2), jnp.float32) * scale,
        "b1": jnp.zeros((d * 2,), jnp.float32),
        "W2": jax.random.normal(ks[3], (d * 2, d), jnp.float32) * scale,
        "b2": jnp.zeros((d,), jnp.float32),
        "gamma": jnp.ones((d,), jnp.float32),
        "beta": jnp.zeros((d,), jnp.float32),
        "Wg": jax.random.normal(ks[4], (d, 1), jnp.float32) * scale,
        "bg": jnp.zeros((1,), jnp.float32),
        "Wq": jax.random.normal(ks[5], (d, d), jnp.float32) * scale,
        "bq": jnp.zeros((d,), jnp.float32),
        "Wo": jax.random.normal(ks[6], (d, VOCAB_SIZE), jnp.float32) * scale,
        "bo": jnp.zeros((VOCAB_SIZE,), jnp.float32),
    }


def reference(seq, embed_table, W1, b1, W2, b2, gamma, beta, Wg, bg, Wq, bq, Wo, bo):
    B, L = seq.shape
    # Encoder
    h = jnp.take(embed_table, seq, axis=0)  # [B, L, d]
    ff = jnp.maximum(h @ W1 + b1, 0.0) @ W2 + b2
    h = layernorm(h + ff, gamma, beta)
    # Gating + top-k slot selection
    gate = jax.nn.sigmoid((h @ Wg + bg)[..., 0])  # [B, L]
    k = min(MEMORY_SLOTS, L)
    _, idx = jax.lax.top_k(gate, k)  # [B, k]
    mem = jnp.take_along_axis(h, idx[..., None], axis=1)  # [B, k, d]
    # ReadHead
    query_h = h[:, -1, :]
    q = query_h @ Wq + bq  # [B, d]
    sc = jnp.einsum("bkd,bd->bk", mem, q)
    mask = jnp.ones((B, k), jnp.float32)
    sc = jnp.where(mask == 0, -1e9, sc)
    attn = jax.nn.softmax(sc, axis=-1)
    pooled = jnp.sum(attn[..., None] * mem, axis=1)  # [B, d]
    return pooled @ Wo + bo  # [B, VOCAB_SIZE]

if __name__ == "__main__":
    import jax
    _d = setup_inputs()
    print(jax.jit(kernel)(*tuple(_d.values())))

</pallas_src>

<mosaic_0001>
#map = affine_map<(d0, d1) -> (0, 0)>
module attributes {stable_mosaic.version = 14 : i64} {
  func.func @hist(%arg0: i32, %arg1: i32, %arg2: memref<128x8192xi32, #tpu.memory_space<hbm>>, %arg3: memref<128x64xf32, #tpu.memory_space<hbm>>, %arg4: memref<4x8192xi32, #tpu.memory_space<vmem>>, %arg5: memref<4096xf32, #tpu.memory_space<vmem>>, %arg6: memref<4x64xf32, #tpu.memory_space<vmem>>, %arg7: memref<!tpu.dma_semaphore, #tpu.memory_space<semaphore_mem>>, %arg8: memref<!tpu.dma_semaphore, #tpu.memory_space<semaphore_mem>>) attributes {dimension_semantics = [#tpu.dimension_semantics<core_parallel>, #tpu.dimension_semantics<subcore_parallel>], iteration_bounds = array<i64: 2, 16>, scalar_prefetch = 0 : i64, scratch_operands = 5 : i64, tpu.core_type = #tpu.core_type<sc_vector_subcore>, window_params = [{transform_indices = #map}, {transform_indices = #map}]} {
    %mul3A = arith.constant 2 : i32
    %mul3A_0 = arith.muli %arg1, %mul3A : i32
    %add3A = arith.addi %mul3A_0, %arg0 : i32
    %mul3A_1 = arith.constant 4 : i32
    %mul3A_2 = arith.muli %add3A, %mul3A_1 : i32
    %dma_start3A = arith.constant 0 : i32
    %dma_start3A_3 = arith.constant 0 : i32
    %dma_start3A_4 = tpu.memref_slice %arg4[%dma_start3A, %dma_start3A_3] : memref<4x8192xi32, #tpu.memory_space<vmem>> -> memref<2x8192xi32, #tpu.memory_space<vmem>>
    %dma_start3A_5 = arith.constant 0 : i32
    %dma_start3A_6 = tpu.memref_slice %arg2[%mul3A_2, %dma_start3A_5] : memref<128x8192xi32, #tpu.memory_space<hbm>> -> memref<2x8192xi32, #tpu.memory_space<hbm>>
    %dma_start3A_7 = arith.constant 0 : i32
    %dma_start3A_8 = arith.constant 0 : i32
    %dma_start3A_9 = tpu.memref_slice %arg4[%dma_start3A_7, %dma_start3A_8] : memref<4x8192xi32, #tpu.memory_space<vmem>> -> memref<2x8192xi32, #tpu.memory_space<vmem>>
    %dma_start3A_10 = arith.constant 0 : i32
    %dma_start3A_11 = tpu.memref_slice %arg2[%mul3A_2, %dma_start3A_10] : memref<128x8192xi32, #tpu.memory_space<hbm>> -> memref<2x8192xi32, #tpu.memory_space<hbm>>
    tpu.enqueue_dma source(%dma_start3A_11 : memref<2x8192xi32, #tpu.memory_space<hbm>>) target(%dma_start3A_9 : memref<2x8192xi32, #tpu.memory_space<vmem>>) target_semaphore(%arg7 : memref<!tpu.dma_semaphore, #tpu.memory_space<semaphore_mem>>)
    %add3A_12 = arith.constant 2 : i32
    %add3A_13 = arith.addi %mul3A_2, %add3A_12 : i32
    %dma_start3A_14 = arith.constant 2 : i32
    %dma_start3A_15 = arith.constant 0 : i32
    %dma_start3A_16 = tpu.memref_slice %arg4[%dma_start3A_14, %dma_start3A_15] : memref<4x8192xi32, #tpu.memory_space<vmem>> -> memref<2x8192xi32, #tpu.memory_space<vmem>>
    %dma_start3A_17 = arith.constant 0 : i32
    %dma_start3A_18 = tpu.memref_slice %arg2[%add3A_13, %dma_start3A_17] : memref<128x8192xi32, #tpu.memory_space<hbm>> -> memref<2x8192xi32, #tpu.memory_space<hbm>>
    %dma_start3A_19 = arith.constant 2 : i32
    %dma_start3A_20 = arith.constant 0 : i32
    %dma_start3A_21 = tpu.memref_slice %arg4[%dma_start3A_19, %dma_start3A_20] : memref<4x8192xi32, #tpu.memory_space<vmem>> -> memref<2x8192xi32, #tpu.memory_space<vmem>>
    %dma_start3A_22 = arith.constant 0 : i32
    %dma_start3A_23 = tpu.memref_slice %arg2[%add3A_13, %dma_start3A_22] : memref<128x8192xi32, #tpu.memory_space<hbm>> -> memref<2x8192xi32, #tpu.memory_space<hbm>>
    tpu.enqueue_dma source(%dma_start3A_23 : memref<2x8192xi32, #tpu.memory_space<hbm>>) target(%dma_start3A_21 : memref<2x8192xi32, #tpu.memory_space<vmem>>) target_semaphore(%arg8 : memref<!tpu.dma_semaphore, #tpu.memory_space<semaphore_mem>>)
    %broadcast_in_dim3A = arith.constant 0.000000e+00 : f32
    %broadcast_in_dim3A_24 = vector.broadcast %broadcast_in_dim3A : f32 to vector<16xf32>
    %swap3A = arith.constant 0 : index
    %swap3A_25 = tpu.vector_load %arg5[%swap3A] {strides = array<i32>} : memref<4096xf32, #tpu.memory_space<vmem>>, vector<16xf32>,
    tpu.vector_store %arg5[%swap3A], %broadcast_in_dim3A_24 {strides = array<i32>} : memref<4096xf32, #tpu.memory_space<vmem>>, vector<16xf32>,
    %swap3A_26 = arith.constant 16 : index
    %swap3A_27 = tpu.vector_load %arg5[%swap3A_26] {strides = array<i32>} : memref<4096xf32, #tpu.memory_space<vmem>>, vector<16xf32>,
    tpu.vector_store %arg5[%swap3A_26], %broadcast_in_dim3A_24 {strides = array<i32>} : memref<4096xf32, #tpu.memory_space<vmem>>, vector<16xf32>,
    %swap3A_28 = arith.constant 32 : index
    %swap3A_29 = tpu.vector_load %arg5[%swap3A_28] {strides = array<i32>} : memref<4096xf32, #tpu.memory_space<vmem>>, vector<16xf32>,
    tpu.vector_store %arg5[%swap3A_28], %broadcast_in_dim3A_24 {strides = array<i32>} : memref<4096xf32, #tpu.memory_space<vmem>>, vector<16xf32>,
    %swap3A_30 = arith.constant 48 : index
    %swap3A_31 = tpu.vector_load %arg5[%swap3A_30] {strides = array<i32>} : memref<4096xf32, #tpu.memory_space<vmem>>, vector<16xf32>,
    tpu.vector_store %arg5[%swap3A_30], %broadcast_in_dim3A_24 {strides = array<i32>} : memref<4096xf32, #tpu.memory_space<vmem>>, vector<16xf32>,
    %swap3A_32 = arith.constant 64 : index
    %swap3A_33 = tpu.vector_load %arg5[%swap3A_32] {strides = array<i32>} : memref<4096xf32, #tpu.memory_space<vmem>>, vector<16xf32>,
    tpu.vector_store %arg5[%swap3A_32], %broadcast_in_dim3A_24 {strides = array<i32>} : memref<4096xf32, #tpu.memory_space<vmem>>, vector<16xf32>,
    %swap3A_34 = arith.constant 80 : index
    %swap3A_35 = tpu.vector_load %arg5[%swap3A_34] {strides = array<i32>} : memref<4096xf32, #tpu.memory_space<vmem>>, vector<16xf32>,
    tpu.vector_store %arg5[%swap3A_34], %broadcast_in_dim3A_24 {strides = array<i32>} : memref<4096xf32, #tpu.memory_space<vmem>>, vector<16xf32>,
    %swap3A_36 = arith.constant 96 : index
    %swap3A_37 = tpu.vector_load %arg5[%swap3A_36] {strides = array<i32>} : memref<4096xf32, #tpu.memory_space<vmem>>, vector<16xf32>,
    tpu.vector_store %arg5[%swap3A_36], %broadcast_in_dim3A_24 {strides = array<i32>} : memref<4096xf32, #tpu.memory_space<vmem>>, vector<16xf32>,
    %swap3A_38 = arith.constant 112 : index
    %swap3A_39 = tpu.vector_load %arg5[%swap3A_38] {strides = array<i32>} : memref<4096xf32, #tpu.memory_space<vmem>>, vector<16xf32>,
    tpu.vector_store %arg5[%swap3A_38], %broadcast_in_dim3A_24 {strides = array<i32>} : memref<4096xf32, #tpu.memory_space<vmem>>, vector<16xf32>,
    %swap3A_40 = arith.constant 128 : index
    %swap3A_41 = tpu.vector_load %arg5[%swap3A_40] {strides = array<i32>} : memref<4096xf32, #tpu.memory_space<vmem>>, vector<16xf32>,
    tpu.vector_store %arg5[%swap3A_40], %broadcast_in_dim3A_24 {strides = array<i32>} : memref<4096xf32, #tpu.memory_space<vmem>>, vector<16xf32>,
    %swap3A_42 = arith.constant 144 : index
    %swap3A_43 = tpu.vector_load %arg5[%swap3A_42] {strides = array<i32>} : memref<4096xf32, #tpu.memory_space<vmem>>, vector<16xf32>,
    tpu.vector_store %arg5[%swap3A_42], %broadcast_in_dim3A_24 {strides = array<i32>} : memref<4096xf32, #tpu.memory_space<vmem>>, vector<16xf32>,
    %swap3A_44 = arith.constant 160 : index
    %swap3A_45 = tpu.vector_load %arg5[%swap3A_44] {strides = array<i32>} : memref<4096xf32, #tpu.memory_space<vmem>>, vector<16xf32>,
    tpu.vector_store %arg5[%swap3A_44], %broadcast_in_dim3A_24 {strides = array<i32>} : memref<4096xf32, #tpu.memory_space<vmem>>, vector<16xf32>,
    %swap3A_46 = arith.constant 176 : index
    %swap3A_47 = tpu.vector_load %arg5[%swap3A_46] {strides = array<i32>} : memref<4096xf32, #tpu.memory_space<vmem>>, vector<16xf32>,
    tpu.vector_store %arg5[%swap3A_46], %broadcast_in_dim3A_24 {strides = array<i32>} : memref<4096xf32, #tpu.memory_space<vmem>>, vector<16xf32>,
    %swap3A_48 = arith.constant 192 : index
    %swap3A_49 = tpu.vector_load %arg5[%swap3A_48] {strides = array<i32>} : memref<4096xf32, #tpu.memory_space<vmem>>, vector<16xf32>,
    tpu.vector_store %arg5[%swap3A_48], %broadcast_in_dim3A_24 {strides = array<i32>} : memref<4096xf32, #tpu.memory_space<vmem>>, vector<16xf32>,
    %swap3A_50 = arith.constant 208 : index
    %swap3A_51 = tpu.vector_load %arg5[%swap3A_50] {strides = array<i32>} : memref<4096xf32, #tpu.memory_space<vmem>>, vector<16xf32>,
    tpu.vector_store %arg5[%swap3A_50], %broadcast_in_dim3A_24 {strides = array<i32>} : memref<4096xf32, #tpu.memory_space<vmem>>, vector<16xf32>,
    %swap3A_52 = arith.constant 224 : index
    %swap3A_53 = tpu.vector_load %arg5[%swap3A_52] {strides = array<i32>} : memref<4096xf32, #tpu.memory_space<vmem>>, vector<16xf32>,
    tpu.vector_store %arg5[%swap3A_52], %broadcast_in_dim3A_24 {strides = array<i32>} : memref<4096xf32, #tpu.memory_space<vmem>>, vector<16xf32>,
    %swap3A_54 = arith.constant 240 : index
    %swap3A_55 = tpu.vector_load %arg5[%swap3A_54] {strides = array<i32>} : memref<4096xf32, #tpu.memory_space<vmem>>, vector<16xf32>,
    tpu.vector_store %arg5[%swap3A_54], %broadcast_in_dim3A_24 {strides = array<i32>} : memref<4096xf32, #tpu.memory_space<vmem>>, vector<16xf32>,
    %swap3A_56 = arith.constant 256 : index
    %swap3A_57 = tpu.vector_load %arg5[%swap3A_56] {strides = array<i32>} : memref<4096xf32, #tpu.memory_space<vmem>>, vector<16xf32>,
    tpu.vector_store %arg5[%swap3A_56], %broadcast_in_dim3A_24 {strides = array<i32>} : memref<4096xf32, #tpu.memory_space<vmem>>, vector<16xf32>,
    %swap3A_58 = arith.constant 272 : index
    %swap3A_59 = tpu.vector_load %arg5[%swap3A_58] {strides = array<i32>} : memref<4096xf32, #tpu.memory_space<vmem>>, vector<16xf32>,
    tpu.vector_store %arg5[%swap3A_58], %broadcast_in_dim3A_24 {strides = array<i32>} : memref<4096xf32, #tpu.memory_space<vmem>>, vector<16xf32>,
    %swap3A_60 = arith.constant 288 : index
    %swap3A_61 = tpu.vector_load %arg5[%swap3A_60] {strides = array<i32>} : memref<4096xf32, #tpu.memory_space<vmem>>, vector<16xf32>,
    tpu.vector_store %arg5[%swap3A_60], %broadcast_in_dim3A_24 {strides = array<i32>} : memref<4096xf32, #tpu.memory_space<vmem>>, vector<16xf32>,
    %swap3A_62 = arith.constant 304 : index
    %swap3A_63 = tpu.vector_load %arg5[%swap3A_62] {strides = array<i32>} : memref<4096xf32, #tpu.memory_space<vmem>>, vector<16xf32>,
    tpu.vector_store %arg5[%swap3A_62], %broadcast_in_dim3A_24 {strides = array<i32>} : memref<4096xf32, #tpu.memory_space<vmem>>, vector<16xf32>,
    %swap3A_64 = arith.constant 320 : index
    %swap3A_65 = tpu.vector_load %arg5[%swap3A_64] {strides = array<i32>} : memref<4096xf32, #tpu.memory_space<vmem>>, vector<16xf32>,
    tpu.vector_store %arg5[%swap3A_64], %broadcast_in_dim3A_24 {strides = array<i32>} : memref<4096xf32, #tpu.memory_space<vmem>>, vector<16xf32>,
    %swap3A_66 = arith.constant 336 : index
    %swap3A_67 = tpu.vector_load %arg5[%swap3A_66] {strides = array<i32>} : memref<4096xf32, #tpu.memory_space<vmem>>, vector<16xf32>,
    tpu.vector_store %arg5[%swap3A_66], %broadcast_in_dim3A_24 {strides = array<i32>} : memref<4096xf32, #tpu.memory_space<vmem>>, vector<16xf32>,
    %swap3A_68 = arith.constant 352 : index
    %swap3A_69 = tpu.vector_load %arg5[%swap3A_68] {strides = array<i32>} : memref<4096xf32, #tpu.memory_space<vmem>>, vector<16xf32>,
    tpu.vector_store %arg5[%swap3A_68], %broadcast_in_dim3A_24 {strides = array<i32>} : memref<4096xf32, #tpu.memory_space<vmem>>, vector<16xf32>,
    %swap3A_70 = arith.constant 368 : index
    %swap3A_71 = tpu.vector_load %arg5[%swap3A_70] {strides = array<i32>} : memref<4096xf32, #tpu.memory_space<vmem>>, vector<16xf32>,
    tpu.vector_store %arg5[%swap3A_70], %broadcast_in_dim3A_24 {strides = array<i32>} : memref<4096xf32, #tpu.memory_space<vmem>>, vector<16xf32>,
    %swap3A_72 = arith.constant 384 : index
    %swap3A_73 = tpu.vector_load %arg5[%swap3A_72] {strides = array<i32>} : memref<4096xf32, #tpu.memory_space<vmem>>, vector<16xf32>,
    tpu.vector_store %arg5[%swap3A_72], %broadcast_in_dim3A_24 {strides = array<i32>} : memref<4096xf32, #tpu.memory_space<vmem>>, vector<16xf32>,
    %swap3A_74 = arith.constant 400 : index
    %swap3A_75 = tpu.vector_load %arg5[%swap3A_74] {strides = array<i32>} : memref<4096xf32, #tpu.memory_space<vmem>>, vector<16xf32>,
    tpu.vector_store %arg5[%swap3A_74], %broadcast_in_dim3A_24 {strides = array<i32>} : memref<4096xf32, #tpu.memory_space<vmem>>, vector<16xf32>,
    %swap3A_76 = arith.constant 416 : index
    %swap3A_77 = tpu.vector_load %arg5[%swap3A_76] {strides = array<i32>} : memref<4096xf32, #tpu.memory_space<vmem>>, vector<16xf32>,
    tpu.vector_store %arg5[%swap3A_76], %broadcast_in_dim3A_24 {strides = array<i32>} : memref<4096xf32, #tpu.memory_space<vmem>>, vector<16xf32>,
    %swap3A_78 = arith.constant 432 : index
    %swap3A_79 = tpu.vector_load %arg5[%swap3A_78] {strides = array<i32>} : memref<4096xf32, #tpu.memory_space<vmem>>, vector<16xf32>,
    tpu.vector_store %arg5[%swap3A_78], %broadcast_in_dim3A_24 {strides = array<i32>} : memref<4096xf32, #tpu.memory_space<vmem>>, vector<16xf32>,
    %swap3A_80 = arith.constant 448 : index
    %swap3A_81 = tpu.vector_load %arg5[%swap3A_80] {strides = array<i32>} : memref<4096xf32, #tpu.memory_space<vmem>>, vector<16xf32>,
    tpu.vector_store %arg5[%swap3A_80], %broadcast_in_dim3A_24 {strides = array<i32>} : memref<4096xf32, #tpu.memory_space<vmem>>, vector<16xf32>,
    %swap3A_82 = arith.constant 464 : index
    %swap3A_83 = tpu.vector_load %arg5[%swap3A_82] {strides = array<i32>} : memref<4096xf32, #tpu.memory_space<vmem>>, vector<16xf32>,
    tpu.vector_store %arg5[%swap3A_82], %broadcast_in_dim3A_24 {strides = array<i32>} : memref<4096xf32, #tpu.memory_space<vmem>>, vector<16xf32>,
    %swap3A_84 = arith.constant 480 : index
    %swap3A_85 = tpu.vector_load %arg5[%swap3A_84] {strides = array<i32>} : memref<4096xf32, #tpu.memory_space<vmem>>, vector<16xf32>,
    tpu.vector_store %arg5[%swap3A_84], %broadcast_in_dim3A_24 {strides = array<i32>} : memref<4096xf32, #tpu.memory_space<vmem>>, vector<16xf32>,
    %swap3A_86 = arith.constant 496 : index
    %swap3A_87 = tpu.vector_load %arg5[%swap3A_86] {strides = array<i32>} : memref<4096xf32, #tpu.memory_space<vmem>>, vector<16xf32>,
    tpu.vector_store %arg5[%swap3A_86], %broadcast_in_dim3A_24 {strides = array<i32>} : memref<4096xf32, #tpu.memory_space<vmem>>, vector<16xf32>,
    %swap3A_88 = arith.constant 512 : index
    %swap3A_89 = tpu.vector_load %arg5[%swap3A_88] {strides = array<i32>} : memref<4096xf32, #tpu.memory_space<vmem>>, vector<16xf32>,
    tpu.vector_store %arg5[%swap3A_88], %broadcast_in_dim3A_24 {strides = array<i32>} : memref<4096xf32, #tpu.memory_space<vmem>>, vector<16xf32>,
    %swap3A_90 = arith.constant 528 : index
    %swap3A_91 = tpu.vector_load %arg5[%swap3A_90] {strides = array<i32>} : memref<4096xf32, #tpu.memory_space<vmem>>, vector<16xf32>,
    tpu.vector_store %arg5[%swap3A_90], %broadcast_in_dim3A_24 {strides = array<i32>} : memref<4096xf32, #tpu.memory_space<vmem>>, vector<16xf32>,
    %swap3A_92 = arith.constant 544 : index
    %swap3A_93 = tpu.vector_load %arg5[%swap3A_92] {strides = array<i32>} : memref<4096xf32, #tpu.memory_space<vmem>>, vector<16xf32>,
    tpu.vector_store %arg5[%swap3A_92], %broadcast_in_dim3A_24 {strides = array<i32>} : memref<4096xf32, #tpu.memory_space<vmem>>, vector<16xf32>,
    %swap3A_94 = arith.constant 560 : index
    %swap3A_95 = tpu.vector_load %arg5[%swap3A_94] {strides = array<i32>} : memref<4096xf32, #tpu.memory_space<vmem>>, vector<16xf32>,
    tpu.vector_store %arg5[%swap3A_94], %broadcast_in_dim3A_24 {strides = array<i32>} : memref<4096xf32, #tpu.memory_space<vmem>>, vector<16xf32>,
    %swap3A_96 = arith.constant 576 : index
    %swap3A_97 = tpu.vector_load %arg5[%swap3A_96] {strides = array<i32>} : memref<4096xf32, #tpu.memory_space<vmem>>, vector<16xf32>,
    tpu.vector_store %arg5[%swap3A_96], %broadcast_in_dim3A_24 {strides = array<i32>} : memref<4096xf32, #tpu.memory_space<vmem>>, vector<16xf32>,
    %swap3A_98 = arith.constant 592 : index
    %swap3A_99 = tpu.vector_load %arg5[%swap3A_98] {strides = array<i32>} : memref<4096xf32, #tpu.memory_space<vmem>>, vector<16xf32>,
    tpu.vector_store %arg5[%swap3A_98], %broadcast_in_dim3A_24 {strides = array<i32>} : memref<4096xf32, #tpu.memory_space<vmem>>, vector<16xf32>,
    %swap3A_100 = arith.constant 608 : index
    %swap3A_101 = tpu.vector_load %arg5[%swap3A_100] {strides = array<i32>} : memref<4096xf32, #tpu.memory_space<vmem>>, vector<16xf32>,
    tpu.vector_store %arg5[%swap3A_100], %broadcast_in_dim3A_24 {strides = array<i32>} : memref<4096xf32, #tpu.memory_space<vmem>>, vector<16xf32>,
    %swap3A_102 = arith.constant 624 : index
    %swap3A_103 = tpu.vector_load %arg5[%swap3A_102] {strides = array<i32>} : memref<4096xf32, #tpu.memory_space<vmem>>, vector<16xf32>,
    tpu.vector_store %arg5[%swap3A_102], %broadcast_in_dim3A_24 {strides = array<i32>} : memref<4096xf32, #tpu.memory_space<vmem>>, vector<16xf32>,
    %swap3A_104 = arith.constant 640 : index
    %swap3A_105 = tpu.vector_load %arg5[%swap3A_104] {strides = array<i32>} : memref<4096xf32, #tpu.memory_space<vmem>>, vector<16xf32>,
    tpu.vector_store %arg5[%swap3A_104], %broadcast_in_dim3A_24 {strides = array<i32>} : memref<4096xf32, #tpu.memory_space<vmem>>, vector<16xf32>,
    %swap3A_106 = arith.constant 656 : index
    %swap3A_107 = tpu.vector_load %arg5[%swap3A_106] {strides = array<i32>} : memref<4096xf32, #tpu.memory_space<vmem>>, vector<16xf32>,
    tpu.vector_store %arg5[%swap3A_106], %broadcast_in_dim3A_24 {strides = array<i32>} : memref<4096xf32, #tpu.memory_space<vmem>>, vector<16xf32>,
    %swap3A_108 = arith.constant 672 : index
    %swap3A_109 = tpu.vector_load %arg5[%swap3A_108] {strides = array<i32>} : memref<4096xf32, #tpu.memory_space<vmem>>, vector<16xf32>,
    tpu.vector_store %arg5[%swap3A_108], %broadcast_in_dim3A_24 {strides = array<i32>} : memref<4096xf32, #tpu.memory_space<vmem>>, vector<16xf32>,
    %swap3A_110 = arith.constant 688 : index
    %swap3A_111 = tpu.vector_load %arg5[%swap3A_110] {strides = array<i32>} : memref<4096xf32, #tpu.memory_space<vmem>>, vector<16xf32>,
    tpu.vector_store %arg5[%swap3A_110], %broadcast_in_dim3A_24 {strides = array<i32>} : memref<4096xf32, #tpu.memory_space<vmem>>, vector<16xf32>,
    %swap3A_112 = arith.constant 704 : index
    %swap3A_113 = tpu.vector_load %arg5[%swap3A_112] {strides = array<i32>} : memref<4096xf32, #tpu.memory_space<vmem>>, vector<16xf32>,
    tpu.vector_store %arg5[%swap3A_112], %broadcast_in_dim3A_24 {strides = array<i32>} : memref<4096xf32, #tpu.memory_space<vmem>>, vector<16xf32>,
    %swap3A_114 = arith.constant 720 : index
    %swap3A_115 = tpu.vector_load %arg5[%swap3A_114] {strides = array<i32>} : memref<4096xf32, #tpu.memory_space<vmem>>, vector<16xf32>,
    tpu.vector_store %arg5[%swap3A_114], %broadcast_in_dim3A_24 {strides = array<i32>} : memref<4096xf32, #tpu.memory_space<vmem>>, vector<16xf32>,
    %swap3A_116 = arith.constant 736 : index
    %swap3A_117 = tpu.vector_load %arg5[%swap3A_116] {strides = array<i32>} : memref<4096xf32, #tpu.memory_space<vmem>>, vector<16xf32>,
    tpu.vector_store %arg5[%swap3A_116], %broadcast_in_dim3A_24 {strides = array<i32>} : memref<4096xf32, #tpu.memory_space<vmem>>, vector<16xf32>,
    %swap3A_118 = arith.constant 752 : index
    %swap3A_119 = tpu.vector_load %arg5[%swap3A_118] {strides = array<i32>} : memref<4096xf32, #tpu.memory_space<vmem>>, vector<16xf32>,
    tpu.vector_store %arg5[%swap3A_118], %broadcast_in_dim3A_24 {strides = array<i32>} : memref<4096xf32, #tpu.memory_space<vmem>>, vector<16xf32>,
    %swap3A_120 = arith.constant 768 : index
    %swap3A_121 = tpu.vector_load %arg5[%swap3A_120] {strides = array<i32>} : memref<4096xf32, #tpu.memory_space<vmem>>, vector<16xf32>,
    tpu.vector_store %arg5[%swap3A_120], %broadcast_in_dim3A_24 {strides = array<i32>} : memref<4096xf32, #tpu.memory_space<vmem>>, vector<16xf32>,
    %swap3A_122 = arith.constant 784 : index
    %swap3A_123 = tpu.vector_load %arg5[%swap3A_122] {strides = array<i32>} : memref<4096xf32, #tpu.memory_space<vmem>>, vector<16xf32>,
    tpu.vector_store %arg5[%swap3A_122], %broadcast_in_dim3A_24 {strides = array<i32>} : memref<4096xf32, #tpu.memory_space<vmem>>, vector<16xf32>,
    %swap3A_124 = arith.constant 800 : index
    %swap3A_125 = tpu.vector_load %arg5[%swap3A_124] {strides = array<i32>} : memref<4096xf32, #tpu.memory_space<vmem>>, vector<16xf32>,
    tpu.vector_store %arg5[%swap3A_124], %broadcast_in_dim3A_24 {strides = array<i32>} : memref<4096xf32, #tpu.memory_space<vmem>>, vector<16xf32>,
    %swap3A_126 = arith.constant 816 : index
    %swap3A_127 = tpu.vector_load %arg5[%swap3A_126] {strides = array<i32>} : memref<4096xf32, #tpu.memory_space<vmem>>, vector<16xf32>,
    tpu.vector_store %arg5[%swap3A_126], %broadcast_in_dim3A_24 {strides = array<i32>} : memref<4096xf32, #tpu.memory_space<vmem>>, vector<16xf32>,
    %swap3A_128 = arith.constant 832 : index
    %swap3A_129 = tpu.vector_load %arg5[%swap3A_128] {strides = array<i32>} : memref<4096xf32, #tpu.memory_space<vmem>>, vector<16xf32>,
    tpu.vector_store %arg5[%swap3A_128], %broadcast_in_dim3A_24 {strides = array<i32>} : memref<4096xf32, #tpu.memory_space<vmem>>, vector<16xf32>,
    %swap3A_130 = arith.constant 848 : index
    %swap3A_131 = tpu.vector_load %arg5[%swap3A_130] {strides = array<i32>} : memref<4096xf32, #tpu.memory_space<vmem>>, vector<16xf32>,
    tpu.vector_store %arg5[%swap3A_130], %broadcast_in_dim3A_24 {strides = array<i32>} : memref<4096xf32, #tpu.memory_space<vmem>>, vector<16xf32>,
    %swap3A_132 = arith.constant 864 : index
    %swap3A_133 = tpu.vector_load %arg5[%swap3A_132] {strides = array<i32>} : memref<4096xf32, #tpu.memory_space<vmem>>, vector<16xf32>,
    tpu.vector_store %arg5[%swap3A_132], %broadcast_in_dim3A_24 {strides = array<i32>} : memref<4096xf32, #tpu.memory_space<vmem>>, vector<16xf32>,
    %swap3A_134 = arith.constant 880 : index
    %swap3A_135 = tpu.vector_load %arg5[%swap3A_134] {strides = array<i32>} : memref<4096xf32, #tpu.memory_space<vmem>>, vector<16xf32>,
    tpu.vector_store %arg5[%swap3A_134], %broadcast_in_dim3A_24 {strides = array<i32>} : memref<4096xf32, #tpu.memory_space<vmem>>, vector<16xf32>,
    %swap3A_136 = arith.constant 896 : index
    %swap3A_137 = tpu.vector_load %arg5[%swap3A_136] {strides = array<i32>} : memref<4096xf32, #tpu.memory_space<vmem>>, vector<16xf32>,
    tpu.vector_store %arg5[%swap3A_136], %broadcast_in_dim3A_24 {strides = array<i32>} : memref<4096xf32, #tpu.memory_space<vmem>>, vector<16xf32>,
    %swap3A_138 = arith.constant 912 : index
    %swap3A_139 = tpu.vector_load %arg5[%swap3A_138] {strides = array<i32>} : memref<4096xf32, #tpu.memory_space<vmem>>, vector<16xf32>,
    tpu.vector_store %arg5[%swap3A_138], %broadcast_in_dim3A_24 {strides = array<i32>} : memref<4096xf32, #tpu.memory_space<vmem>>, vector<16xf32>,
    %swap3A_140 = arith.constant 928 : index
    %swap3A_141 = tpu.vector_load %arg5[%swap3A_140] {strides = array<i32>} : memref<4096xf32, #tpu.memory_space<vmem>>, vector<16xf32>,
    tpu.vector_store %arg5[%swap3A_140], %broadcast_in_dim3A_24 {strides = array<i32>} : memref<4096xf32, #tpu.memory_space<vmem>>, vector<16xf32>,
    %swap3A_142 = arith.constant 944 : index
    %swap3A_143 = tpu.vector_load %arg5[%swap3A_142] {strides = array<i32>} : memref<4096xf32, #tpu.memory_space<vmem>>, vector<16xf32>,
    tpu.vector_store %arg5[%swap3A_142], %broadcast_in_dim3A_24 {strides = array<i32>} : memref<4096xf32, #tpu.memory_space<vmem>>, vector<16xf32>,
    %swap3A_144 = arith.constant 960 : index
    %swap3A_145 = tpu.vector_load %arg5[%swap3A_144] {strides = array<i32>} : memref<4096xf32, #tpu.memory_space<vmem>>, vector<16xf32>,
    tpu.vector_store %arg5[%swap3A_144], %broadcast_in_dim3A_24 {strides = array<i32>} : memref<4096xf32, #tpu.memory_space<vmem>>, vector<16xf32>,
    %swap3A_146 = arith.constant 976 : index
    %swap3A_147 = tpu.vector_load %arg5[%swap3A_146] {strides = array<i32>} : memref<4096xf32, #tpu.memory_space<vmem>>, vector<16xf32>,
    tpu.vector_store %arg5[%swap3A_146], %broadcast_in_dim3A_24 {strides = array<i32>} : memref<4096xf32, #tpu.memory_space<vmem>>, vector<16xf32>,
    %swap3A_148 = arith.constant 992 : index
    %swap3A_149 = tpu.vector_load %arg5[%swap3A_148] {strides = array<i32>} : memref<4096xf32, #tpu.memory_space<vmem>>, vector<16xf32>,
    tpu.vector_store %arg5[%swap3A_148], %broadcast_in_dim3A_24 {strides = array<i32>} : memref<4096xf32, #tpu.memory_space<vmem>>, vector<16xf32>,
    %swap3A_150 = arith.constant 1008 : index
    %swap3A_151 = tpu.vector_load %arg5[%swap3A_150] {strides = array<i32>} : memref<4096xf32, #tpu.memory_space<vmem>>, vector<16xf32>,
    tpu.vector_store %arg5[%swap3A_150], %broadcast_in_dim3A_24 {strides = array<i32>} : memref<4096xf32, #tpu.memory_space<vmem>>, vector<16xf32>,
    %swap3A_152 = arith.constant 1024 : index
    %swap3A_153 = tpu.vector_load %arg5[%swap3A_152] {strides = array<i32>} : memref<4096xf32, #tpu.memory_space<vmem>>, vector<16xf32>,
    tpu.vector_store %arg5[%swap3A_152], %broadcast_in_dim3A_24 {strides = array<i32>} : memref<4096xf32, #tpu.memory_space<vmem>>, vector<16xf32>,
    %swap3A_154 = arith.constant 1040 : index
    %swap3A_155 = tpu.vector_load %arg5[%swap3A_154] {strides = array<i32>} : memref<4096xf32, #tpu.memory_space<vmem>>, vector<16xf32>,
    tpu.vector_store %arg5[%swap3A_154], %broadcast_in_dim3A_24 {strides = array<i32>} : memref<4096xf32, #tpu.memory_space<vmem>>, vector<16xf32>,
    %swap3A_156 = arith.constant 1056 : index
    %swap3A_157 = tpu.vector_load %arg5[%swap3A_156] {strides = array<i32>} : memref<4096xf32, #tpu.memory_space<vmem>>, vector<16xf32>,
    tpu.vector_store %arg5[%swap3A_156], %broadcast_in_dim3A_24 {strides = array<i32>} : memref<4096xf32, #tpu.memory_space<vmem>>, vector<16xf32>,
    %swap3A_158 = arith.constant 1072 : index
    %swap3A_159 = tpu.vector_load %arg5[%swap3A_158] {strides = array<i32>} : memref<4096xf32, #tpu.memory_space<vmem>>, vector<16xf32>,
    tpu.vector_store %arg5[%swap3A_158], %broadcast_in_dim3A_24 {strides = array<i32>} : memref<4096xf32, #tpu.memory_space<vmem>>, vector<16xf32>,
    %swap3A_160 = arith.constant 1088 : index
    %swap3A_161 = tpu.vector_load %arg5[%swap3A_160] {strides = array<i32>} : memref<4096xf32, #tpu.memory_space<vmem>>, vector<16xf32>,
    tpu.vector_store %arg5[%swap3A_160], %broadcast_in_dim3A_24 {strides = array<i32>} : memref<4096xf32, #tpu.memory_space<vmem>>, vector<16xf32>,
    %swap3A_162 = arith.constant 1104 : index
    %swap3A_163 = tpu.vector_load %arg5[%swap3A_162] {strides = array<i32>} : memref<4096xf32, #tpu.memory_space<vmem>>, vector<16xf32>,
    tpu.vector_store %arg5[%swap3A_162], %broadcast_in_dim3A_24 {strides = array<i32>} : memref<4096xf32, #tpu.memory_space<vmem>>, vector<16xf32>,
    %swap3A_164 = arith.constant 1120 : index
    %swap3A_165 = tpu.vector_load %arg5[%swap3A_164] {strides = array<i32>} : memref<4096xf32, #tpu.memory_space<vmem>>, vector<16xf32>,
    tpu.vector_store %arg5[%swap3A_164], %broadcast_in_dim3A_24 {strides = array<i32>} : memref<4096xf32, #tpu.memory_space<vmem>>, vector<16xf32>,
    %swap3A_166 = arith.constant 1136 : index
    %swap3A_167 = tpu.vector_load %arg5[%swap3A_166] {strides = array<i32>} : memref<4096xf32, #tpu.memory_space<vmem>>, vector<16xf32>,
    tpu.vector_store %arg5[%swap3A_166], %broadcast_in_dim3A_24 {strides = array<i32>} : memref<4096xf32, #tpu.memory_space<vmem>>, vector<16xf32>,
    %swap3A_168 = arith.constant 1152 : index
    %swap3A_169 = tpu.vector_load %arg5[%swap3A_168] {strides = array<i32>} : memref<4096xf32, #tpu.memory_space<vmem>>, vector<16xf32>,
    tpu.vector_store %arg5[%swap3A_168], %broadcast_in_dim3A_24 {strides = array<i32>} : memref<4096xf32, #tpu.memory_space<vmem>>, vector<16xf32>,
    %swap3A_170 = arith.constant 1168 : index
    %swap3A_171 = tpu.vector_load %arg5[%swap3A_170] {strides = array<i32>} : memref<4096xf32, #tpu.memory_space<vmem>>, vector<16xf32>,
    tpu.vector_store %arg5[%swap3A_170], %broadcast_in_dim3A_24 {strides = array<i32>} : memref<4096xf32, #tpu.memory_space<vmem>>, vector<16xf32>,
    %swap3A_172 = arith.constant 1184 : index
    %swap3A_173 = tpu.vector_load %arg5[%swap3A_172] {strides = array<i32>} : memref<4096xf32, #tpu.memory_space<vmem>>, vector<16xf32>,
    tpu.vector_store %arg5[%swap3A_172], %broadcast_in_dim3A_24 {strides = array<i32>} : memref<4096xf32, #tpu.memory_space<vmem>>, vector<16xf32>,
    %swap3A_174 = arith.constant 1200 : index
    %swap3A_175 = tpu.vector_load %arg5[%swap3A_174] {strides = array<i32>} : memref<4096xf32, #tpu.memory_space<vmem>>, vector<16xf32>,
    tpu.vector_store %arg5[%swap3A_174], %broadcast_in_dim3A_24 {strides = array<i32>} : memref<4096xf32, #tpu.memory_space<vmem>>, vector<16xf32>,
    %swap3A_176 = arith.constant 1216 : index
    %swap3A_177 = tpu.vector_load %arg5[%swap3A_176] {strides = array<i32>} : memref<4096xf32, #tpu.memory_space<vmem>>, vector<16xf32>,
    tpu.vector_store %arg5[%swap3A_176], %broadcast_in_dim3A_24 {strides = array<i32>} : memref<4096xf32, #tpu.memory_space<vmem>>, vector<16xf32>,
    %swap3A_178 = arith.constant 1232 : index
    %swap3A_179 = tpu.vector_load %arg5[%swap3A_178] {strides = array<i32>} : memref<4096xf32, #tpu.memory_space<vmem>>, vector<16xf32>,
    tpu.vector_store %arg5[%swap3A_178], %broadcast_in_dim3A_24 {strides = array<i32>} : memref<4096xf32, #tpu.memory_space<vmem>>, vector<16xf32>,
    %swap3A_180 = arith.constant 1248 : index
    %swap3A_181 = tpu.vector_load %arg5[%swap3A_180] {strides = array<i32>} : memref<4096xf32, #tpu.memory_space<vmem>>, vector<16xf32>,
    tpu.vector_store %arg5[%swap3A_180], %broadcast_in_dim3A_24 {strides = array<i32>} : memref<4096xf32, #tpu.memory_space<vmem>>, vector<16xf32>,
    %swap3A_182 = arith.constant 1264 : index
    %swap3A_183 = tpu.vector_load %arg5[%swap3A_182] {strides = array<i32>} : memref<4096xf32, #tpu.memory_space<vmem>>, vector<16xf32>,
    tpu.vector_store %arg5[%swap3A_182], %broadcast_in_dim3A_24 {strides = array<i32>} : memref<4096xf32, #tpu.memory_space<vmem>>, vector<16xf32>,
    %swap3A_184 = arith.constant 1280 : index
    %swap3A_185 = tpu.vector_load %arg5[%swap3A_184] {strides = array<i32>} : memref<4096xf32, #tpu.memory_space<vmem>>, vector<16xf32>,
    tpu.vector_store %arg5[%swap3A_184], %broadcast_in_dim3A_24 {strides = array<i32>} : memref<4096xf32, #tpu.memory_space<vmem>>, vector<16xf32>,
    %swap3A_186 = arith.constant 1296 : index
    %swap3A_187 = tpu.vector_load %arg5[%swap3A_186] {strides = array<i32>} : memref<4096xf32, #tpu.memory_space<vmem>>, vector<16xf32>,
    tpu.vector_store %arg5[%swap3A_186], %broadcast_in_dim3A_24 {strides = array<i32>} : memref<4096xf32, #tpu.memory_space<vmem>>, vector<16xf32>,
    %swap3A_188 = arith.constant 1312 : index
    %swap3A_189 = tpu.vector_load %arg5[%swap3A_188] {strides = array<i32>} : memref<4096xf32, #tpu.memory_space<vmem>>, vector<16xf32>,
    tpu.vector_store %arg5[%swap3A_188], %broadcast_in_dim3A_24 {strides = array<i32>} : memref<4096xf32, #tpu.memory_space<vmem>>, vector<16xf32>,
    %swap3A_190 = arith.constant 1328 : index
    %swap3A_191 = tpu.vector_load %arg5[%swap3A_190] {strides = array<i32>} : memref<4096xf32, #tpu.memory_space<vmem>>, vector<16xf32>,
    tpu.vector_store %arg5[%swap3A_190], %broadcast_in_dim3A_24 {strides = array<i32>} : memref<4096xf32, #tpu.memory_space<vmem>>, vector<16xf32>,
    %swap3A_192 = arith.constant 1344 : index
    %swap3A_193 = tpu.vector_load %arg5[%swap3A_192] {strides = array<i32>} : memref<4096xf32, #tpu.memory_space<vmem>>, vector<16xf32>,
    tpu.vector_store %arg5[%swap3A_192], %broadcast_in_dim3A_24 {strides = array<i32>} : memref<4096xf32, #tpu.memory_space<vmem>>, vector<16xf32>,
    %swap3A_194 = arith.constant 1360 : index
    %swap3A_195 = tpu.vector_load %arg5[%swap3A_194] {strides = array<i32>} : memref<4096xf32, #tpu.memory_space<vmem>>, vector<16xf32>,
    tpu.vector_store %arg5[%swap3A_194], %broadcast_in_dim3A_24 {strides = array<i32>} : memref<4096xf32, #tpu.memory_space<vmem>>, vector<16xf32>,
    %swap3A_196 = arith.constant 1376 : index
    %swap3A_197 = tpu.vector_load %arg5[%swap3A_196] {strides = array<i32>} : memref<4096xf32, #tpu.memory_space<vmem>>, vector<16xf32>,
    tpu.vector_store %arg5[%swap3A_196], %broadcast_in_dim3A_24 {strides = array<i32>} : memref<4096xf32, #tpu.memory_space<vmem>>, vector<16xf32>,
    %swap3A_198 = arith.constant 1392 : index
    %swap3A_199 = tpu.vector_load %arg5[%swap3A_198] {strides = array<i32>} : memref<4096xf32, #tpu.memory_space<vmem>>, vector<16xf32>,
    tpu.vector_store %arg5[%swap3A_198], %broadcast_in_dim3A_24 {strides = array<i32>} : memref<4096xf32, #tpu.memory_space<vmem>>, vector<16xf32>,
    %swap3A_200 = arith.constant 1408 : index
    %swap3A_201 = tpu.vector_load %arg5[%swap3A_200] {strides = array<i32>} : memref<4096xf32, #tpu.memory_space<vmem>>, vector<16xf32>,
    tpu.vector_store %arg5[%swap3A_200], %broadcast_in_dim3A_24 {strides = array<i32>} : memref<4096xf32, #tpu.memory_space<vmem>>, vector<16xf32>,
    %swap3A_202 = arith.constant 1424 : index
    %swap3A_203 = tpu.vector_load %arg5[%swap3A_202] {strides = array<i32>} : memref<4096xf32, #tpu.memory_space<vmem>>, vector<16xf32>,
    tpu.vector_store %arg5[%swap3A_202], %broadcast_in_dim3A_24 {strides = array<i32>} : memref<4096xf32, #tpu.memory_space<vmem>>, vector<16xf32>,
    %swap3A_204 = arith.constant 1440 : index
    %swap3A_205 = tpu.vector_load %arg5[%swap3A_204] {strides = array<i32>} : memref<4096xf32, #tpu.memory_space<vmem>>, vector<16xf32>,
    tpu.vector_store %arg5[%swap3A_204], %broadcast_in_dim3A_24 {strides = array<i32>} : memref<4096xf32, #tpu.memory_space<vmem>>, vector<16xf32>,
    %swap3A_206 = arith.constant 1456 : index
    %swap3A_207 = tpu.vector_load %arg5[%swap3A_206] {strides = array<i32>} : memref<4096xf32, #tpu.memory_space<vmem>>, vector<16xf32>,
    tpu.vector_store %arg5[%swap3A_206], %broadcast_in_dim3A_24 {strides = array<i32>} : memref<4096xf32, #tpu.memory_space<vmem>>, vector<16xf32>,
    %swap3A_208 = arith.constant 1472 : index
    %swap3A_209 = tpu.vector_load %arg5[%swap3A_208] {strides = array<i32>} : memref<4096xf32, #tpu.memory_space<vmem>>, vector<16xf32>,
    tpu.vector_store %arg5[%swap3A_208], %broadcast_in_dim3A_24 {strides = array<i32>} : memref<4096xf32, #tpu.memory_space<vmem>>, vector<16xf32>,
    %swap3A_210 = arith.constant 1488 : index
    %swap3A_211 = tpu.vector_load %arg5[%swap3A_210] {strides = array<i32>} : memref<4096xf32, #tpu.memory_space<vmem>>, vector<16xf32>,
    tpu.vector_store %arg5[%swap3A_210], %broadcast_in_dim3A_24 {strides = array<i32>} : memref<4096xf32, #tpu.memory_space<vmem>>, vector<16xf32>,
    %swap3A_212 = arith.constant 1504 : index
    %swap3A_213 = tpu.vector_load %arg5[%swap3A_212] {strides = array<i32>} : memref<4096xf32, #tpu.memory_space<vmem>>, vector<16xf32>,
    tpu.vector_store %arg5[%swap3A_212], %broadcast_in_dim3A_24 {strides = array<i32>} : memref<4096xf32, #tpu.memory_space<vmem>>, vector<16xf32>,
    %swap3A_214 = arith.constant 1520 : index
    %swap3A_215 = tpu.vector_load %arg5[%swap3A_214] {strides = array<i32>} : memref<4096xf32, #tpu.memory_space<vmem>>, vector<16xf32>,
    tpu.vector_store %arg5[%swap3A_214], %broadcast_in_dim3A_24 {strides = array<i32>} : memref<4096xf32, #tpu.memory_space<vmem>>, vector<16xf32>,
    %swap3A_216 = arith.constant 1536 : index
    %swap3A_217 = tpu.vector_load %arg5[%swap3A_216] {strides = array<i32>} : memref<4096xf32, #tpu.memory_space<vmem>>, vector<16xf32>,
    tpu.vector_store %arg5[%swap3A_216], %broadcast_in_dim3A_24 {strides = array<i32>} : memref<4096xf32, #tpu.memory_space<vmem>>, vector<16xf32>,
    %swap3A_218 = arith.constant 1552 : index
    %swap3A_219 = tpu.vector_load %arg5[%swap3A_218] {strides = array<i32>} : memref<4096xf32, #tpu.memory_space<vmem>>, vector<16xf32>,
    tpu.vector_store %arg5[%swap3A_218], %broadcast_in_dim3A_24 {strides = array<i32>} : memref<4096xf32, #tpu.memory_space<vmem>>, vector<16xf32>,
    %swap3A_220 = arith.constant 1568 : index
    %swap3A_221 = tpu.vector_load %arg5[%swap3A_220] {strides = array<i32>} : memref<4096xf32, #tpu.memory_space<vmem>>, vector<16xf32>,
    tpu.vector_store %arg5[%swap3A_220], %broadcast_in_dim3A_24 {strides = array<i32>} : memref<4096xf32, #tpu.memory_space<vmem>>, vector<16xf32>,
    %swap3A_222 = arith.constant 1584 : index
    %swap3A_223 = tpu.vector_load %arg5[%swap3A_222] {strides = array<i32>} : memref<4096xf32, #tpu.memory_space<vmem>>, vector<16xf32>,
    tpu.vector_store %arg5[%swap3A_222], %broadcast_in_dim3A_24 {strides = array<i32>} : memref<4096xf32, #tpu.memory_space<vmem>>, vector<16xf32>,
    %swap3A_224 = arith.constant 1600 : index
    %swap3A_225 = tpu.vector_load %arg5[%swap3A_224] {strides = array<i32>} : memref<4096xf32, #tpu.memory_space<vmem>>, vector<16xf32>,
    tpu.vector_store %arg5[%swap3A_224], %broadcast_in_dim3A_24 {strides = array<i32>} : memref<4096xf32, #tpu.memory_space<vmem>>, vector<16xf32>,
    %swap3A_226 = arith.constant 1616 : index
    %swap3A_227 = tpu.vector_load %arg5[%swap3A_226] {strides = array<i32>} : memref<4096xf32, #tpu.memory_space<vmem>>, vector<16xf32>,
    tpu.vector_store %arg5[%swap3A_226], %broadcast_in_dim3A_24 {strides = array<i32>} : memref<4096xf32, #tpu.memory_space<vmem>>, vector<16xf32>,
    %swap3A_228 = arith.constant 1632 : index
    %swap3A_229 = tpu.vector_load %arg5[%swap3A_228] {strides = array<i32>} : memref<4096xf32, #tpu.memory_space<vmem>>, vector<16xf32>,
    tpu.vector_store %arg5[%swap3A_228], %broadcast_in_dim3A_24 {strides = array<i32>} : memref<4096xf32, #tpu.memory_space<vmem>>, vector<16xf32>,
    %swap3A_230 = arith.constant 1648 : index
    %swap3A_231 = tpu.vector_load %arg5[%swap3A_230] {strides = array<i32>} : memref<4096xf32, #tpu.memory_space<vmem>>, vector<16xf32>,
    tpu.vector_store %arg5[%swap3A_230], %broadcast_in_dim3A_24 {strides = array<i32>} : memref<4096xf32, #tpu.memory_space<vmem>>, vector<16xf32>,
    %swap3A_232 = arith.constant 1664 : index
    %swap3A_233 = tpu.vector_load %arg5[%swap3A_232] {strides = array<i32>} : memref<4096xf32, #tpu.memory_space<vmem>>, vector<16xf32>,
    tpu.vector_store %arg5[%swap3A_232], %broadcast_in_dim3A_24 {strides = array<i32>} : memref<4096xf32, #tpu.memory_space<vmem>>, vector<16xf32>,
    %swap3A_234 = arith.constant 1680 : index
    %swap3A_235 = tpu.vector_load %arg5[%swap3A_234] {strides = array<i32>} : memref<4096xf32, #tpu.memory_space<vmem>>, vector<16xf32>,
    tpu.vector_store %arg5[%swap3A_234], %broadcast_in_dim3A_24 {strides = array<i32>} : memref<4096xf32, #tpu.memory_space<vmem>>, vector<16xf32>,
    %swap3A_236 = arith.constant 1696 : index
    %swap3A_237 = tpu.vector_load %arg5[%swap3A_236] {strides = array<i32>} : memref<4096xf32, #tpu.memory_space<vmem>>, vector<16xf32>,
    tpu.vector_store %arg5[%swap3A_236], %broadcast_in_dim3A_24 {strides = array<i32>} : memref<4096xf32, #tpu.memory_space<vmem>>, vector<16xf32>,
    %swap3A_238 = arith.constant 1712 : index
    %swap3A_239 = tpu.vector_load %arg5[%swap3A_238] {strides = array<i32>} : memref<4096xf32, #tpu.memory_space<vmem>>, vector<16xf32>,
    tpu.vector_store %arg5[%swap3A_238], %broadcast_in_dim3A_24 {strides = array<i32>} : memref<4096xf32, #tpu.memory_space<vmem>>, vector<16xf32>,
    %swap3A_240 = arith.constant 1728 : index
    %swap3A_241 = tpu.vector_load %arg5[%swap3A_240] {strides = array<i32>} : memref<4096xf32, #tpu.memory_space<vmem>>, vector<16xf32>,
    tpu.vector_store %arg5[%swap3A_240], %broadcast_in_dim3A_24 {strides = array<i32>} : memref<4096xf32, #tpu.memory_space<vmem>>, vector<16xf32>,
    %swap3A_242 = arith.constant 1744 : index
    %swap3A_243 = tpu.vector_load %arg5[%swap3A_242] {strides = array<i32>} : memref<4096xf32, #tpu.memory_space<vmem>>, vector<16xf32>,
    tpu.vector_store %arg5[%swap3A_242], %broadcast_in_dim3A_24 {strides = array<i32>} : memref<4096xf32, #tpu.memory_space<vmem>>, vector<16xf32>,
    %swap3A_244 = arith.constant 1760 : index
    %swap3A_245 = tpu.vector_load %arg5[%swap3A_244] {strides = array<i32>} : memref<4096xf32, #tpu.memory_space<vmem>>, vector<16xf32>,
    tpu.vector_store %arg5[%swap3A_244], %broadcast_in_dim3A_24 {strides = array<i32>} : memref<4096xf32, #tpu.memory_space<vmem>>, vector<16xf32>,
    %swap3A_246 = arith.constant 1776 : index
    %swap3A_247 = tpu.vector_load %arg5[%swap3A_246] {strides = array<i32>} : memref<4096xf32, #tpu.memory_space<vmem>>, vector<16xf32>,
    tpu.vector_store %arg5[%swap3A_246], %broadcast_in_dim3A_24 {strides = array<i32>} : memref<4096xf32, #tpu.memory_space<vmem>>, vector<16xf32>,
    %swap3A_248 = arith.constant 1792 : index
    %swap3A_249 = tpu.vector_load %arg5[%swap3A_248] {strides = array<i32>} : memref<4096xf32, #tpu.memory_space<vmem>>, vector<16xf32>,
    tpu.vector_store %arg5[%swap3A_248], %broadcast_in_dim3A_24 {strides = array<i32>} : memref<4096xf32, #tpu.memory_space<vmem>>, vector<16xf32>,
    %swap3A_250 = arith.constant 1808 : index
    %swap3A_251 = tpu.vector_load %arg5[%swap3A_250] {strides = array<i32>} : memref<4096xf32, #tpu.memory_space<vmem>>, vector<16xf32>,
    tpu.vector_store %arg5[%swap3A_250], %broadcast_in_dim3A_24 {strides = array<i32>} : memref<4096xf32, #tpu.memory_space<vmem>>, vector<16xf32>,
    %swap3A_252 = arith.constant 1824 : index
    %swap3A_253 = tpu.vector_load %arg5[%swap3A_252] {strides = array<i32>} : memref<4096xf32, #tpu.memory_space<vmem>>, vector<16xf32>,
    tpu.vector_store %arg5[%swap3A_252], %broadcast_in_dim3A_24 {strides = array<i32>} : memref<4096xf32, #tpu.memory_space<vmem>>, vector<16xf32>,
    %swap3A_254 = arith.constant 1840 : index
    %swap3A_255 = tpu.vector_load %arg5[%swap3A_254] {strides = array<i32>} : memref<4096xf32, #tpu.memory_space<vmem>>, vector<16xf32>,
    tpu.vector_store %arg5[%swap3A_254], %broadcast_in_dim3A_24 {strides = array<i32>} : memref<4096xf32, #tpu.memory_space<vmem>>, vector<16xf32>,
    %swap3A_256 = arith.constant 1856 : index
    %swap3A_257 = tpu.vector_load %arg5[%swap3A_256] {strides = array<i32>} : memref<4096xf32, #tpu.memory_space<vmem>>, vector<16xf32>,
    tpu.vector_store %arg5[%swap3A_256], %broadcast_in_dim3A_24 {strides = array<i32>} : memref<4096xf32, #tpu.memory_space<vmem>>, vector<16xf32>,
    %swap3A_258 = arith.constant 1872 : index
    %swap3A_259 = tpu.vector_load %arg5[%swap3A_258] {strides = array<i32>} : memref<4096xf32, #tpu.memory_space<vmem>>, vector<16xf32>,
    tpu.vector_store %arg5[%swap3A_258], %broadcast_in_dim3A_24 {strides = array<i32>} : memref<4096xf32, #tpu.memory_space<vmem>>, vector<16xf32>,
    %swap3A_260 = arith.constant 1888 : index
    %swap3A_261 = tpu.vector_load %arg5[%swap3A_260] {strides = array<i32>} : memref<4096xf32, #tpu.memory_space<vmem>>, vector<16xf32>,
    tpu.vector_store %arg5[%swap3A_260], %broadcast_in_dim3A_24 {strides = array<i32>} : memref<4096xf32, #tpu.memory_space<vmem>>, vector<16xf32>,
    %swap3A_262 = arith.constant 1904 : index
    %swap3A_263 = tpu.vector_load %arg5[%swap3A_262] {strides = array<i32>} : memref<4096xf32, #tpu.memory_space<vmem>>, vector<16xf32>,
    tpu.vector_store %arg5[%swap3A_262], %broadcast_in_dim3A_24 {strides = array<i32>} : memref<4096xf32, #tpu.memory_space<vmem>>, vector<16xf32>,
    %swap3A_264 = arith.constant 1920 : index
    %swap3A_265 = tpu.vector_load %arg5[%swap3A_264] {strides = array<i32>} : memref<4096xf32, #tpu.memory_space<vmem>>, vector<16xf32>,
    tpu.vector_store %arg5[%swap3A_264], %broadcast_in_dim3A_24 {strides = array<i32>} : memref<4096xf32, #tpu.memory_space<vmem>>, vector<16xf32>,
    %swap3A_266 = arith.constant 1936 : index
    %swap3A_267 = tpu.vector_load %arg5[%swap3A_266] {strides = array<i32>} : memref<4096xf32, #tpu.memory_space<vmem>>, vector<16xf32>,
    tpu.vector_store %arg5[%swap3A_266], %broadcast_in_dim3A_24 {strides = array<i32>} : memref<4096xf32, #tpu.memory_space<vmem>>, vector<16xf32>,
    %swap3A_268 = arith.constant 1952 : index
    %swap3A_269 = tpu.vector_load %arg5[%swap3A_268] {strides = array<i32>} : memref<4096xf32, #tpu.memory_space<vmem>>, vector<16xf32>,
    tpu.vector_store %arg5[%swap3A_268], %broadcast_in_dim3A_24 {strides = array<i32>} : memref<4096xf32, #tpu.memory_space<vmem>>, vector<16xf32>,
    %swap3A_270 = arith.constant 1968 : index
    %swap3A_271 = tpu.vector_load %arg5[%swap3A_270] {strides = array<i32>} : memref<4096xf32, #tpu.memory_space<vmem>>, vector<16xf32>,
    tpu.vector_store %arg5[%swap3A_270], %broadcast_in_dim3A_24 {strides = array<i32>} : memref<4096xf32, #tpu.memory_space<vmem>>, vector<16xf32>,
    %swap3A_272 = arith.constant 1984 : index
    %swap3A_273 = tpu.vector_load %arg5[%swap3A_272] {strides = array<i32>} : memref<4096xf32, #tpu.memory_space<vmem>>, vector<16xf32>,
    tpu.vector_store %arg5[%swap3A_272], %broadcast_in_dim3A_24 {strides = array<i32>} : memref<4096xf32, #tpu.memory_space<vmem>>, vector<16xf32>,
    %swap3A_274 = arith.constant 2000 : index
    %swap3A_275 = tpu.vector_load %arg5[%swap3A_274] {strides = array<i32>} : memref<4096xf32, #tpu.memory_space<vmem>>, vector<16xf32>,
    tpu.vector_store %arg5[%swap3A_274], %broadcast_in_dim3A_24 {strides = array<i32>} : memref<4096xf32, #tpu.memory_space<vmem>>, vector<16xf32>,
    %swap3A_276 = arith.constant 2016 : index
    %swap3A_277 = tpu.vector_load %arg5[%swap3A_276] {strides = array<i32>} : memref<4096xf32, #tpu.memory_space<vmem>>, vector<16xf32>,
    tpu.vector_store %arg5[%swap3A_276], %broadcast_in_dim3A_24 {strides = array<i32>} : memref<4096xf32, #tpu.memory_space<vmem>>, vector<16xf32>,
    %swap3A_278 = arith.constant 2032 : index
    %swap3A_279 = tpu.vector_load %arg5[%swap3A_278] {strides = array<i32>} : memref<4096xf32, #tpu.memory_space<vmem>>, vector<16xf32>,
    tpu.vector_store %arg5[%swap3A_278], %broadcast_in_dim3A_24 {strides = array<i32>} : memref<4096xf32, #tpu.memory_space<vmem>>, vector<16xf32>,
    %swap3A_280 = arith.constant 2048 : index
    %swap3A_281 = tpu.vector_load %arg5[%swap3A_280] {strides = array<i32>} : memref<4096xf32, #tpu.memory_space<vmem>>, vector<16xf32>,
    tpu.vector_store %arg5[%swap3A_280], %broadcast_in_dim3A_24 {strides = array<i32>} : memref<4096xf32, #tpu.memory_space<vmem>>, vector<16xf32>,
    %swap3A_282 = arith.constant 2064 : index
    %swap3A_283 = tpu.vector_load %arg5[%swap3A_282] {strides = array<i32>} : memref<4096xf32, #tpu.memory_space<vmem>>, vector<16xf32>,
    tpu.vector_store %arg5[%swap3A_282], %broadcast_in_dim3A_24 {strides = array<i32>} : memref<4096xf32, #tpu.memory_space<vmem>>, vector<16xf32>,
    %swap3A_284 = arith.constant 2080 : index
    %swap3A_285 = tpu.vector_load %arg5[%swap3A_284] {strides = array<i32>} : memref<4096xf32, #tpu.memory_space<vmem>>, vector<16xf32>,
    tpu.vector_store %arg5[%swap3A_284], %broadcast_in_dim3A_24 {strides = array<i32>} : memref<4096xf32, #tpu.memory_space<vmem>>, vector<16xf32>,
    %swap3A_286 = arith.constant 2096 : index
    %swap3A_287 = tpu.vector_load %arg5[%swap3A_286] {strides = array<i32>} : memref<4096xf32, #tpu.memory_space<vmem>>, vector<16xf32>,
    tpu.vector_store %arg5[%swap3A_286], %broadcast_in_dim3A_24 {strides = array<i32>} : memref<4096xf32, #tpu.memory_space<vmem>>, vector<16xf32>,
    %swap3A_288 = arith.constant 2112 : index
    %swap3A_289 = tpu.vector_load %arg5[%swap3A_288] {strides = array<i32>} : memref<4096xf32, #tpu.memory_space<vmem>>, vector<16xf32>,
    tpu.vector_store %arg5[%swap3A_288], %broadcast_in_dim3A_24 {strides = array<i32>} : memref<4096xf32, #tpu.memory_space<vmem>>, vector<16xf32>,
    %swap3A_290 = arith.constant 2128 : index
    %swap3A_291 = tpu.vector_load %arg5[%swap3A_290] {strides = array<i32>} : memref<4096xf32, #tpu.memory_space<vmem>>, vector<16xf32>,
    tpu.vector_store %arg5[%swap3A_290], %broadcast_in_dim3A_24 {strides = array<i32>} : memref<4096xf32, #tpu.memory_space<vmem>>, vector<16xf32>,
    %swap3A_292 = arith.constant 2144 : index
    %swap3A_293 = tpu.vector_load %arg5[%swap3A_292] {strides = array<i32>} : memref<4096xf32, #tpu.memory_space<vmem>>, vector<16xf32>,
    tpu.vector_store %arg5[%swap3A_292], %broadcast_in_dim3A_24 {strides = array<i32>} : memref<4096xf32, #tpu.memory_space<vmem>>, vector<16xf32>,
    %swap3A_294 = arith.constant 2160 : index
    %swap3A_295 = tpu.vector_load %arg5[%swap3A_294] {strides = array<i32>} : memref<4096xf32, #tpu.memory_space<vmem>>, vector<16xf32>,
    tpu.vector_store %arg5[%swap3A_294], %broadcast_in_dim3A_24 {strides = array<i32>} : memref<4096xf32, #tpu.memory_space<vmem>>, vector<16xf32>,
    %swap3A_296 = arith.constant 2176 : index
    %swap3A_297 = tpu.vector_load %arg5[%swap3A_296] {strides = array<i32>} : memref<4096xf32, #tpu.memory_space<vmem>>, vector<16xf32>,
    tpu.vector_store %arg5[%swap3A_296], %broadcast_in_dim3A_24 {strides = array<i32>} : memref<4096xf32, #tpu.memory_space<vmem>>, vector<16xf32>,
    %swap3A_298 = arith.constant 2192 : index
    %swap3A_299 = tpu.vector_load %arg5[%swap3A_298] {strides = array<i32>} : memref<4096xf32, #tpu.memory_space<vmem>>, vector<16xf32>,
    tpu.vector_store %arg5[%swap3A_298], %broadcast_in_dim3A_24 {strides = array<i32>} : memref<4096xf32, #tpu.memory_space<vmem>>, vector<16xf32>,
    %swap3A_300 = arith.constant 2208 : index
    %swap3A_301 = tpu.vector_load %arg5[%swap3A_300] {strides = array<i32>} : memref<4096xf32, #tpu.memory_space<vmem>>, vector<16xf32>,
    tpu.vector_store %arg5[%swap3A_300], %broadcast_in_dim3A_24 {strides = array<i32>} : memref<4096xf32, #tpu.memory_space<vmem>>, vector<16xf32>,
    %swap3A_302 = arith.constant 2224 : index
    %swap3A_303 = tpu.vector_load %arg5[%swap3A_302] {strides = array<i32>} : memref<4096xf32, #tpu.memory_space<vmem>>, vector<16xf32>,
    tpu.vector_store %arg5[%swap3A_302], %broadcast_in_dim3A_24 {strides = array<i32>} : memref<4096xf32, #tpu.memory_space<vmem>>, vector<16xf32>,
    %swap3A_304 = arith.constant 2240 : index
    %swap3A_305 = tpu.vector_load %arg5[%swap3A_304] {strides = array<i32>} : memref<4096xf32, #tpu.memory_space<vmem>>, vector<16xf32>,
    tpu.vector_store %arg5[%swap3A_304], %broadcast_in_dim3A_24 {strides = array<i32>} : memref<4096xf32, #tpu.memory_space<vmem>>, vector<16xf32>,
    %swap3A_306 = arith.constant 2256 : index
    %swap3A_307 = tpu.vector_load %arg5[%swap3A_306] {strides = array<i32>} : memref<4096xf32, #tpu.memory_space<vmem>>, vector<16xf32>,
    tpu.vector_store %arg5[%swap3A_306], %broadcast_in_dim3A_24 {strides = array<i32>} : memref<4096xf32, #tpu.memory_space<vmem>>, vector<16xf32>,
    %swap3A_308 = arith.constant 2272 : index
    %swap3A_309 = tpu.vector_load %arg5[%swap3A_308] {strides = array<i32>} : memref<4096xf32, #tpu.memory_space<vmem>>, vector<16xf32>,
    tpu.vector_store %arg5[%swap3A_308], %broadcast_in_dim3A_24 {strides = array<i32>} : memref<4096xf32, #tpu.memory_space<vmem>>, vector<16xf32>,
    %swap3A_310 = arith.constant 2288 : index
    %swap3A_311 = tpu.vector_load %arg5[%swap3A_310] {strides = array<i32>} : memref<4096xf32, #tpu.memory_space<vmem>>, vector<16xf32>,
    tpu.vector_store %arg5[%swap3A_310], %broadcast_in_dim3A_24 {strides = array<i32>} : memref<4096xf32, #tpu.memory_space<vmem>>, vector<16xf32>,
    %swap3A_312 = arith.constant 2304 : index
    %swap3A_313 = tpu.vector_load %arg5[%swap3A_312] {strides = array<i32>} : memref<4096xf32, #tpu.memory_space<vmem>>, vector<16xf32>,
    tpu.vector_store %arg5[%swap3A_312], %broadcast_in_dim3A_24 {strides = array<i32>} : memref<4096xf32, #tpu.memory_space<vmem>>, vector<16xf32>,
    %swap3A_314 = arith.constant 2320 : index
    %swap3A_315 = tpu.vector_load %arg5[%swap3A_314] {strides = array<i32>} : memref<4096xf32, #tpu.memory_space<vmem>>, vector<16xf32>,
    tpu.vector_store %arg5[%swap3A_314], %broadcast_in_dim3A_24 {strides = array<i32>} : memref<4096xf32, #tpu.memory_space<vmem>>, vector<16xf32>,
    %swap3A_316 = arith.constant 2336 : index
    %swap3A_317 = tpu.vector_load %arg5[%swap3A_316] {strides = array<i32>} : memref<4096xf32, #tpu.memory_space<vmem>>, vector<16xf32>,
    tpu.vector_store %arg5[%swap3A_316], %broadcast_in_dim3A_24 {strides = array<i32>} : memref<4096xf32, #tpu.memory_space<vmem>>, vector<16xf32>,
    %swap3A_318 = arith.constant 2352 : index
    %swap3A_319 = tpu.vector_load %arg5[%swap3A_318] {strides = array<i32>} : memref<4096xf32, #tpu.memory_space<vmem>>, vector<16xf32>,
    tpu.vector_store %arg5[%swap3A_318], %broadcast_in_dim3A_24 {strides = array<i32>} : memref<4096xf32, #tpu.memory_space<vmem>>, vector<16xf32>,
    %swap3A_320 = arith.constant 2368 : index
    %swap3A_321 = tpu.vector_load %arg5[%swap3A_320] {strides = array<i32>} : memref<4096xf32, #tpu.memory_space<vmem>>, vector<16xf32>,
    tpu.vector_store %arg5[%swap3A_320], %broadcast_in_dim3A_24 {strides = array<i32>} : memref<4096xf32, #tpu.memory_space<vmem>>, vector<16xf32>,
    %swap3A_322 = arith.constant 2384 : index
    %swap3A_323 = tpu.vector_load %arg5[%swap3A_322] {strides = array<i32>} : memref<4096xf32, #tpu.memory_space<vmem>>, vector<16xf32>,
    tpu.vector_store %arg5[%swap3A_322], %broadcast_in_dim3A_24 {strides = array<i32>} : memref<4096xf32, #tpu.memory_space<vmem>>, vector<16xf32>,
    %swap3A_324 = arith.constant 2400 : index
    %swap3A_325 = tpu.vector_load %arg5[%swap3A_324] {strides = array<i32>} : memref<4096xf32, #tpu.memory_space<vmem>>, vector<16xf32>,
    tpu.vector_store %arg5[%swap3A_324], %broadcast_in_dim3A_24 {strides = array<i32>} : memref<4096xf32, #tpu.memory_space<vmem>>, vector<16xf32>,
    %swap3A_326 = arith.constant 2416 : index
    %swap3A_327 = tpu.vector_load %arg5[%swap3A_326] {strides = array<i32>} : memref<4096xf32, #tpu.memory_space<vmem>>, vector<16xf32>,
    tpu.vector_store %arg5[%swap3A_326], %broadcast_in_dim3A_24 {strides = array<i32>} : memref<4096xf32, #tpu.memory_space<vmem>>, vector<16xf32>,
    %swap3A_328 = arith.constant 2432 : index
    %swap3A_329 = tpu.vector_load %arg5[%swap3A_328] {strides = array<i32>} : memref<4096xf32, #tpu.memory_space<vmem>>, vector<16xf32>,
    tpu.vector_store %arg5[%swap3A_328], %broadcast_in_dim3A_24 {strides = array<i32>} : memref<4096xf32, #tpu.memory_space<vmem>>, vector<16xf32>,
    %swap3A_330 = arith.constant 2448 : index
    %swap3A_331 = tpu.vector_load %arg5[%swap3A_330] {strides = array<i32>} : memref<4096xf32, #tpu.memory_space<vmem>>, vector<16xf32>,
    tpu.vector_store %arg5[%swap3A_330], %broadcast_in_dim3A_24 {strides = array<i32>} : memref<4096xf32, #tpu.memory_space<vmem>>, vector<16xf32>,
    %swap3A_332 = arith.constant 2464 : index
    %swap3A_333 = tpu.vector_load %arg5[%swap3A_332] {strides = array<i32>} : memref<4096xf32, #tpu.memory_space<vmem>>, vector<16xf32>,
    tpu.vector_store %arg5[%swap3A_332], %broadcast_in_dim3A_24 {strides = array<i32>} : memref<4096xf32, #tpu.memory_space<vmem>>, vector<16xf32>,
    %swap3A_334 = arith.constant 2480 : index
    %swap3A_335 = tpu.vector_load %arg5[%swap3A_334] {strides = array<i32>} : memref<4096xf32, #tpu.memory_space<vmem>>, vector<16xf32>,
    tpu.vector_store %arg5[%swap3A_334], %broadcast_in_dim3A_24 {strides = array<i32>} : memref<4096xf32, #tpu.memory_space<vmem>>, vector<16xf32>,
    %swap3A_336 = arith.constant 2496 : index
    %swap3A_337 = tpu.vector_load %arg5[%swap3A_336] {strides = array<i32>} : memref<4096xf32, #tpu.memory_space<vmem>>, vector<16xf32>,
    tpu.vector_store %arg5[%swap3A_336], %broadcast_in_dim3A_24 {strides = array<i32>} : memref<4096xf32, #tpu.memory_space<vmem>>, vector<16xf32>,
    %swap3A_338 = arith.constant 2512 : index
    %swap3A_339 = tpu.vector_load %arg5[%swap3A_338] {strides = array<i32>} : memref<4096xf32, #tpu.memory_space<vmem>>, vector<16xf32>,
    tpu.vector_store %arg5[%swap3A_338], %broadcast_in_dim3A_24 {strides = array<i32>} : memref<4096xf32, #tpu.memory_space<vmem>>, vector<16xf32>,
    %swap3A_340 = arith.constant 2528 : index
    %swap3A_341 = tpu.vector_load %arg5[%swap3A_340] {strides = array<i32>} : memref<4096xf32, #tpu.memory_space<vmem>>, vector<16xf32>,
    tpu.vector_store %arg5[%swap3A_340], %broadcast_in_dim3A_24 {strides = array<i32>} : memref<4096xf32, #tpu.memory_space<vmem>>, vector<16xf32>,
    %swap3A_342 = arith.constant 2544 : index
    %swap3A_343 = tpu.vector_load %arg5[%swap3A_342] {strides = array<i32>} : memref<4096xf32, #tpu.memory_space<vmem>>, vector<16xf32>,
    tpu.vector_store %arg5[%swap3A_342], %broadcast_in_dim3A_24 {strides = array<i32>} : memref<4096xf32, #tpu.memory_space<vmem>>, vector<16xf32>,
    %swap3A_344 = arith.constant 2560 : index
    %swap3A_345 = tpu.vector_load %arg5[%swap3A_344] {strides = array<i32>} : memref<4096xf32, #tpu.memory_space<vmem>>, vector<16xf32>,
    tpu.vector_store %arg5[%swap3A_344], %broadcast_in_dim3A_24 {strides = array<i32>} : memref<4096xf32, #tpu.memory_space<vmem>>, vector<16xf32>,
    %swap3A_346 = arith.constant 2576 : index
    %swap3A_347 = tpu.vector_load %arg5[%swap3A_346] {strides = array<i32>} : memref<4096xf32, #tpu.memory_space<vmem>>, vector<16xf32>,
    tpu.vector_store %arg5[%swap3A_346], %broadcast_in_dim3A_24 {strides = array<i32>} : memref<4096xf32, #tpu.memory_space<vmem>>, vector<16xf32>,
    %swap3A_348 = arith.constant 2592 : index
    %swap3A_349 = tpu.vector_load %arg5[%swap3A_348] {strides = array<i32>} : memref<4096xf32, #tpu.memory_space<vmem>>, vector<16xf32>,
    tpu.vector_store %arg5[%swap3A_348], %broadcast_in_dim3A_24 {strides = array<i32>} : memref<4096xf32, #tpu.memory_space<vmem>>, vector<16xf32>,
    %swap3A_350 = arith.constant 2608 : index
    %swap3A_351 = tpu.vector_load %arg5[%swap3A_350] {strides = array<i32>} : memref<4096xf32, #tpu.memory_space<vmem>>, vector<16xf32>,
    tpu.vector_store %arg5[%swap3A_350], %broadcast_in_dim3A_24 {strides = array<i32>} : memref<4096xf32, #tpu.memory_space<vmem>>, vector<16xf32>,
    %swap3A_352 = arith.constant 2624 : index
    %swap3A_353 = tpu.vector_load %arg5[%swap3A_352] {strides = array<i32>} : memref<4096xf32, #tpu.memory_space<vmem>>, vector<16xf32>,
    tpu.vector_store %arg5[%swap3A_352], %broadcast_in_dim3A_24 {strides = array<i32>} : memref<4096xf32, #tpu.memory_space<vmem>>, vector<16xf32>,
    %swap3A_354 = arith.constant 2640 : index
    %swap3A_355 = tpu.vector_load %arg5[%swap3A_354] {strides = array<i32>} : memref<4096xf32, #tpu.memory_space<vmem>>, vector<16xf32>,
    tpu.vector_store %arg5[%swap3A_354], %broadcast_in_dim3A_24 {strides = array<i32>} : memref<4096xf32, #tpu.memory_space<vmem>>, vector<16xf32>,
    %swap3A_356 = arith.constant 2656 : index
    %swap3A_357 = tpu.vector_load %arg5[%swap3A_356] {strides = array<i32>} : memref<4096xf32, #tpu.memory_space<vmem>>, vector<16xf32>,
    tpu.vector_store %arg5[%swap3A_356], %broadcast_in_dim3A_24 {strides = array<i32>} : memref<4096xf32, #tpu.memory_space<vmem>>, vector<16xf32>,
    %swap3A_358 = arith.constant 2672 : index
    %swap3A_359 = tpu.vector_load %arg5[%swap3A_358] {strides = array<i32>} : memref<4096xf32, #tpu.memory_space<vmem>>, vector<16xf32>,
    tpu.vector_store %arg5[%swap3A_358], %broadcast_in_dim3A_24 {strides = array<i32>} : memref<4096xf32, #tpu.memory_space<vmem>>, vector<16xf32>,
    %swap3A_360 = arith.constant 2688 : index
    %swap3A_361 = tpu.vector_load %arg5[%swap3A_360] {strides = array<i32>} : memref<4096xf32, #tpu.memory_space<vmem>>, vector<16xf32>,
    tpu.vector_store %arg5[%swap3A_360], %broadcast_in_dim3A_24 {strides = array<i32>} : memref<4096xf32, #tpu.memory_space<vmem>>, vector<16xf32>,
    %swap3A_362 = arith.constant 2704 : index
    %swap3A_363 = tpu.vector_load %arg5[%swap3A_362] {strides = array<i32>} : memref<4096xf32, #tpu.memory_space<vmem>>, vector<16xf32>,
    tpu.vector_store %arg5[%swap3A_362], %broadcast_in_dim3A_24 {strides = array<i32>} : memref<4096xf32, #tpu.memory_space<vmem>>, vector<16xf32>,
    %swap3A_364 = arith.constant 2720 : index
    %swap3A_365 = tpu.vector_load %arg5[%swap3A_364] {strides = array<i32>} : memref<4096xf32, #tpu.memory_space<vmem>>, vector<16xf32>,
    tpu.vector_store %arg5[%swap3A_364], %broadcast_in_dim3A_24 {strides = array<i32>} : memref<4096xf32, #tpu.memory_space<vmem>>, vector<16xf32>,
    %swap3A_366 = arith.constant 2736 : index
    %swap3A_367 = tpu.vector_load %arg5[%swap3A_366] {strides = array<i32>} : memref<4096xf32, #tpu.memory_space<vmem>>, vector<16xf32>,
    tpu.vector_store %arg5[%swap3A_366], %broadcast_in_dim3A_24 {strides = array<i32>} : memref<4096xf32, #tpu.memory_space<vmem>>, vector<16xf32>,
    %swap3A_368 = arith.constant 2752 : index
    %swap3A_369 = tpu.vector_load %arg5[%swap3A_368] {strides = array<i32>} : memref<4096xf32, #tpu.memory_space<vmem>>, vector<16xf32>,
    tpu.vector_store %arg5[%swap3A_368], %broadcast_in_dim3A_24 {strides = array<i32>} : memref<4096xf32, #tpu.memory_space<vmem>>, vector<16xf32>,
    %swap3A_370 = arith.constant 2768 : index
    %swap3A_371 = tpu.vector_load %arg5[%swap3A_370] {strides = array<i32>} : memref<4096xf32, #tpu.memory_space<vmem>>, vector<16xf32>,
    tpu.vector_store %arg5[%swap3A_370], %broadcast_in_dim3A_24 {strides = array<i32>} : memref<4096xf32, #tpu.memory_space<vmem>>, vector<16xf32>,
    %swap3A_372 = arith.constant 2784 : index
    %swap3A_373 = tpu.vector_load %arg5[%swap3A_372] {strides = array<i32>} : memref<4096xf32, #tpu.memory_space<vmem>>, vector<16xf32>,
    tpu.vector_store %arg5[%swap3A_372], %broadcast_in_dim3A_24 {strides = array<i32>} : memref<4096xf32, #tpu.memory_space<vmem>>, vector<16xf32>,
    %swap3A_374 = arith.constant 2800 : index
    %swap3A_375 = tpu.vector_load %arg5[%swap3A_374] {strides = array<i32>} : memref<4096xf32, #tpu.memory_space<vmem>>, vector<16xf32>,
    tpu.vector_store %arg5[%swap3A_374], %broadcast_in_dim3A_24 {strides = array<i32>} : memref<4096xf32, #tpu.memory_space<vmem>>, vector<16xf32>,
    %swap3A_376 = arith.constant 2816 : index
    %swap3A_377 = tpu.vector_load %arg5[%swap3A_376] {strides = array<i32>} : memref<4096xf32, #tpu.memory_space<vmem>>, vector<16xf32>,
    tpu.vector_store %arg5[%swap3A_376], %broadcast_in_dim3A_24 {strides = array<i32>} : memref<4096xf32, #tpu.memory_space<vmem>>, vector<16xf32>,
    %swap3A_378 = arith.constant 2832 : index
    %swap3A_379 = tpu.vector_load %arg5[%swap3A_378] {strides = array<i32>} : memref<4096xf32, #tpu.memory_space<vmem>>, vector<16xf32>,
    tpu.vector_store %arg5[%swap3A_378], %broadcast_in_dim3A_24 {strides = array<i32>} : memref<4096xf32, #tpu.memory_space<vmem>>, vector<16xf32>,
    %swap3A_380 = arith.constant 2848 : index
    %swap3A_381 = tpu.vector_load %arg5[%swap3A_380] {strides = array<i32>} : memref<4096xf32, #tpu.memory_space<vmem>>, vector<16xf32>,
    tpu.vector_store %arg5[%swap3A_380], %broadcast_in_dim3A_24 {strides = array<i32>} : memref<4096xf32, #tpu.memory_space<vmem>>, vector<16xf32>,
    %swap3A_382 = arith.constant 2864 : index
    %swap3A_383 = tpu.vector_load %arg5[%swap3A_382] {strides = array<i32>} : memref<4096xf32, #tpu.memory_space<vmem>>, vector<16xf32>,
    tpu.vector_store %arg5[%swap3A_382], %broadcast_in_dim3A_24 {strides = array<i32>} : memref<4096xf32, #tpu.memory_space<vmem>>, vector<16xf32>,
    %swap3A_384 = arith.constant 2880 : index
    %swap3A_385 = tpu.vector_load %arg5[%swap3A_384] {strides = array<i32>} : memref<4096xf32, #tpu.memory_space<vmem>>, vector<16xf32>,
    tpu.vector_store %arg5[%swap3A_384], %broadcast_in_dim3A_24 {strides = array<i32>} : memref<4096xf32, #tpu.memory_space<vmem>>, vector<16xf32>,
    %swap3A_386 = arith.constant 2896 : index
    %swap3A_387 = tpu.vector_load %arg5[%swap3A_386] {strides = array<i32>} : memref<4096xf32, #tpu.memory_space<vmem>>, vector<16xf32>,
    tpu.vector_store %arg5[%swap3A_386], %broadcast_in_dim3A_24 {strides = array<i32>} : memref<4096xf32, #tpu.memory_space<vmem>>, vector<16xf32>,
    %swap3A_388 = arith.constant 2912 : index
    %swap3A_389 = tpu.vector_load %arg5[%swap3A_388] {strides = array<i32>} : memref<4096xf32, #tpu.memory_space<vmem>>, vector<16xf32>,
    tpu.vector_store %arg5[%swap3A_388], %broadcast_in_dim3A_24 {strides = array<i32>} : memref<4096xf32, #tpu.memory_space<vmem>>, vector<16xf32>,
    %swap3A_390 = arith.constant 2928 : index
    %swap3A_391 = tpu.vector_load %arg5[%swap3A_390] {strides = array<i32>} : memref<4096xf32, #tpu.memory_space<vmem>>, vector<16xf32>,
    tpu.vector_store %arg5[%swap3A_390], %broadcast_in_dim3A_24 {strides = array<i32>} : memref<4096xf32, #tpu.memory_space<vmem>>, vector<16xf32>,
    %swap3A_392 = arith.constant 2944 : index
    %swap3A_393 = tpu.vector_load %arg5[%swap3A_392] {strides = array<i32>} : memref<4096xf32, #tpu.memory_space<vmem>>, vector<16xf32>,
    tpu.vector_store %arg5[%swap3A_392], %broadcast_in_dim3A_24 {strides = array<i32>} : memref<4096xf32, #tpu.memory_space<vmem>>, vector<16xf32>,
    %swap3A_394 = arith.constant 2960 : index
    %swap3A_395 = tpu.vector_load %arg5[%swap3A_394] {strides = array<i32>} : memref<4096xf32, #tpu.memory_space<vmem>>, vector<16xf32>,
    tpu.vector_store %arg5[%swap3A_394], %broadcast_in_dim3A_24 {strides = array<i32>} : memref<4096xf32, #tpu.memory_space<vmem>>, vector<16xf32>,
    %swap3A_396 = arith.constant 2976 : index
    %swap3A_397 = tpu.vector_load %arg5[%swap3A_396] {strides = array<i32>} : memref<4096xf32, #tpu.memory_space<vmem>>, vector<16xf32>,
    tpu.vector_store %arg5[%swap3A_396], %broadcast_in_dim3A_24 {strides = array<i32>} : memref<4096xf32, #tpu.memory_space<vmem>>, vector<16xf32>,
    %swap3A_398 = arith.constant 2992 : index
    %swap3A_399 = tpu.vector_load %arg5[%swap3A_398] {strides = array<i32>} : memref<4096xf32, #tpu.memory_space<vmem>>, vector<16xf32>,
    tpu.vector_store %arg5[%swap3A_398], %broadcast_in_dim3A_24 {strides = array<i32>} : memref<4096xf32, #tpu.memory_space<vmem>>, vector<16xf32>,
    %swap3A_400 = arith.constant 3008 : index
    %swap3A_401 = tpu.vector_load %arg5[%swap3A_400] {strides = array<i32>} : memref<4096xf32, #tpu.memory_space<vmem>>, vector<16xf32>,
    tpu.vector_store %arg5[%swap3A_400], %broadcast_in_dim3A_24 {strides = array<i32>} : memref<4096xf32, #tpu.memory_space<vmem>>, vector<16xf32>,
    %swap3A_402 = arith.constant 3024 : index
    %swap3A_403 = tpu.vector_load %arg5[%swap3A_402] {strides = array<i32>} : memref<4096xf32, #tpu.memory_space<vmem>>, vector<16xf32>,
    tpu.vector_store %arg5[%swap3A_402], %broadcast_in_dim3A_24 {strides = array<i32>} : memref<4096xf32, #tpu.memory_space<vmem>>, vector<16xf32>,
    %swap3A_404 = arith.constant 3040 : index
    %swap3A_405 = tpu.vector_load %arg5[%swap3A_404] {strides = array<i32>} : memref<4096xf32, #tpu.memory_space<vmem>>, vector<16xf32>,
    tpu.vector_store %arg5[%swap3A_404], %broadcast_in_dim3A_24 {strides = array<i32>} : memref<4096xf32, #tpu.memory_space<vmem>>, vector<16xf32>,
    %swap3A_406 = arith.constant 3056 : index
    %swap3A_407 = tpu.vector_load %arg5[%swap3A_406] {strides = array<i32>} : memref<4096xf32, #tpu.memory_space<vmem>>, vector<16xf32>,
    tpu.vector_store %arg5[%swap3A_406], %broadcast_in_dim3A_24 {strides = array<i32>} : memref<4096xf32, #tpu.memory_space<vmem>>, vector<16xf32>,
    %swap3A_408 = arith.constant 3072 : index
    %swap3A_409 = tpu.vector_load %arg5[%swap3A_408] {strides = array<i32>} : memref<4096xf32, #tpu.memory_space<vmem>>, vector<16xf32>,
    tpu.vector_store %arg5[%swap3A_408], %broadcast_in_dim3A_24 {strides = array<i32>} : memref<4096xf32, #tpu.memory_space<vmem>>, vector<16xf32>,
    %swap3A_410 = arith.constant 3088 : index
    %swap3A_411 = tpu.vector_load %arg5[%swap3A_410] {strides = array<i32>} : memref<4096xf32, #tpu.memory_space<vmem>>, vector<16xf32>,
    tpu.vector_store %arg5[%swap3A_410], %broadcast_in_dim3A_24 {strides = array<i32>} : memref<4096xf32, #tpu.memory_space<vmem>>, vector<16xf32>,
    %swap3A_412 = arith.constant 3104 : index
    %swap3A_413 = tpu.vector_load %arg5[%swap3A_412] {strides = array<i32>} : memref<4096xf32, #tpu.memory_space<vmem>>, vector<16xf32>,
    tpu.vector_store %arg5[%swap3A_412], %broadcast_in_dim3A_24 {strides = array<i32>} : memref<4096xf32, #tpu.memory_space<vmem>>, vector<16xf32>,
    %swap3A_414 = arith.constant 3120 : index
    %swap3A_415 = tpu.vector_load %arg5[%swap3A_414] {strides = array<i32>} : memref<4096xf32, #tpu.memory_space<vmem>>, vector<16xf32>,
    tpu.vector_store %arg5[%swap3A_414], %broadcast_in_dim3A_24 {strides = array<i32>} : memref<4096xf32, #tpu.memory_space<vmem>>, vector<16xf32>,
    %swap3A_416 = arith.constant 3136 : index
    %swap3A_417 = tpu.vector_load %arg5[%swap3A_416] {strides = array<i32>} : memref<4096xf32, #tpu.memory_space<vmem>>, vector<16xf32>,
    tpu.vector_store %arg5[%swap3A_416], %broadcast_in_dim3A_24 {strides = array<i32>} : memref<4096xf32, #tpu.memory_space<vmem>>, vector<16xf32>,
    %swap3A_418 = arith.constant 3152 : index
    %swap3A_419 = tpu.vector_load %arg5[%swap3A_418] {strides = array<i32>} : memref<4096xf32, #tpu.memory_space<vmem>>, vector<16xf32>,
    tpu.vector_store %arg5[%swap3A_418], %broadcast_in_dim3A_24 {strides = array<i32>} : memref<4096xf32, #tpu.memory_space<vmem>>, vector<16xf32>,
    %swap3A_420 = arith.constant 3168 : index
    %swap3A_421 = tpu.vector_load %arg5[%swap3A_420] {strides = array<i32>} : memref<4096xf32, #tpu.memory_space<vmem>>, vector<16xf32>,
    tpu.vector_store %arg5[%swap3A_420], %broadcast_in_dim3A_24 {strides = array<i32>} : memref<4096xf32, #tpu.memory_space<vmem>>, vector<16xf32>,
    %swap3A_422 = arith.constant 3184 : index
    %swap3A_423 = tpu.vector_load %arg5[%swap3A_422] {strides = array<i32>} : memref<4096xf32, #tpu.memory_space<vmem>>, vector<16xf32>,
    tpu.vector_store %arg5[%swap3A_422], %broadcast_in_dim3A_24 {strides = array<i32>} : memref<4096xf32, #tpu.memory_space<vmem>>, vector<16xf32>,
    %swap3A_424 = arith.constant 3200 : index
    %swap3A_425 = tpu.vector_load %arg5[%swap3A_424] {strides = array<i32>} : memref<4096xf32, #tpu.memory_space<vmem>>, vector<16xf32>,
    tpu.vector_store %arg5[%swap3A_424], %broadcast_in_dim3A_24 {strides = array<i32>} : memref<4096xf32, #tpu.memory_space<vmem>>, vector<16xf32>,
    %swap3A_426 = arith.constant 3216 : index
    %swap3A_427 = tpu.vector_load %arg5[%swap3A_426] {strides = array<i32>} : memref<4096xf32, #tpu.memory_space<vmem>>, vector<16xf32>,
    tpu.vector_store %arg5[%swap3A_426], %broadcast_in_dim3A_24 {strides = array<i32>} : memref<4096xf32, #tpu.memory_space<vmem>>, vector<16xf32>,
    %swap3A_428 = arith.constant 3232 : index
    %swap3A_429 = tpu.vector_load %arg5[%swap3A_428] {strides = array<i32>} : memref<4096xf32, #tpu.memory_space<vmem>>, vector<16xf32>,
    tpu.vector_store %arg5[%swap3A_428], %broadcast_in_dim3A_24 {strides = array<i32>} : memref<4096xf32, #tpu.memory_space<vmem>>, vector<16xf32>,
    %swap3A_430 = arith.constant 3248 : index
    %swap3A_431 = tpu.vector_load %arg5[%swap3A_430] {strides = array<i32>} : memref<4096xf32, #tpu.memory_space<vmem>>, vector<16xf32>,
    tpu.vector_store %arg5[%swap3A_430], %broadcast_in_dim3A_24 {strides = array<i32>} : memref<4096xf32, #tpu.memory_space<vmem>>, vector<16xf32>,
    %swap3A_432 = arith.constant 3264 : index
    %swap3A_433 = tpu.vector_load %arg5[%swap3A_432] {strides = array<i32>} : memref<4096xf32, #tpu.memory_space<vmem>>, vector<16xf32>,
    tpu.vector_store %arg5[%swap3A_432], %broadcast_in_dim3A_24 {strides = array<i32>} : memref<4096xf32, #tpu.memory_space<vmem>>, vector<16xf32>,
    %swap3A_434 = arith.constant 3280 : index
    %swap3A_435 = tpu.vector_load %arg5[%swap3A_434] {strides = array<i32>} : memref<4096xf32, #tpu.memory_space<vmem>>, vector<16xf32>,
    tpu.vector_store %arg5[%swap3A_434], %broadcast_in_dim3A_24 {strides = array<i32>} : memref<4096xf32, #tpu.memory_space<vmem>>, vector<16xf32>,
    %swap3A_436 = arith.constant 3296 : index
    %swap3A_437 = tpu.vector_load %arg5[%swap3A_436] {strides = array<i32>} : memref<4096xf32, #tpu.memory_space<vmem>>, vector<16xf32>,
    tpu.vector_store %arg5[%swap3A_436], %broadcast_in_dim3A_24 {strides = array<i32>} : memref<4096xf32, #tpu.memory_space<vmem>>, vector<16xf32>,
    %swap3A_438 = arith.constant 3312 : index
    %swap3A_439 = tpu.vector_load %arg5[%swap3A_438] {strides = array<i32>} : memref<4096xf32, #tpu.memory_space<vmem>>, vector<16xf32>,
    tpu.vector_store %arg5[%swap3A_438], %broadcast_in_dim3A_24 {strides = array<i32>} : memref<4096xf32, #tpu.memory_space<vmem>>, vector<16xf32>,
    %swap3A_440 = arith.constant 3328 : index
    %swap3A_441 = tpu.vector_load %arg5[%swap3A_440] {strides = array<i32>} : memref<4096xf32, #tpu.memory_space<vmem>>, vector<16xf32>,
    tpu.vector_store %arg5[%swap3A_440], %broadcast_in_dim3A_24 {strides = array<i32>} : memref<4096xf32, #tpu.memory_space<vmem>>, vector<16xf32>,
    %swap3A_442 = arith.constant 3344 : index
    %swap3A_443 = tpu.vector_load %arg5[%swap3A_442] {strides = array<i32>} : memref<4096xf32, #tpu.memory_space<vmem>>, vector<16xf32>,
    tpu.vector_store %arg5[%swap3A_442], %broadcast_in_dim3A_24 {strides = array<i32>} : memref<4096xf32, #tpu.memory_space<vmem>>, vector<16xf32>,
    %swap3A_444 = arith.constant 3360 : index
    %swap3A_445 = tpu.vector_load %arg5[%swap3A_444] {strides = array<i32>} : memref<4096xf32, #tpu.memory_space<vmem>>, vector<16xf32>,
    tpu.vector_store %arg5[%swap3A_444], %broadcast_in_dim3A_24 {strides = array<i32>} : memref<4096xf32, #tpu.memory_space<vmem>>, vector<16xf32>,
    %swap3A_446 = arith.constant 3376 : index
    %swap3A_447 = tpu.vector_load %arg5[%swap3A_446] {strides = array<i32>} : memref<4096xf32, #tpu.memory_space<vmem>>, vector<16xf32>,
    tpu.vector_store %arg5[%swap3A_446], %broadcast_in_dim3A_24 {strides = array<i32>} : memref<4096xf32, #tpu.memory_space<vmem>>, vector<16xf32>,
    %swap3A_448 = arith.constant 3392 : index
    %swap3A_449 = tpu.vector_load %arg5[%swap3A_448] {strides = array<i32>} : memref<4096xf32, #tpu.memory_space<vmem>>, vector<16xf32>,
    tpu.vector_store %arg5[%swap3A_448], %broadcast_in_dim3A_24 {strides = array<i32>} : memref<4096xf32, #tpu.memory_space<vmem>>, vector<16xf32>,
    %swap3A_450 = arith.constant 3408 : index
    %swap3A_451 = tpu.vector_load %arg5[%swap3A_450] {strides = array<i32>} : memref<4096xf32, #tpu.memory_space<vmem>>, vector<16xf32>,
    tpu.vector_store %arg5[%swap3A_450], %broadcast_in_dim3A_24 {strides = array<i32>} : memref<4096xf32, #tpu.memory_space<vmem>>, vector<16xf32>,
    %swap3A_452 = arith.constant 3424 : index
    %swap3A_453 = tpu.vector_load %arg5[%swap3A_452] {strides = array<i32>} : memref<4096xf32, #tpu.memory_space<vmem>>, vector<16xf32>,
    tpu.vector_store %arg5[%swap3A_452], %broadcast_in_dim3A_24 {strides = array<i32>} : memref<4096xf32, #tpu.memory_space<vmem>>, vector<16xf32>,
    %swap3A_454 = arith.constant 3440 : index
    %swap3A_455 = tpu.vector_load %arg5[%swap3A_454] {strides = array<i32>} : memref<4096xf32, #tpu.memory_space<vmem>>, vector<16xf32>,
    tpu.vector_store %arg5[%swap3A_454], %broadcast_in_dim3A_24 {strides = array<i32>} : memref<4096xf32, #tpu.memory_space<vmem>>, vector<16xf32>,
    %swap3A_456 = arith.constant 3456 : index
    %swap3A_457 = tpu.vector_load %arg5[%swap3A_456] {strides = array<i32>} : memref<4096xf32, #tpu.memory_space<vmem>>, vector<16xf32>,
    tpu.vector_store %arg5[%swap3A_456], %broadcast_in_dim3A_24 {strides = array<i32>} : memref<4096xf32, #tpu.memory_space<vmem>>, vector<16xf32>,
    %swap3A_458 = arith.constant 3472 : index
    %swap3A_459 = tpu.vector_load %arg5[%swap3A_458] {strides = array<i32>} : memref<4096xf32, #tpu.memory_space<vmem>>, vector<16xf32>,
    tpu.vector_store %arg5[%swap3A_458], %broadcast_in_dim3A_24 {strides = array<i32>} : memref<4096xf32, #tpu.memory_space<vmem>>, vector<16xf32>,
    %swap3A_460 = arith.constant 3488 : index
    %swap3A_461 = tpu.vector_load %arg5[%swap3A_460] {strides = array<i32>} : memref<4096xf32, #tpu.memory_space<vmem>>, vector<16xf32>,
    tpu.vector_store %arg5[%swap3A_460], %broadcast_in_dim3A_24 {strides = array<i32>} : memref<4096xf32, #tpu.memory_space<vmem>>, vector<16xf32>,
    %swap3A_462 = arith.constant 3504 : index
    %swap3A_463 = tpu.vector_load %arg5[%swap3A_462] {strides = array<i32>} : memref<4096xf32, #tpu.memory_space<vmem>>, vector<16xf32>,
    tpu.vector_store %arg5[%swap3A_462], %broadcast_in_dim3A_24 {strides = array<i32>} : memref<4096xf32, #tpu.memory_space<vmem>>, vector<16xf32>,
    %swap3A_464 = arith.constant 3520 : index
    %swap3A_465 = tpu.vector_load %arg5[%swap3A_464] {strides = array<i32>} : memref<4096xf32, #tpu.memory_space<vmem>>, vector<16xf32>,
    tpu.vector_store %arg5[%swap3A_464], %broadcast_in_dim3A_24 {strides = array<i32>} : memref<4096xf32, #tpu.memory_space<vmem>>, vector<16xf32>,
    %swap3A_466 = arith.constant 3536 : index
    %swap3A_467 = tpu.vector_load %arg5[%swap3A_466] {strides = array<i32>} : memref<4096xf32, #tpu.memory_space<vmem>>, vector<16xf32>,
    tpu.vector_store %arg5[%swap3A_466], %broadcast_in_dim3A_24 {strides = array<i32>} : memref<4096xf32, #tpu.memory_space<vmem>>, vector<16xf32>,
    %swap3A_468 = arith.constant 3552 : index
    %swap3A_469 = tpu.vector_load %arg5[%swap3A_468] {strides = array<i32>} : memref<4096xf32, #tpu.memory_space<vmem>>, vector<16xf32>,
    tpu.vector_store %arg5[%swap3A_468], %broadcast_in_dim3A_24 {strides = array<i32>} : memref<4096xf32, #tpu.memory_space<vmem>>, vector<16xf32>,
    %swap3A_470 = arith.constant 3568 : index
    %swap3A_471 = tpu.vector_load %arg5[%swap3A_470] {strides = array<i32>} : memref<4096xf32, #tpu.memory_space<vmem>>, vector<16xf32>,
    tpu.vector_store %arg5[%swap3A_470], %broadcast_in_dim3A_24 {strides = array<i32>} : memref<4096xf32, #tpu.memory_space<vmem>>, vector<16xf32>,
    %swap3A_472 = arith.constant 3584 : index
    %swap3A_473 = tpu.vector_load %arg5[%swap3A_472] {strides = array<i32>} : memref<4096xf32, #tpu.memory_space<vmem>>, vector<16xf32>,
    tpu.vector_store %arg5[%swap3A_472], %broadcast_in_dim3A_24 {strides = array<i32>} : memref<4096xf32, #tpu.memory_space<vmem>>, vector<16xf32>,
    %swap3A_474 = arith.constant 3600 : index
    %swap3A_475 = tpu.vector_load %arg5[%swap3A_474] {strides = array<i32>} : memref<4096xf32, #tpu.memory_space<vmem>>, vector<16xf32>,
    tpu.vector_store %arg5[%swap3A_474], %broadcast_in_dim3A_24 {strides = array<i32>} : memref<4096xf32, #tpu.memory_space<vmem>>, vector<16xf32>,
    %swap3A_476 = arith.constant 3616 : index
    %swap3A_477 = tpu.vector_load %arg5[%swap3A_476] {strides = array<i32>} : memref<4096xf32, #tpu.memory_space<vmem>>, vector<16xf32>,
    tpu.vector_store %arg5[%swap3A_476], %broadcast_in_dim3A_24 {strides = array<i32>} : memref<4096xf32, #tpu.memory_space<vmem>>, vector<16xf32>,
    %swap3A_478 = arith.constant 3632 : index
    %swap3A_479 = tpu.vector_load %arg5[%swap3A_478] {strides = array<i32>} : memref<4096xf32, #tpu.memory_space<vmem>>, vector<16xf32>,
    tpu.vector_store %arg5[%swap3A_478], %broadcast_in_dim3A_24 {strides = array<i32>} : memref<4096xf32, #tpu.memory_space<vmem>>, vector<16xf32>,
    %swap3A_480 = arith.constant 3648 : index
    %swap3A_481 = tpu.vector_load %arg5[%swap3A_480] {strides = array<i32>} : memref<4096xf32, #tpu.memory_space<vmem>>, vector<16xf32>,
    tpu.vector_store %arg5[%swap3A_480], %broadcast_in_dim3A_24 {strides = array<i32>} : memref<4096xf32, #tpu.memory_space<vmem>>, vector<16xf32>,
    %swap3A_482 = arith.constant 3664 : index
    %swap3A_483 = tpu.vector_load %arg5[%swap3A_482] {strides = array<i32>} : memref<4096xf32, #tpu.memory_space<vmem>>, vector<16xf32>,
    tpu.vector_store %arg5[%swap3A_482], %broadcast_in_dim3A_24 {strides = array<i32>} : memref<4096xf32, #tpu.memory_space<vmem>>, vector<16xf32>,
    %swap3A_484 = arith.constant 3680 : index
    %swap3A_485 = tpu.vector_load %arg5[%swap3A_484] {strides = array<i32>} : memref<4096xf32, #tpu.memory_space<vmem>>, vector<16xf32>,
    tpu.vector_store %arg5[%swap3A_484], %broadcast_in_dim3A_24 {strides = array<i32>} : memref<4096xf32, #tpu.memory_space<vmem>>, vector<16xf32>,
    %swap3A_486 = arith.constant 3696 : index
    %swap3A_487 = tpu.vector_load %arg5[%swap3A_486] {strides = array<i32>} : memref<4096xf32, #tpu.memory_space<vmem>>, vector<16xf32>,
    tpu.vector_store %arg5[%swap3A_486], %broadcast_in_dim3A_24 {strides = array<i32>} : memref<4096xf32, #tpu.memory_space<vmem>>, vector<16xf32>,
    %swap3A_488 = arith.constant 3712 : index
    %swap3A_489 = tpu.vector_load %arg5[%swap3A_488] {strides = array<i32>} : memref<4096xf32, #tpu.memory_space<vmem>>, vector<16xf32>,
    tpu.vector_store %arg5[%swap3A_488], %broadcast_in_dim3A_24 {strides = array<i32>} : memref<4096xf32, #tpu.memory_space<vmem>>, vector<16xf32>,
    %swap3A_490 = arith.constant 3728 : index
    %swap3A_491 = tpu.vector_load %arg5[%swap3A_490] {strides = array<i32>} : memref<4096xf32, #tpu.memory_space<vmem>>, vector<16xf32>,
    tpu.vector_store %arg5[%swap3A_490], %broadcast_in_dim3A_24 {strides = array<i32>} : memref<4096xf32, #tpu.memory_space<vmem>>, vector<16xf32>,
    %swap3A_492 = arith.constant 3744 : index
    %swap3A_493 = tpu.vector_load %arg5[%swap3A_492] {strides = array<i32>} : memref<4096xf32, #tpu.memory_space<vmem>>, vector<16xf32>,
    tpu.vector_store %arg5[%swap3A_492], %broadcast_in_dim3A_24 {strides = array<i32>} : memref<4096xf32, #tpu.memory_space<vmem>>, vector<16xf32>,
    %swap3A_494 = arith.constant 3760 : index
    %swap3A_495 = tpu.vector_load %arg5[%swap3A_494] {strides = array<i32>} : memref<4096xf32, #tpu.memory_space<vmem>>, vector<16xf32>,
    tpu.vector_store %arg5[%swap3A_494], %broadcast_in_dim3A_24 {strides = array<i32>} : memref<4096xf32, #tpu.memory_space<vmem>>, vector<16xf32>,
    %swap3A_496 = arith.constant 3776 : index
    %swap3A_497 = tpu.vector_load %arg5[%swap3A_496] {strides = array<i32>} : memref<4096xf32, #tpu.memory_space<vmem>>, vector<16xf32>,
    tpu.vector_store %arg5[%swap3A_496], %broadcast_in_dim3A_24 {strides = array<i32>} : memref<4096xf32, #tpu.memory_space<vmem>>, vector<16xf32>,
    %swap3A_498 = arith.constant 3792 : index
    %swap3A_499 = tpu.vector_load %arg5[%swap3A_498] {strides = array<i32>} : memref<4096xf32, #tpu.memory_space<vmem>>, vector<16xf32>,
    tpu.vector_store %arg5[%swap3A_498], %broadcast_in_dim3A_24 {strides = array<i32>} : memref<4096xf32, #tpu.memory_space<vmem>>, vector<16xf32>,
    %swap3A_500 = arith.constant 3808 : index
    %swap3A_501 = tpu.vector_load %arg5[%swap3A_500] {strides = array<i32>} : memref<4096xf32, #tpu.memory_space<vmem>>, vector<16xf32>,
    tpu.vector_store %arg5[%swap3A_500], %broadcast_in_dim3A_24 {strides = array<i32>} : memref<4096xf32, #tpu.memory_space<vmem>>, vector<16xf32>,
    %swap3A_502 = arith.constant 3824 : index
    %swap3A_503 = tpu.vector_load %arg5[%swap3A_502] {strides = array<i32>} : memref<4096xf32, #tpu.memory_space<vmem>>, vector<16xf32>,
    tpu.vector_store %arg5[%swap3A_502], %broadcast_in_dim3A_24 {strides = array<i32>} : memref<4096xf32, #tpu.memory_space<vmem>>, vector<16xf32>,
    %swap3A_504 = arith.constant 3840 : index
    %swap3A_505 = tpu.vector_load %arg5[%swap3A_504] {strides = array<i32>} : memref<4096xf32, #tpu.memory_space<vmem>>, vector<16xf32>,
    tpu.vector_store %arg5[%swap3A_504], %broadcast_in_dim3A_24 {strides = array<i32>} : memref<4096xf32, #tpu.memory_space<vmem>>, vector<16xf32>,
    %swap3A_506 = arith.constant 3856 : index
    %swap3A_507 = tpu.vector_load %arg5[%swap3A_506] {strides = array<i32>} : memref<4096xf32, #tpu.memory_space<vmem>>, vector<16xf32>,
    tpu.vector_store %arg5[%swap3A_506], %broadcast_in_dim3A_24 {strides = array<i32>} : memref<4096xf32, #tpu.memory_space<vmem>>, vector<16xf32>,
    %swap3A_508 = arith.constant 3872 : index
    %swap3A_509 = tpu.vector_load %arg5[%swap3A_508] {strides = array<i32>} : memref<4096xf32, #tpu.memory_space<vmem>>, vector<16xf32>,
    tpu.vector_store %arg5[%swap3A_508], %broadcast_in_dim3A_24 {strides = array<i32>} : memref<4096xf32, #tpu.memory_space<vmem>>, vector<16xf32>,
    %swap3A_510 = arith.constant 3888 : index
    %swap3A_511 = tpu.vector_load %arg5[%swap3A_510] {strides = array<i32>} : memref<4096xf32, #tpu.memory_space<vmem>>, vector<16xf32>,
    tpu.vector_store %arg5[%swap3A_510], %broadcast_in_dim3A_24 {strides = array<i32>} : memref<4096xf32, #tpu.memory_space<vmem>>, vector<16xf32>,
    %swap3A_512 = arith.constant 3904 : index
    %swap3A_513 = tpu.vector_load %arg5[%swap3A_512] {strides = array<i32>} : memref<4096xf32, #tpu.memory_space<vmem>>, vector<16xf32>,
    tpu.vector_store %arg5[%swap3A_512], %broadcast_in_dim3A_24 {strides = array<i32>} : memref<4096xf32, #tpu.memory_space<vmem>>, vector<16xf32>,
    %swap3A_514 = arith.constant 3920 : index
    %swap3A_515 = tpu.vector_load %arg5[%swap3A_514] {strides = array<i32>} : memref<4096xf32, #tpu.memory_space<vmem>>, vector<16xf32>,
    tpu.vector_store %arg5[%swap3A_514], %broadcast_in_dim3A_24 {strides = array<i32>} : memref<4096xf32, #tpu.memory_space<vmem>>, vector<16xf32>,
    %swap3A_516 = arith.constant 3936 : index
    %swap3A_517 = tpu.vector_load %arg5[%swap3A_516] {strides = array<i32>} : memref<4096xf32, #tpu.memory_space<vmem>>, vector<16xf32>,
    tpu.vector_store %arg5[%swap3A_516], %broadcast_in_dim3A_24 {strides = array<i32>} : memref<4096xf32, #tpu.memory_space<vmem>>, vector<16xf32>,
    %swap3A_518 = arith.constant 3952 : index
    %swap3A_519 = tpu.vector_load %arg5[%swap3A_518] {strides = array<i32>} : memref<4096xf32, #tpu.memory_space<vmem>>, vector<16xf32>,
    tpu.vector_store %arg5[%swap3A_518], %broadcast_in_dim3A_24 {strides = array<i32>} : memref<4096xf32, #tpu.memory_space<vmem>>, vector<16xf32>,
    %swap3A_520 = arith.constant 3968 : index
    %swap3A_521 = tpu.vector_load %arg5[%swap3A_520] {strides = array<i32>} : memref<4096xf32, #tpu.memory_space<vmem>>, vector<16xf32>,
    tpu.vector_store %arg5[%swap3A_520], %broadcast_in_dim3A_24 {strides = array<i32>} : memref<4096xf32, #tpu.memory_space<vmem>>, vector<16xf32>,
    %swap3A_522 = arith.constant 3984 : index
    %swap3A_523 = tpu.vector_load %arg5[%swap3A_522] {strides = array<i32>} : memref<4096xf32, #tpu.memory_space<vmem>>, vector<16xf32>,
    tpu.vector_store %arg5[%swap3A_522], %broadcast_in_dim3A_24 {strides = array<i32>} : memref<4096xf32, #tpu.memory_space<vmem>>, vector<16xf32>,
    %swap3A_524 = arith.constant 4000 : index
    %swap3A_525 = tpu.vector_load %arg5[%swap3A_524] {strides = array<i32>} : memref<4096xf32, #tpu.memory_space<vmem>>, vector<16xf32>,
    tpu.vector_store %arg5[%swap3A_524], %broadcast_in_dim3A_24 {strides = array<i32>} : memref<4096xf32, #tpu.memory_space<vmem>>, vector<16xf32>,
    %swap3A_526 = arith.constant 4016 : index
    %swap3A_527 = tpu.vector_load %arg5[%swap3A_526] {strides = array<i32>} : memref<4096xf32, #tpu.memory_space<vmem>>, vector<16xf32>,
    tpu.vector_store %arg5[%swap3A_526], %broadcast_in_dim3A_24 {strides = array<i32>} : memref<4096xf32, #tpu.memory_space<vmem>>, vector<16xf32>,
    %swap3A_528 = arith.constant 4032 : index
    %swap3A_529 = tpu.vector_load %arg5[%swap3A_528] {strides = array<i32>} : memref<4096xf32, #tpu.memory_space<vmem>>, vector<16xf32>,
    tpu.vector_store %arg5[%swap3A_528], %broadcast_in_dim3A_24 {strides = array<i32>} : memref<4096xf32, #tpu.memory_space<vmem>>, vector<16xf32>,
    %swap3A_530 = arith.constant 4048 : index
    %swap3A_531 = tpu.vector_load %arg5[%swap3A_530] {strides = array<i32>} : memref<4096xf32, #tpu.memory_space<vmem>>, vector<16xf32>,
    tpu.vector_store %arg5[%swap3A_530], %broadcast_in_dim3A_24 {strides = array<i32>} : memref<4096xf32, #tpu.memory_space<vmem>>, vector<16xf32>,
    %swap3A_532 = arith.constant 4064 : index
    %swap3A_533 = tpu.vector_load %arg5[%swap3A_532] {strides = array<i32>} : memref<4096xf32, #tpu.memory_space<vmem>>, vector<16xf32>,
    tpu.vector_store %arg5[%swap3A_532], %broadcast_in_dim3A_24 {strides = array<i32>} : memref<4096xf32, #tpu.memory_space<vmem>>, vector<16xf32>,
    %swap3A_534 = arith.constant 4080 : index
    %swap3A_535 = tpu.vector_load %arg5[%swap3A_534] {strides = array<i32>} : memref<4096xf32, #tpu.memory_space<vmem>>, vector<16xf32>,
    tpu.vector_store %arg5[%swap3A_534], %broadcast_in_dim3A_24 {strides = array<i32>} : memref<4096xf32, #tpu.memory_space<vmem>>, vector<16xf32>,
    %iota3A = tpu.iota {dimensions = array<i32: 0>} : vector<16xi32>
    %broadcast_in_dim3A_536 = arith.constant 1.000000e+00 : f32
    %broadcast_in_dim3A_537 = vector.broadcast %broadcast_in_dim3A_536 : f32 to vector<16xf32>
    %mul3A_538 = arith.constant 16 : i32
    %mul3A_539 = vector.broadcast %mul3A_538 : i32 to vector<16xi32>
    %mul3A_540 = arith.muli %iota3A, %mul3A_539 : vector<16xi32>
    %dma_wait3A = arith.constant 0 : i32
    %dma_wait3A_541 = arith.constant 0 : i32
    %dma_wait3A_542 = tpu.memref_slice %arg4[%dma_wait3A, %dma_wait3A_541] : memref<4x8192xi32, #tpu.memory_space<vmem>> -> memref<2x8192xi32, #tpu.memory_space<vmem>>
    %dma_wait3A_543 = arith.constant 0 : i32
    %dma_wait3A_544 = tpu.memref_slice %arg2[%mul3A_2, %dma_wait3A_543] : memref<128x8192xi32, #tpu.memory_space<hbm>> -> memref<2x8192xi32, #tpu.memory_space<hbm>>
    %dma_wait3A_545 = arith.constant 0 : i32
    %dma_wait3A_546 = arith.constant 0 : i32
    %dma_wait3A_547 = tpu.memref_slice %arg4[%dma_wait3A_545, %dma_wait3A_546] : memref<4x8192xi32, #tpu.memory_space<vmem>> -> memref<2x8192xi32, #tpu.memory_space<vmem>>
    %dma_wait3A_548 = arith.constant 0 : i32
    %dma_wait3A_549 = tpu.memref_slice %arg2[%mul3A_2, %dma_wait3A_548] : memref<128x8192xi32, #tpu.memory_space<hbm>> -> memref<2x8192xi32, #tpu.memory_space<hbm>>
    tpu.wait_dma2 semaphore(%arg7 : memref<!tpu.dma_semaphore, #tpu.memory_space<semaphore_mem>>) src(%dma_wait3A_549 : memref<2x8192xi32, #tpu.memory_space<hbm>>) dst(%dma_wait3A_547 : memref<2x8192xi32, #tpu.memory_space<vmem>>)
    %scan3A = arith.constant 0 : i32
    %scan3A_550 = arith.constant 0 : i32
    %scan3A_551 = arith.constant 2 : i32
    %scan3A_552 = arith.addi %scan3A_550, %scan3A_551 : i32
    %scan3A_553 = arith.constant 1 : i32
    scf.for %scan3A_573 = %scan3A_550 to %scan3A_552 step %scan3A_553  : i32 {
      %mul3A_574 = arith.constant 1024 : i32
      %mul3A_575 = arith.muli %scan3A_573, %mul3A_574 : i32
      %add3A_576 = vector.broadcast %mul3A_575 : i32 to vector<16xi32>
      %add3A_577 = arith.addi %iota3A, %add3A_576 : vector<16xi32>
      %get3A = arith.index_cast %scan3A_573 : i32 to index
      %get3A_578 = arith.constant 0 : index
      %get3A_579 = tpu.vector_load %arg4[%get3A, %get3A_578] {strides = array<i32>} : memref<4x8192xi32, #tpu.memory_space<vmem>>, vector<16xi32>,
      %get3A_580 = arith.index_cast %scan3A_573 : i32 to index
      %get3A_581 = arith.constant 16 : index
      %get3A_582 = tpu.vector_load %arg4[%get3A_580, %get3A_581] {strides = array<i32>} : memref<4x8192xi32, #tpu.memory_space<vmem>>, vector<16xi32>,
      %get3A_583 = arith.index_cast %scan3A_573 : i32 to index
      %get3A_584 = arith.constant 32 : index
      %get3A_585 = tpu.vector_load %arg4[%get3A_583, %get3A_584] {strides = array<i32>} : memref<4x8192xi32, #tpu.memory_space<vmem>>, vector<16xi32>,
      %get3A_586 = arith.index_cast %scan3A_573 : i32 to index
      %get3A_587 = arith.constant 48 : index
      %get3A_588 = tpu.vector_load %arg4[%get3A_586, %get3A_587] {strides = array<i32>} : memref<4x8192xi32, #tpu.memory_space<vmem>>, vector<16xi32>,
      %get3A_589 = arith.index_cast %scan3A_573 : i32 to index
      %get3A_590 = arith.constant 64 : index
      %get3A_591 = tpu.vector_load %arg4[%get3A_589, %get3A_590] {strides = array<i32>} : memref<4x8192xi32, #tpu.memory_space<vmem>>, vector<16xi32>,
      %get3A_592 = arith.index_cast %scan3A_573 : i32 to index
      %get3A_593 = arith.constant 80 : index
      %get3A_594 = tpu.vector_load %arg4[%get3A_592, %get3A_593] {strides = array<i32>} : memref<4x8192xi32, #tpu.memory_space<vmem>>, vector<16xi32>,
      %get3A_595 = arith.index_cast %scan3A_573 : i32 to index
      %get3A_596 = arith.constant 96 : index
      %get3A_597 = tpu.vector_load %arg4[%get3A_595, %get3A_596] {strides = array<i32>} : memref<4x8192xi32, #tpu.memory_space<vmem>>, vector<16xi32>,
      %get3A_598 = arith.index_cast %scan3A_573 : i32 to index
      %get3A_599 = arith.constant 112 : index
      %get3A_600 = tpu.vector_load %arg4[%get3A_598, %get3A_599] {strides = array<i32>} : memref<4x8192xi32, #tpu.memory_space<vmem>>, vector<16xi32>,
      %get3A_601 = arith.index_cast %scan3A_573 : i32 to index
      %get3A_602 = arith.constant 128 : index
      %get3A_603 = tpu.vector_load %arg4[%get3A_601, %get3A_602] {strides = array<i32>} : memref<4x8192xi32, #tpu.memory_space<vmem>>, vector<16xi32>,
      %get3A_604 = arith.index_cast %scan3A_573 : i32 to index
      %get3A_605 = arith.constant 144 : index
      %get3A_606 = tpu.vector_load %arg4[%get3A_604, %get3A_605] {strides = array<i32>} : memref<4x8192xi32, #tpu.memory_space<vmem>>, vector<16xi32>,
      %get3A_607 = arith.index_cast %scan3A_573 : i32 to index
      %get3A_608 = arith.constant 160 : index
      %get3A_609 = tpu.vector_load %arg4[%get3A_607, %get3A_608] {strides = array<i32>} : memref<4x8192xi32, #tpu.memory_space<vmem>>, vector<16xi32>,
      %get3A_610 = arith.index_cast %scan3A_573 : i32 to index
      %get3A_611 = arith.constant 176 : index
      %get3A_612 = tpu.vector_load %arg4[%get3A_610, %get3A_611] {strides = array<i32>} : memref<4x8192xi32, #tpu.memory_space<vmem>>, vector<16xi32>,
      %get3A_613 = arith.index_cast %scan3A_573 : i32 to index
      %get3A_614 = arith.constant 192 : index
      %get3A_615 = tpu.vector_load %arg4[%get3A_613, %get3A_614] {strides = array<i32>} : memref<4x8192xi32, #tpu.memory_space<vmem>>, vector<16xi32>,
      %get3A_616 = arith.index_cast %scan3A_573 : i32 to index
      %get3A_617 = arith.constant 208 : index
      %get3A_618 = tpu.vector_load %arg4[%get3A_616, %get3A_617] {strides = array<i32>} : memref<4x8192xi32, #tpu.memory_space<vmem>>, vector<16xi32>,
      %get3A_619 = arith.index_cast %scan3A_573 : i32 to index
      %get3A_620 = arith.constant 224 : index
      %get3A_621 = tpu.vector_load %arg4[%get3A_619, %get3A_620] {strides = array<i32>} : memref<4x8192xi32, #tpu.memory_space<vmem>>, vector<16xi32>,
      %get3A_622 = arith.index_cast %scan3A_573 : i32 to index
      %get3A_623 = arith.constant 240 : index
      %get3A_624 = tpu.vector_load %arg4[%get3A_622, %get3A_623] {strides = array<i32>} : memref<4x8192xi32, #tpu.memory_space<vmem>>, vector<16xi32>,
      %scan3A_625 = arith.constant 0 : i32
      %scan3A_626 = arith.constant 31 : i32
      %scan3A_627 = arith.addi %scan3A_625, %scan3A_626 : i32
      %scan3A_628 = arith.constant 1 : i32
      %scan3A_629:16 = scf.for %scan3A_729 = %scan3A_625 to %scan3A_627 step %scan3A_628 iter_args(%scan3A_730 = %get3A_579, %scan3A_731 = %get3A_582, %scan3A_732 = %get3A_585, %scan3A_733 = %get3A_588, %scan3A_734 = %get3A_591, %scan3A_735 = %get3A_594, %scan3A_736 = %get3A_597, %scan3A_737 = %get3A_600, %scan3A_738 = %get3A_603, %scan3A_739 = %get3A_606, %scan3A_740 = %get3A_609, %scan3A_741 = %get3A_612, %scan3A_742 = %get3A_615, %scan3A_743 = %get3A_618, %scan3A_744 = %get3A_621, %scan3A_745 = %get3A_624) -> (vector<16xi32>, vector<16xi32>, vector<16xi32>, vector<16xi32>, vector<16xi32>, vector<16xi32>, vector<16xi32>, vector<16xi32>, vector<16xi32>, vector<16xi32>, vector<16xi32>, vector<16xi32>, vector<16xi32>, vector<16xi32>, vector<16xi32>, vector<16xi32>)  : i32 {
        %add3A_746 = arith.constant 1 : i32
        %add3A_747 = arith.addi %scan3A_729, %add3A_746 : i32
        %mul3A_748 = arith.constant 256 : i32
        %mul3A_749 = arith.muli %add3A_747, %mul3A_748 : i32
        %add3A_750 = arith.constant 0 : i32
        %add3A_751 = arith.addi %mul3A_749, %add3A_750 : i32
        %get3A_752 = arith.index_cast %scan3A_573 : i32 to index
        %get3A_753 = arith.index_cast %add3A_751 : i32 to index
        %get3A_754 = tpu.vector_load %arg4[%get3A_752, %get3A_753] {strides = array<i32>} : memref<4x8192xi32, #tpu.memory_space<vmem>>, vector<16xi32>,
        %add3A_755 = arith.constant 1 : i32
        %add3A_756 = arith.addi %scan3A_729, %add3A_755 : i32
        %mul3A_757 = arith.constant 256 : i32
        %mul3A_758 = arith.muli %add3A_756, %mul3A_757 : i32
        %add3A_759 = arith.constant 16 : i32
        %add3A_760 = arith.addi %mul3A_758, %add3A_759 : i32
        %get3A_761 = arith.index_cast %scan3A_573 : i32 to index
        %get3A_762 = arith.index_cast %add3A_760 : i32 to index
        %get3A_763 = tpu.vector_load %arg4[%get3A_761, %get3A_762] {strides = array<i32>} : memref<4x8192xi32, #tpu.memory_space<vmem>>, vector<16xi32>,
        %add3A_764 = arith.constant 1 : i32
        %add3A_765 = arith.addi %scan3A_729, %add3A_764 : i32
        %mul3A_766 = arith.constant 256 : i32
        %mul3A_767 = arith.muli %add3A_765, %mul3A_766 : i32
        %add3A_768 = arith.constant 32 : i32
        %add3A_769 = arith.addi %mul3A_767, %add3A_768 : i32
        %get3A_770 = arith.index_cast %scan3A_573 : i32 to index
        %get3A_771 = arith.index_cast %add3A_769 : i32 to index
        %get3A_772 = tpu.vector_load %arg4[%get3A_770, %get3A_771] {strides = array<i32>} : memref<4x8192xi32, #tpu.memory_space<vmem>>, vector<16xi32>,
        %add3A_773 = arith.constant 1 : i32
        %add3A_774 = arith.addi %scan3A_729, %add3A_773 : i32
        %mul3A_775 = arith.constant 256 : i32
        %mul3A_776 = arith.muli %add3A_774, %mul3A_775 : i32
        %add3A_777 = arith.constant 48 : i32
        %add3A_778 = arith.addi %mul3A_776, %add3A_777 : i32
        %get3A_779 = arith.index_cast %scan3A_573 : i32 to index
        %get3A_780 = arith.index_cast %add3A_778 : i32 to index
        %get3A_781 = tpu.vector_load %arg4[%get3A_779, %get3A_780] {strides = array<i32>} : memref<4x8192xi32, #tpu.memory_space<vmem>>, vector<16xi32>,
        %add3A_782 = arith.constant 1 : i32
        %add3A_783 = arith.addi %scan3A_729, %add3A_782 : i32
        %mul3A_784 = arith.constant 256 : i32
        %mul3A_785 = arith.muli %add3A_783, %mul3A_784 : i32
        %add3A_786 = arith.constant 64 : i32
        %add3A_787 = arith.addi %mul3A_785, %add3A_786 : i32
        %get3A_788 = arith.index_cast %scan3A_573 : i32 to index
        %get3A_789 = arith.index_cast %add3A_787 : i32 to index
        %get3A_790 = tpu.vector_load %arg4[%get3A_788, %get3A_789] {strides = array<i32>} : memref<4x8192xi32, #tpu.memory_space<vmem>>, vector<16xi32>,
        %add3A_791 = arith.constant 1 : i32
        %add3A_792 = arith.addi %scan3A_729, %add3A_791 : i32
        %mul3A_793 = arith.constant 256 : i32
        %mul3A_794 = arith.muli %add3A_792, %mul3A_793 : i32
        %add3A_795 = arith.constant 80 : i32
        %add3A_796 = arith.addi %mul3A_794, %add3A_795 : i32
        %get3A_797 = arith.index_cast %scan3A_573 : i32 to index
        %get3A_798 = arith.index_cast %add3A_796 : i32 to index
        %get3A_799 = tpu.vector_load %arg4[%get3A_797, %get3A_798] {strides = array<i32>} : memref<4x8192xi32, #tpu.memory_space<vmem>>, vector<16xi32>,
        %add3A_800 = arith.constant 1 : i32
        %add3A_801 = arith.addi %scan3A_729, %add3A_800 : i32
        %mul3A_802 = arith.constant 256 : i32
        %mul3A_803 = arith.muli %add3A_801, %mul3A_802 : i32
        %add3A_804 = arith.constant 96 : i32
        %add3A_805 = arith.addi %mul3A_803, %add3A_804 : i32
        %get3A_806 = arith.index_cast %scan3A_573 : i32 to index
        %get3A_807 = arith.index_cast %add3A_805 : i32 to index
        %get3A_808 = tpu.vector_load %arg4[%get3A_806, %get3A_807] {strides = array<i32>} : memref<4x8192xi32, #tpu.memory_space<vmem>>, vector<16xi32>,
        %add3A_809 = arith.constant 1 : i32
        %add3A_810 = arith.addi %scan3A_729, %add3A_809 : i32
        %mul3A_811 = arith.constant 256 : i32
        %mul3A_812 = arith.muli %add3A_810, %mul3A_811 : i32
        %add3A_813 = arith.constant 112 : i32
        %add3A_814 = arith.addi %mul3A_812, %add3A_813 : i32
        %get3A_815 = arith.index_cast %scan3A_573 : i32 to index
        %get3A_816 = arith.index_cast %add3A_814 : i32 to index
        %get3A_817 = tpu.vector_load %arg4[%get3A_815, %get3A_816] {strides = array<i32>} : memref<4x8192xi32, #tpu.memory_space<vmem>>, vector<16xi32>,
        %add3A_818 = arith.constant 1 : i32
        %add3A_819 = arith.addi %scan3A_729, %add3A_818 : i32
        %mul3A_820 = arith.constant 256 : i32
        %mul3A_821 = arith.muli %add3A_819, %mul3A_820 : i32
        %add3A_822 = arith.constant 128 : i32
        %add3A_823 = arith.addi %mul3A_821, %add3A_822 : i32
        %get3A_824 = arith.index_cast %scan3A_573 : i32 to index
        %get3A_825 = arith.index_cast %add3A_823 : i32 to index
        %get3A_826 = tpu.vector_load %arg4[%get3A_824, %get3A_825] {strides = array<i32>} : memref<4x8192xi32, #tpu.memory_space<vmem>>, vector<16xi32>,
        %add3A_827 = arith.constant 1 : i32
        %add3A_828 = arith.addi %scan3A_729, %add3A_827 : i32
        %mul3A_829 = arith.constant 256 : i32
        %mul3A_830 = arith.muli %add3A_828, %mul3A_829 : i32
        %add3A_831 = arith.constant 144 : i32
        %add3A_832 = arith.addi %mul3A_830, %add3A_831 : i32
        %get3A_833 = arith.index_cast %scan3A_573 : i32 to index
        %get3A_834 = arith.index_cast %add3A_832 : i32 to index
        %get3A_835 = tpu.vector_load %arg4[%get3A_833, %get3A_834] {strides = array<i32>} : memref<4x8192xi32, #tpu.memory_space<vmem>>, vector<16xi32>,
        %add3A_836 = arith.constant 1 : i32
        %add3A_837 = arith.addi %scan3A_729, %add3A_836 : i32
        %mul3A_838 = arith.constant 256 : i32
        %mul3A_839 = arith.muli %add3A_837, %mul3A_838 : i32
        %add3A_840 = arith.constant 160 : i32
        %add3A_841 = arith.addi %mul3A_839, %add3A_840 : i32
        %get3A_842 = arith.index_cast %scan3A_573 : i32 to index
        %get3A_843 = arith.index_cast %add3A_841 : i32 to index
        %get3A_844 = tpu.vector_load %arg4[%get3A_842, %get3A_843] {strides = array<i32>} : memref<4x8192xi32, #tpu.memory_space<vmem>>, vector<16xi32>,
        %add3A_845 = arith.constant 1 : i32
        %add3A_846 = arith.addi %scan3A_729, %add3A_845 : i32
        %mul3A_847 = arith.constant 256 : i32
        %mul3A_848 = arith.muli %add3A_846, %mul3A_847 : i32
        %add3A_849 = arith.constant 176 : i32
        %add3A_850 = arith.addi %mul3A_848, %add3A_849 : i32
        %get3A_851 = arith.index_cast %scan3A_573 : i32 to index
        %get3A_852 = arith.index_cast %add3A_850 : i32 to index
        %get3A_853 = tpu.vector_load %arg4[%get3A_851, %get3A_852] {strides = array<i32>} : memref<4x8192xi32, #tpu.memory_space<vmem>>, vector<16xi32>,
        %add3A_854 = arith.constant 1 : i32
        %add3A_855 = arith.addi %scan3A_729, %add3A_854 : i32
        %mul3A_856 = arith.constant 256 : i32
        %mul3A_857 = arith.muli %add3A_855, %mul3A_856 : i32
        %add3A_858 = arith.constant 192 : i32
        %add3A_859 = arith.addi %mul3A_857, %add3A_858 : i32
        %get3A_860 = arith.index_cast %scan3A_573 : i32 to index
        %get3A_861 = arith.index_cast %add3A_859 : i32 to index
        %get3A_862 = tpu.vector_load %arg4[%get3A_860, %get3A_861] {strides = array<i32>} : memref<4x8192xi32, #tpu.memory_space<vmem>>, vector<16xi32>,
        %add3A_863 = arith.constant 1 : i32
        %add3A_864 = arith.addi %scan3A_729, %add3A_863 : i32
        %mul3A_865 = arith.constant 256 : i32
        %mul3A_866 = arith.muli %add3A_864, %mul3A_865 : i32
        %add3A_867 = arith.constant 208 : i32
        %add3A_868 = arith.addi %mul3A_866, %add3A_867 : i32
        %get3A_869 = arith.index_cast %scan3A_573 : i32 to index
        %get3A_870 = arith.index_cast %add3A_868 : i32 to index
        %get3A_871 = tpu.vector_load %arg4[%get3A_869, %get3A_870] {strides = array<i32>} : memref<4x8192xi32, #tpu.memory_space<vmem>>, vector<16xi32>,
        %add3A_872 = arith.constant 1 : i32
        %add3A_873 = arith.addi %scan3A_729, %add3A_872 : i32
        %mul3A_874 = arith.constant 256 : i32
        %mul3A_875 = arith.muli %add3A_873, %mul3A_874 : i32
        %add3A_876 = arith.constant 224 : i32
        %add3A_877 = arith.addi %mul3A_875, %add3A_876 : i32
        %get3A_878 = arith.index_cast %scan3A_573 : i32 to index
        %get3A_879 = arith.index_cast %add3A_877 : i32 to index
        %get3A_880 = tpu.vector_load %arg4[%get3A_878, %get3A_879] {strides = array<i32>} : memref<4x8192xi32, #tpu.memory_space<vmem>>, vector<16xi32>,
        %add3A_881 = arith.constant 1 : i32
        %add3A_882 = arith.addi %scan3A_729, %add3A_881 : i32
        %mul3A_883 = arith.constant 256 : i32
        %mul3A_884 = arith.muli %add3A_882, %mul3A_883 : i32
        %add3A_885 = arith.constant 240 : i32
        %add3A_886 = arith.addi %mul3A_884, %add3A_885 : i32
        %get3A_887 = arith.index_cast %scan3A_573 : i32 to index
        %get3A_888 = arith.index_cast %add3A_886 : i32 to index
        %get3A_889 = tpu.vector_load %arg4[%get3A_887, %get3A_888] {strides = array<i32>} : memref<4x8192xi32, #tpu.memory_space<vmem>>, vector<16xi32>,
        %mul3A_890 = arith.constant 16 : i32
        %mul3A_891 = vector.broadcast %mul3A_890 : i32 to vector<16xi32>
        %mul3A_892 = arith.muli %scan3A_730, %mul3A_891 : vector<16xi32>
        %add3A_893 = arith.addi %mul3A_892, %add3A_577 : vector<16xi32>
        tpu.vector_store_idx %arg5[%add3A_893], %broadcast_in_dim3A_537 {add = true} : memref<4096xf32, #tpu.memory_space<vmem>>[vector<16xi32>], vector<16xf32>,
        %mul3A_894 = arith.constant 16 : i32
        %mul3A_895 = vector.broadcast %mul3A_894 : i32 to vector<16xi32>
        %mul3A_896 = arith.muli %scan3A_731, %mul3A_895 : vector<16xi32>
        %add3A_897 = arith.addi %mul3A_896, %add3A_577 : vector<16xi32>
        tpu.vector_store_idx %arg5[%add3A_897], %broadcast_in_dim3A_537 {add = true} : memref<4096xf32, #tpu.memory_space<vmem>>[vector<16xi32>], vector<16xf32>,
        %mul3A_898 = arith.constant 16 : i32
        %mul3A_899 = vector.broadcast %mul3A_898 : i32 to vector<16xi32>
        %mul3A_900 = arith.muli %scan3A_732, %mul3A_899 : vector<16xi32>
        %add3A_901 = arith.addi %mul3A_900, %add3A_577 : vector<16xi32>
        tpu.vector_store_idx %arg5[%add3A_901], %broadcast_in_dim3A_537 {add = true} : memref<4096xf32, #tpu.memory_space<vmem>>[vector<16xi32>], vector<16xf32>,
        %mul3A_902 = arith.constant 16 : i32
        %mul3A_903 = vector.broadcast %mul3A_902 : i32 to vector<16xi32>
        %mul3A_904 = arith.muli %scan3A_733, %mul3A_903 : vector<16xi32>
        %add3A_905 = arith.addi %mul3A_904, %add3A_577 : vector<16xi32>
        tpu.vector_store_idx %arg5[%add3A_905], %broadcast_in_dim3A_537 {add = true} : memref<4096xf32, #tpu.memory_space<vmem>>[vector<16xi32>], vector<16xf32>,
        %mul3A_906 = arith.constant 16 : i32
        %mul3A_907 = vector.broadcast %mul3A_906 : i32 to vector<16xi32>
        %mul3A_908 = arith.muli %scan3A_734, %mul3A_907 : vector<16xi32>
        %add3A_909 = arith.addi %mul3A_908, %add3A_577 : vector<16xi32>
        tpu.vector_store_idx %arg5[%add3A_909], %broadcast_in_dim3A_537 {add = true} : memref<4096xf32, #tpu.memory_space<vmem>>[vector<16xi32>], vector<16xf32>,
        %mul3A_910 = arith.constant 16 : i32
        %mul3A_911 = vector.broadcast %mul3A_910 : i32 to vector<16xi32>
        %mul3A_912 = arith.muli %scan3A_735, %mul3A_911 : vector<16xi32>
        %add3A_913 = arith.addi %mul3A_912, %add3A_577 : vector<16xi32>
        tpu.vector_store_idx %arg5[%add3A_913], %broadcast_in_dim3A_537 {add = true} : memref<4096xf32, #tpu.memory_space<vmem>>[vector<16xi32>], vector<16xf32>,
        %mul3A_914 = arith.constant 16 : i32
        %mul3A_915 = vector.broadcast %mul3A_914 : i32 to vector<16xi32>
        %mul3A_916 = arith.muli %scan3A_736, %mul3A_915 : vector<16xi32>
        %add3A_917 = arith.addi %mul3A_916, %add3A_577 : vector<16xi32>
        tpu.vector_store_idx %arg5[%add3A_917], %broadcast_in_dim3A_537 {add = true} : memref<4096xf32, #tpu.memory_space<vmem>>[vector<16xi32>], vector<16xf32>,
        %mul3A_918 = arith.constant 16 : i32
        %mul3A_919 = vector.broadcast %mul3A_918 : i32 to vector<16xi32>
        %mul3A_920 = arith.muli %scan3A_737, %mul3A_919 : vector<16xi32>
        %add3A_921 = arith.addi %mul3A_920, %add3A_577 : vector<16xi32>
        tpu.vector_store_idx %arg5[%add3A_921], %broadcast_in_dim3A_537 {add = true} : memref<4096xf32, #tpu.memory_space<vmem>>[vector<16xi32>], vector<16xf32>,
        %mul3A_922 = arith.constant 16 : i32
        %mul3A_923 = vector.broadcast %mul3A_922 : i32 to vector<16xi32>
        %mul3A_924 = arith.muli %scan3A_738, %mul3A_923 : vector<16xi32>
        %add3A_925 = arith.addi %mul3A_924, %add3A_577 : vector<16xi32>
        tpu.vector_store_idx %arg5[%add3A_925], %broadcast_in_dim3A_537 {add = true} : memref<4096xf32, #tpu.memory_space<vmem>>[vector<16xi32>], vector<16xf32>,
        %mul3A_926 = arith.constant 16 : i32
        %mul3A_927 = vector.broadcast %mul3A_926 : i32 to vector<16xi32>
        %mul3A_928 = arith.muli %scan3A_739, %mul3A_927 : vector<16xi32>
        %add3A_929 = arith.addi %mul3A_928, %add3A_577 : vector<16xi32>
        tpu.vector_store_idx %arg5[%add3A_929], %broadcast_in_dim3A_537 {add = true} : memref<4096xf32, #tpu.memory_space<vmem>>[vector<16xi32>], vector<16xf32>,
        %mul3A_930 = arith.constant 16 : i32
        %mul3A_931 = vector.broadcast %mul3A_930 : i32 to vector<16xi32>
        %mul3A_932 = arith.muli %scan3A_740, %mul3A_931 : vector<16xi32>
        %add3A_933 = arith.addi %mul3A_932, %add3A_577 : vector<16xi32>
        tpu.vector_store_idx %arg5[%add3A_933], %broadcast_in_dim3A_537 {add = true} : memref<4096xf32, #tpu.memory_space<vmem>>[vector<16xi32>], vector<16xf32>,
        %mul3A_934 = arith.constant 16 : i32
        %mul3A_935 = vector.broadcast %mul3A_934 : i32 to vector<16xi32>
        %mul3A_936 = arith.muli %scan3A_741, %mul3A_935 : vector<16xi32>
        %add3A_937 = arith.addi %mul3A_936, %add3A_577 : vector<16xi32>
        tpu.vector_store_idx %arg5[%add3A_937], %broadcast_in_dim3A_537 {add = true} : memref<4096xf32, #tpu.memory_space<vmem>>[vector<16xi32>], vector<16xf32>,
        %mul3A_938 = arith.constant 16 : i32
        %mul3A_939 = vector.broadcast %mul3A_938 : i32 to vector<16xi32>
        %mul3A_940 = arith.muli %scan3A_742, %mul3A_939 : vector<16xi32>
        %add3A_941 = arith.addi %mul3A_940, %add3A_577 : vector<16xi32>
        tpu.vector_store_idx %arg5[%add3A_941], %broadcast_in_dim3A_537 {add = true} : memref<4096xf32, #tpu.memory_space<vmem>>[vector<16xi32>], vector<16xf32>,
        %mul3A_942 = arith.constant 16 : i32
        %mul3A_943 = vector.broadcast %mul3A_942 : i32 to vector<16xi32>
        %mul3A_944 = arith.muli %scan3A_743, %mul3A_943 : vector<16xi32>
        %add3A_945 = arith.addi %mul3A_944, %add3A_577 : vector<16xi32>
        tpu.vector_store_idx %arg5[%add3A_945], %broadcast_in_dim3A_537 {add = true} : memref<4096xf32, #tpu.memory_space<vmem>>[vector<16xi32>], vector<16xf32>,
        %mul3A_946 = arith.constant 16 : i32
        %mul3A_947 = vector.broadcast %mul3A_946 : i32 to vector<16xi32>
        %mul3A_948 = arith.muli %scan3A_744, %mul3A_947 : vector<16xi32>
        %add3A_949 = arith.addi %mul3A_948, %add3A_577 : vector<16xi32>
        tpu.vector_store_idx %arg5[%add3A_949], %broadcast_in_dim3A_537 {add = true} : memref<4096xf32, #tpu.memory_space<vmem>>[vector<16xi32>], vector<16xf32>,
        %mul3A_950 = arith.constant 16 : i32
        %mul3A_951 = vector.broadcast %mul3A_950 : i32 to vector<16xi32>
        %mul3A_952 = arith.muli %scan3A_745, %mul3A_951 : vector<16xi32>
        %add3A_953 = arith.addi %mul3A_952, %add3A_577 : vector<16xi32>
        tpu.vector_store_idx %arg5[%add3A_953], %broadcast_in_dim3A_537 {add = true} : memref<4096xf32, #tpu.memory_space<vmem>>[vector<16xi32>], vector<16xf32>,
        scf.yield %get3A_754, %get3A_763, %get3A_772, %get3A_781, %get3A_790, %get3A_799, %get3A_808, %get3A_817, %get3A_826, %get3A_835, %get3A_844, %get3A_853, %get3A_862, %get3A_871, %get3A_880, %get3A_889 : vector<16xi32>, vector<16xi32>, vector<16xi32>, vector<16xi32>, vector<16xi32>, vector<16xi32>, vector<16xi32>, vector<16xi32>, vector<16xi32>, vector<16xi32>, vector<16xi32>, vector<16xi32>, vector<16xi32>, vector<16xi32>, vector<16xi32>, vector<16xi32>
      }
      %scan3A_630 = arith.constant 31 : i32
      %mul3A_631 = arith.constant 16 : i32
      %mul3A_632 = vector.broadcast %mul3A_631 : i32 to vector<16xi32>
      %mul3A_633 = arith.muli %scan3A_629#0, %mul3A_632 : vector<16xi32>
      %add3A_634 = arith.addi %mul3A_633, %add3A_577 : vector<16xi32>
      tpu.vector_store_idx %arg5[%add3A_634], %broadcast_in_dim3A_537 {add = true} : memref<4096xf32, #tpu.memory_space<vmem>>[vector<16xi32>], vector<16xf32>,
      %mul3A_635 = arith.constant 16 : i32
      %mul3A_636 = vector.broadcast %mul3A_635 : i32 to vector<16xi32>
      %mul3A_637 = arith.muli %scan3A_629#1, %mul3A_636 : vector<16xi32>
      %add3A_638 = arith.addi %mul3A_637, %add3A_577 : vector<16xi32>
      tpu.vector_store_idx %arg5[%add3A_638], %broadcast_in_dim3A_537 {add = true} : memref<4096xf32, #tpu.memory_space<vmem>>[vector<16xi32>], vector<16xf32>,
      %mul3A_639 = arith.constant 16 : i32
      %mul3A_640 = vector.broadcast %mul3A_639 : i32 to vector<16xi32>
      %mul3A_641 = arith.muli %scan3A_629#2, %mul3A_640 : vector<16xi32>
      %add3A_642 = arith.addi %mul3A_641, %add3A_577 : vector<16xi32>
      tpu.vector_store_idx %arg5[%add3A_642], %broadcast_in_dim3A_537 {add = true} : memref<4096xf32, #tpu.memory_space<vmem>>[vector<16xi32>], vector<16xf32>,
      %mul3A_643 = arith.constant 16 : i32
      %mul3A_644 = vector.broadcast %mul3A_643 : i32 to vector<16xi32>
      %mul3A_645 = arith.muli %scan3A_629#3, %mul3A_644 : vector<16xi32>
      %add3A_646 = arith.addi %mul3A_645, %add3A_577 : vector<16xi32>
      tpu.vector_store_idx %arg5[%add3A_646], %broadcast_in_dim3A_537 {add = true} : memref<4096xf32, #tpu.memory_space<vmem>>[vector<16xi32>], vector<16xf32>,
      %mul3A_647 = arith.constant 16 : i32
      %mul3A_648 = vector.broadcast %mul3A_647 : i32 to vector<16xi32>
      %mul3A_649 = arith.muli %scan3A_629#4, %mul3A_648 : vector<16xi32>
      %add3A_650 = arith.addi %mul3A_649, %add3A_577 : vector<16xi32>
      tpu.vector_store_idx %arg5[%add3A_650], %broadcast_in_dim3A_537 {add = true} : memref<4096xf32, #tpu.memory_space<vmem>>[vector<16xi32>], vector<16xf32>,
      %mul3A_651 = arith.constant 16 : i32
      %mul3A_652 = vector.broadcast %mul3A_651 : i32 to vector<16xi32>
      %mul3A_653 = arith.muli %scan3A_629#5, %mul3A_652 : vector<16xi32>
      %add3A_654 = arith.addi %mul3A_653, %add3A_577 : vector<16xi32>
      tpu.vector_store_idx %arg5[%add3A_654], %broadcast_in_dim3A_537 {add = true} : memref<4096xf32, #tpu.memory_space<vmem>>[vector<16xi32>], vector<16xf32>,
      %mul3A_655 = arith.constant 16 : i32
      %mul3A_656 = vector.broadcast %mul3A_655 : i32 to vector<16xi32>
      %mul3A_657 = arith.muli %scan3A_629#6, %mul3A_656 : vector<16xi32>
      %add3A_658 = arith.addi %mul3A_657, %add3A_577 : vector<16xi32>
      tpu.vector_store_idx %arg5[%add3A_658], %broadcast_in_dim3A_537 {add = true} : memref<4096xf32, #tpu.memory_space<vmem>>[vector<16xi32>], vector<16xf32>,
      %mul3A_659 = arith.constant 16 : i32
      %mul3A_660 = vector.broadcast %mul3A_659 : i32 to vector<16xi32>
      %mul3A_661 = arith.muli %scan3A_629#7, %mul3A_660 : vector<16xi32>
      %add3A_662 = arith.addi %mul3A_661, %add3A_577 : vector<16xi32>
      tpu.vector_store_idx %arg5[%add3A_662], %broadcast_in_dim3A_537 {add = true} : memref<4096xf32, #tpu.memory_space<vmem>>[vector<16xi32>], vector<16xf32>,
      %mul3A_663 = arith.constant 16 : i32
      %mul3A_664 = vector.broadcast %mul3A_663 : i32 to vector<16xi32>
      %mul3A_665 = arith.muli %scan3A_629#8, %mul3A_664 : vector<16xi32>
      %add3A_666 = arith.addi %mul3A_665, %add3A_577 : vector<16xi32>
      tpu.vector_store_idx %arg5[%add3A_666], %broadcast_in_dim3A_537 {add = true} : memref<4096xf32, #tpu.memory_space<vmem>>[vector<16xi32>], vector<16xf32>,
      %mul3A_667 = arith.constant 16 : i32
      %mul3A_668 = vector.broadcast %mul3A_667 : i32 to vector<16xi32>
      %mul3A_669 = arith.muli %scan3A_629#9, %mul3A_668 : vector<16xi32>
      %add3A_670 = arith.addi %mul3A_669, %add3A_577 : vector<16xi32>
      tpu.vector_store_idx %arg5[%add3A_670], %broadcast_in_dim3A_537 {add = true} : memref<4096xf32, #tpu.memory_space<vmem>>[vector<16xi32>], vector<16xf32>,
      %mul3A_671 = arith.constant 16 : i32
      %mul3A_672 = vector.broadcast %mul3A_671 : i32 to vector<16xi32>
      %mul3A_673 = arith.muli %scan3A_629#10, %mul3A_672 : vector<16xi32>
      %add3A_674 = arith.addi %mul3A_673, %add3A_577 : vector<16xi32>
      tpu.vector_store_idx %arg5[%add3A_674], %broadcast_in_dim3A_537 {add = true} : memref<4096xf32, #tpu.memory_space<vmem>>[vector<16xi32>], vector<16xf32>,
      %mul3A_675 = arith.constant 16 : i32
      %mul3A_676 = vector.broadcast %mul3A_675 : i32 to vector<16xi32>
      %mul3A_677 = arith.muli %scan3A_629#11, %mul3A_676 : vector<16xi32>
      %add3A_678 = arith.addi %mul3A_677, %add3A_577 : vector<16xi32>
      tpu.vector_store_idx %arg5[%add3A_678], %broadcast_in_dim3A_537 {add = true} : memref<4096xf32, #tpu.memory_space<vmem>>[vector<16xi32>], vector<16xf32>,
      %mul3A_679 = arith.constant 16 : i32
      %mul3A_680 = vector.broadcast %mul3A_679 : i32 to vector<16xi32>
      %mul3A_681 = arith.muli %scan3A_629#12, %mul3A_680 : vector<16xi32>
      %add3A_682 = arith.addi %mul3A_681, %add3A_577 : vector<16xi32>
      tpu.vector_store_idx %arg5[%add3A_682], %broadcast_in_dim3A_537 {add = true} : memref<4096xf32, #tpu.memory_space<vmem>>[vector<16xi32>], vector<16xf32>,
      %mul3A_683 = arith.constant 16 : i32
      %mul3A_684 = vector.broadcast %mul3A_683 : i32 to vector<16xi32>
      %mul3A_685 = arith.muli %scan3A_629#13, %mul3A_684 : vector<16xi32>
      %add3A_686 = arith.addi %mul3A_685, %add3A_577 : vector<16xi32>
      tpu.vector_store_idx %arg5[%add3A_686], %broadcast_in_dim3A_537 {add = true} : memref<4096xf32, #tpu.memory_space<vmem>>[vector<16xi32>], vector<16xf32>,
      %mul3A_687 = arith.constant 16 : i32
      %mul3A_688 = vector.broadcast %mul3A_687 : i32 to vector<16xi32>
      %mul3A_689 = arith.muli %scan3A_629#14, %mul3A_688 : vector<16xi32>
      %add3A_690 = arith.addi %mul3A_689, %add3A_577 : vector<16xi32>
      tpu.vector_store_idx %arg5[%add3A_690], %broadcast_in_dim3A_537 {add = true} : memref<4096xf32, #tpu.memory_space<vmem>>[vector<16xi32>], vector<16xf32>,
      %mul3A_691 = arith.constant 16 : i32
      %mul3A_692 = vector.broadcast %mul3A_691 : i32 to vector<16xi32>
      %mul3A_693 = arith.muli %scan3A_629#15, %mul3A_692 : vector<16xi32>
      %add3A_694 = arith.addi %mul3A_693, %add3A_577 : vector<16xi32>
      tpu.vector_store_idx %arg5[%add3A_694], %broadcast_in_dim3A_537 {add = true} : memref<4096xf32, #tpu.memory_space<vmem>>[vector<16xi32>], vector<16xf32>,
      %add3A_695 = arith.constant 0 : i32
      %add3A_696 = arith.addi %mul3A_575, %add3A_695 : i32
      %add3A_697 = vector.broadcast %add3A_696 : i32 to vector<16xi32>
      %add3A_698 = arith.addi %mul3A_540, %add3A_697 : vector<16xi32>
      %add3A_699 = arith.constant 256 : i32
      %add3A_700 = arith.addi %mul3A_575, %add3A_699 : i32
      %add3A_701 = vector.broadcast %add3A_700 : i32 to vector<16xi32>
      %add3A_702 = arith.addi %mul3A_540, %add3A_701 : vector<16xi32>
      %add3A_703 = arith.constant 512 : i32
      %add3A_704 = arith.addi %mul3A_575, %add3A_703 : i32
      %add3A_705 = vector.broadcast %add3A_704 : i32 to vector<16xi32>
      %add3A_706 = arith.addi %mul3A_540, %add3A_705 : vector<16xi32>
      %add3A_707 = arith.constant 768 : i32
      %add3A_708 = arith.addi %mul3A_575, %add3A_707 : i32
      %add3A_709 = vector.broadcast %add3A_708 : i32 to vector<16xi32>
      %add3A_710 = arith.addi %mul3A_540, %add3A_709 : vector<16xi32>
      %scan3A_711 = arith.constant 0 : i32
      %scan3A_712 = arith.constant 16 : i32
      %scan3A_713 = arith.addi %scan3A_711, %scan3A_712 : i32
      %scan3A_714 = arith.constant 2 : i32
      %scan3A_715:4 = scf.for %scan3A_729 = %scan3A_711 to %scan3A_713 step %scan3A_714 iter_args(%scan3A_730 = %broadcast_in_dim3A_24, %scan3A_731 = %broadcast_in_dim3A_24, %scan3A_732 = %broadcast_in_dim3A_24, %scan3A_733 = %broadcast_in_dim3A_24) -> (vector<16xf32>, vector<16xf32>, vector<16xf32>, vector<16xf32>)  : i32 {
        %add3A_734 = vector.broadcast %scan3A_729 : i32 to vector<16xi32>
        %add3A_735 = arith.addi %add3A_698, %add3A_734 : vector<16xi32>
        %gather3A = tpu.vector_load_idx %arg5[%add3A_735] : memref<4096xf32, #tpu.memory_space<vmem>>[vector<16xi32>], vector<16xf32>,
        %add3A_736 = arith.addf %scan3A_730, %gather3A : vector<16xf32>
        %add3A_737 = vector.broadcast %scan3A_729 : i32 to vector<16xi32>
        %add3A_738 = arith.addi %add3A_702, %add3A_737 : vector<16xi32>
        %gather3A_739 = tpu.vector_load_idx %arg5[%add3A_738] : memref<4096xf32, #tpu.memory_space<vmem>>[vector<16xi32>], vector<16xf32>,
        %add3A_740 = arith.addf %scan3A_731, %gather3A_739 : vector<16xf32>
        %add3A_741 = vector.broadcast %scan3A_729 : i32 to vector<16xi32>
        %add3A_742 = arith.addi %add3A_706, %add3A_741 : vector<16xi32>
        %gather3A_743 = tpu.vector_load_idx %arg5[%add3A_742] : memref<4096xf32, #tpu.memory_space<vmem>>[vector<16xi32>], vector<16xf32>,
        %add3A_744 = arith.addf %scan3A_732, %gather3A_743 : vector<16xf32>
        %add3A_745 = vector.broadcast %scan3A_729 : i32 to vector<16xi32>
        %add3A_746 = arith.addi %add3A_710, %add3A_745 : vector<16xi32>
        %gather3A_747 = tpu.vector_load_idx %arg5[%add3A_746] : memref<4096xf32, #tpu.memory_space<vmem>>[vector<16xi32>], vector<16xf32>,
        %add3A_748 = arith.addf %scan3A_733, %gather3A_747 : vector<16xf32>
        %scan3A_749 = arith.constant 1 : i32
        %scan3A_750 = arith.addi %scan3A_729, %scan3A_749 : i32
        %add3A_751 = vector.broadcast %scan3A_750 : i32 to vector<16xi32>
        %add3A_752 = arith.addi %add3A_698, %add3A_751 : vector<16xi32>
        %gather3A_753 = tpu.vector_load_idx %arg5[%add3A_752] : memref<4096xf32, #tpu.memory_space<vmem>>[vector<16xi32>], vector<16xf32>,
        %add3A_754 = arith.addf %add3A_736, %gather3A_753 : vector<16xf32>
        %add3A_755 = vector.broadcast %scan3A_750 : i32 to vector<16xi32>
        %add3A_756 = arith.addi %add3A_702, %add3A_755 : vector<16xi32>
        %gather3A_757 = tpu.vector_load_idx %arg5[%add3A_756] : memref<4096xf32, #tpu.memory_space<vmem>>[vector<16xi32>], vector<16xf32>,
        %add3A_758 = arith.addf %add3A_740, %gather3A_757 : vector<16xf32>
        %add3A_759 = vector.broadcast %scan3A_750 : i32 to vector<16xi32>
        %add3A_760 = arith.addi %add3A_706, %add3A_759 : vector<16xi32>
        %gather3A_761 = tpu.vector_load_idx %arg5[%add3A_760] : memref<4096xf32, #tpu.memory_space<vmem>>[vector<16xi32>], vector<16xf32>,
        %add3A_762 = arith.addf %add3A_744, %gather3A_761 : vector<16xf32>
        %add3A_763 = vector.broadcast %scan3A_750 : i32 to vector<16xi32>
        %add3A_764 = arith.addi %add3A_710, %add3A_763 : vector<16xi32>
        %gather3A_765 = tpu.vector_load_idx %arg5[%add3A_764] : memref<4096xf32, #tpu.memory_space<vmem>>[vector<16xi32>], vector<16xf32>,
        %add3A_766 = arith.addf %add3A_748, %gather3A_765 : vector<16xf32>
        scf.yield %add3A_754, %add3A_758, %add3A_762, %add3A_766 : vector<16xf32>, vector<16xf32>, vector<16xf32>, vector<16xf32>
      }
      %scan3A_716 = arith.constant 16 : i32
      %swap3A_717 = arith.index_cast %scan3A_573 : i32 to index
      %swap3A_718 = arith.constant 0 : index
      %swap3A_719 = tpu.vector_load %arg6[%swap3A_717, %swap3A_718] {strides = array<i32>} : memref<4x64xf32, #tpu.memory_space<vmem>>, vector<16xf32>,
      tpu.vector_store %arg6[%swap3A_717, %swap3A_718], %scan3A_715#0 {strides = array<i32>} : memref<4x64xf32, #tpu.memory_space<vmem>>, vector<16xf32>,
      %swap3A_720 = arith.index_cast %scan3A_573 : i32 to index
      %swap3A_721 = arith.constant 16 : index
      %swap3A_722 = tpu.vector_load %arg6[%swap3A_720, %swap3A_721] {strides = array<i32>} : memref<4x64xf32, #tpu.memory_space<vmem>>, vector<16xf32>,
      tpu.vector_store %arg6[%swap3A_720, %swap3A_721], %scan3A_715#1 {strides = array<i32>} : memref<4x64xf32, #tpu.memory_space<vmem>>, vector<16xf32>,
      %swap3A_723 = arith.index_cast %scan3A_573 : i32 to index
      %swap3A_724 = arith.constant 32 : index
      %swap3A_725 = tpu.vector_load %arg6[%swap3A_723, %swap3A_724] {strides = array<i32>} : memref<4x64xf32, #tpu.memory_space<vmem>>, vector<16xf32>,
      tpu.vector_store %arg6[%swap3A_723, %swap3A_724], %scan3A_715#2 {strides = array<i32>} : memref<4x64xf32, #tpu.memory_space<vmem>>, vector<16xf32>,
      %swap3A_726 = arith.index_cast %scan3A_573 : i32 to index
      %swap3A_727 = arith.constant 48 : index
      %swap3A_728 = tpu.vector_load %arg6[%swap3A_726, %swap3A_727] {strides = array<i32>} : memref<4x64xf32, #tpu.memory_space<vmem>>, vector<16xf32>,
      tpu.vector_store %arg6[%swap3A_726, %swap3A_727], %scan3A_715#3 {strides = array<i32>} : memref<4x64xf32, #tpu.memory_space<vmem>>, vector<16xf32>,
    }
    %scan3A_554 = arith.constant 2 : i32
    %dma_wait3A_555 = arith.constant 2 : i32
    %dma_wait3A_556 = arith.constant 0 : i32
    %dma_wait3A_557 = tpu.memref_slice %arg4[%dma_wait3A_555, %dma_wait3A_556] : memref<4x8192xi32, #tpu.memory_space<vmem>> -> memref<2x8192xi32, #tpu.memory_space<vmem>>
    %dma_wait3A_558 = arith.constant 0 : i32
    %dma_wait3A_559 = tpu.memref_slice %arg2[%add3A_13, %dma_wait3A_558] : memref<128x8192xi32, #tpu.memory_space<hbm>> -> memref<2x8192xi32, #tpu.memory_space<hbm>>
    %dma_wait3A_560 = arith.constant 2 : i32
    %dma_wait3A_561 = arith.constant 0 : i32
    %dma_wait3A_562 = tpu.memref_slice %arg4[%dma_wait3A_560, %dma_wait3A_561] : memref<4x8192xi32, #tpu.memory_space<vmem>> -> memref<2x8192xi32, #tpu.memory_space<vmem>>
    %dma_wait3A_563 = arith.constant 0 : i32
    %dma_wait3A_564 = tpu.memref_slice %arg2[%add3A_13, %dma_wait3A_563] : memref<128x8192xi32, #tpu.memory_space<hbm>> -> memref<2x8192xi32, #tpu.memory_space<hbm>>
    tpu.wait_dma2 semaphore(%arg8 : memref<!tpu.dma_semaphore, #tpu.memory_space<semaphore_mem>>) src(%dma_wait3A_564 : memref<2x8192xi32, #tpu.memory_space<hbm>>) dst(%dma_wait3A_562 : memref<2x8192xi32, #tpu.memory_space<vmem>>)
    %scan3A_565 = arith.constant 0 : i32
    %scan3A_566 = arith.constant 2 : i32
    %scan3A_567 = arith.constant 2 : i32
    %scan3A_568 = arith.addi %scan3A_566, %scan3A_567 : i32
    %scan3A_569 = arith.constant 1 : i32
    scf.for %scan3A_573 = %scan3A_566 to %scan3A_568 step %scan3A_569  : i32 {
      %mul3A_574 = arith.constant 1024 : i32
      %mul3A_575 = arith.muli %scan3A_573, %mul3A_574 : i32
      %add3A_576 = vector.broadcast %mul3A_575 : i32 to vector<16xi32>
      %add3A_577 = arith.addi %iota3A, %add3A_576 : vector<16xi32>
      %get3A = arith.index_cast %scan3A_573 : i32 to index
      %get3A_578 = arith.constant 0 : index
      %get3A_579 = tpu.vector_load %arg4[%get3A, %get3A_578] {strides = array<i32>} : memref<4x8192xi32, #tpu.memory_space<vmem>>, vector<16xi32>,
      %get3A_580 = arith.index_cast %scan3A_573 : i32 to index
      %get3A_581 = arith.constant 16 : index
      %get3A_582 = tpu.vector_load %arg4[%get3A_580, %get3A_581] {strides = array<i32>} : memref<4x8192xi32, #tpu.memory_space<vmem>>, vector<16xi32>,
      %get3A_583 = arith.index_cast %scan3A_573 : i32 to index
      %get3A_584 = arith.constant 32 : index
      %get3A_585 = tpu.vector_load %arg4[%get3A_583, %get3A_584] {strides = array<i32>} : memref<4x8192xi32, #tpu.memory_space<vmem>>, vector<16xi32>,
      %get3A_586 = arith.index_cast %scan3A_573 : i32 to index
      %get3A_587 = arith.constant 48 : index
      %get3A_588 = tpu.vector_load %arg4[%get3A_586, %get3A_587] {strides = array<i32>} : memref<4x8192xi32, #tpu.memory_space<vmem>>, vector<16xi32>,
      %get3A_589 = arith.index_cast %scan3A_573 : i32 to index
      %get3A_590 = arith.constant 64 : index
      %get3A_591 = tpu.vector_load %arg4[%get3A_589, %get3A_590] {strides = array<i32>} : memref<4x8192xi32, #tpu.memory_space<vmem>>, vector<16xi32>,
      %get3A_592 = arith.index_cast %scan3A_573 : i32 to index
      %get3A_593 = arith.constant 80 : index
      %get3A_594 = tpu.vector_load %arg4[%get3A_592, %get3A_593] {strides = array<i32>} : memref<4x8192xi32, #tpu.memory_space<vmem>>, vector<16xi32>,
      %get3A_595 = arith.index_cast %scan3A_573 : i32 to index
      %get3A_596 = arith.constant 96 : index
      %get3A_597 = tpu.vector_load %arg4[%get3A_595, %get3A_596] {strides = array<i32>} : memref<4x8192xi32, #tpu.memory_space<vmem>>, vector<16xi32>,
      %get3A_598 = arith.index_cast %scan3A_573 : i32 to index
      %get3A_599 = arith.constant 112 : index
      %get3A_600 = tpu.vector_load %arg4[%get3A_598, %get3A_599] {strides = array<i32>} : memref<4x8192xi32, #tpu.memory_space<vmem>>, vector<16xi32>,
      %get3A_601 = arith.index_cast %scan3A_573 : i32 to index
      %get3A_602 = arith.constant 128 : index
      %get3A_603 = tpu.vector_load %arg4[%get3A_601, %get3A_602] {strides = array<i32>} : memref<4x8192xi32, #tpu.memory_space<vmem>>, vector<16xi32>,
      %get3A_604 = arith.index_cast %scan3A_573 : i32 to index
      %get3A_605 = arith.constant 144 : index
      %get3A_606 = tpu.vector_load %arg4[%get3A_604, %get3A_605] {strides = array<i32>} : memref<4x8192xi32, #tpu.memory_space<vmem>>, vector<16xi32>,
      %get3A_607 = arith.index_cast %scan3A_573 : i32 to index
      %get3A_608 = arith.constant 160 : index
      %get3A_609 = tpu.vector_load %arg4[%get3A_607, %get3A_608] {strides = array<i32>} : memref<4x8192xi32, #tpu.memory_space<vmem>>, vector<16xi32>,
      %get3A_610 = arith.index_cast %scan3A_573 : i32 to index
      %get3A_611 = arith.constant 176 : index
      %get3A_612 = tpu.vector_load %arg4[%get3A_610, %get3A_611] {strides = array<i32>} : memref<4x8192xi32, #tpu.memory_space<vmem>>, vector<16xi32>,
      %get3A_613 = arith.index_cast %scan3A_573 : i32 to index
      %get3A_614 = arith.constant 192 : index
      %get3A_615 = tpu.vector_load %arg4[%get3A_613, %get3A_614] {strides = array<i32>} : memref<4x8192xi32, #tpu.memory_space<vmem>>, vector<16xi32>,
      %get3A_616 = arith.index_cast %scan3A_573 : i32 to index
      %get3A_617 = arith.constant 208 : index
      %get3A_618 = tpu.vector_load %arg4[%get3A_616, %get3A_617] {strides = array<i32>} : memref<4x8192xi32, #tpu.memory_space<vmem>>, vector<16xi32>,
      %get3A_619 = arith.index_cast %scan3A_573 : i32 to index
      %get3A_620 = arith.constant 224 : index
      %get3A_621 = tpu.vector_load %arg4[%get3A_619, %get3A_620] {strides = array<i32>} : memref<4x8192xi32, #tpu.memory_space<vmem>>, vector<16xi32>,
      %get3A_622 = arith.index_cast %scan3A_573 : i32 to index
      %get3A_623 = arith.constant 240 : index
      %get3A_624 = tpu.vector_load %arg4[%get3A_622, %get3A_623] {strides = array<i32>} : memref<4x8192xi32, #tpu.memory_space<vmem>>, vector<16xi32>,
      %scan3A_625 = arith.constant 0 : i32
      %scan3A_626 = arith.constant 31 : i32
      %scan3A_627 = arith.addi %scan3A_625, %scan3A_626 : i32
      %scan3A_628 = arith.constant 1 : i32
      %scan3A_629:16 = scf.for %scan3A_729 = %scan3A_625 to %scan3A_627 step %scan3A_628 iter_args(%scan3A_730 = %get3A_579, %scan3A_731 = %get3A_582, %scan3A_732 = %get3A_585, %scan3A_733 = %get3A_588, %scan3A_734 = %get3A_591, %scan3A_735 = %get3A_594, %scan3A_736 = %get3A_597, %scan3A_737 = %get3A_600, %scan3A_738 = %get3A_603, %scan3A_739 = %get3A_606, %scan3A_740 = %get3A_609, %scan3A_741 = %get3A_612, %scan3A_742 = %get3A_615, %scan3A_743 = %get3A_618, %scan3A_744 = %get3A_621, %scan3A_745 = %get3A_624) -> (vector<16xi32>, vector<16xi32>, vector<16xi32>, vector<16xi32>, vector<16xi32>, vector<16xi32>, vector<16xi32>, vector<16xi32>, vector<16xi32>, vector<16xi32>, vector<16xi32>, vector<16xi32>, vector<16xi32>, vector<16xi32>, vector<16xi32>, vector<16xi32>)  : i32 {
        %add3A_746 = arith.constant 1 : i32
        %add3A_747 = arith.addi %scan3A_729, %add3A_746 : i32
        %mul3A_748 = arith.constant 256 : i32
        %mul3A_749 = arith.muli %add3A_747, %mul3A_748 : i32
        %add3A_750 = arith.constant 0 : i32
        %add3A_751 = arith.addi %mul3A_749, %add3A_750 : i32
        %get3A_752 = arith.index_cast %scan3A_573 : i32 to index
        %get3A_753 = arith.index_cast %add3A_751 : i32 to index
        %get3A_754 = tpu.vector_load %arg4[%get3A_752, %get3A_753] {strides = array<i32>} : memref<4x8192xi32, #tpu.memory_space<vmem>>, vector<16xi32>,
        %add3A_755 = arith.constant 1 : i32
        %add3A_756 = arith.addi %scan3A_729, %add3A_755 : i32
        %mul3A_757 = arith.constant 256 : i32
        %mul3A_758 = arith.muli %add3A_756, %mul3A_757 : i32
        %add3A_759 = arith.constant 16 : i32
        %add3A_760 = arith.addi %mul3A_758, %add3A_759 : i32
        %get3A_761 = arith.index_cast %scan3A_573 : i32 to index
        %get3A_762 = arith.index_cast %add3A_760 : i32 to index
        %get3A_763 = tpu.vector_load %arg4[%get3A_761, %get3A_762] {strides = array<i32>} : memref<4x8192xi32, #tpu.memory_space<vmem>>, vector<16xi32>,
        %add3A_764 = arith.constant 1 : i32
        %add3A_765 = arith.addi %scan3A_729, %add3A_764 : i32
        %mul3A_766 = arith.constant 256 : i32
        %mul3A_767 = arith.muli %add3A_765, %mul3A_766 : i32
        %add3A_768 = arith.constant 32 : i32
        %add3A_769 = arith.addi %mul3A_767, %add3A_768 : i32
        %get3A_770 = arith.index_cast %scan3A_573 : i32 to index
        %get3A_771 = arith.index_cast %add3A_769 : i32 to index
        %get3A_772 = tpu.vector_load %arg4[%get3A_770, %get3A_771] {strides = array<i32>} : memref<4x8192xi32, #tpu.memory_space<vmem>>, vector<16xi32>,
        %add3A_773 = arith.constant 1 : i32
        %add3A_774 = arith.addi %scan3A_729, %add3A_773 : i32
        %mul3A_775 = arith.constant 256 : i32
        %mul3A_776 = arith.muli %add3A_774, %mul3A_775 : i32
        %add3A_777 = arith.constant 48 : i32
        %add3A_778 = arith.addi %mul3A_776, %add3A_777 : i32
        %get3A_779 = arith.index_cast %scan3A_573 : i32 to index
        %get3A_780 = arith.index_cast %add3A_778 : i32 to index
        %get3A_781 = tpu.vector_load %arg4[%get3A_779, %get3A_780] {strides = array<i32>} : memref<4x8192xi32, #tpu.memory_space<vmem>>, vector<16xi32>,
        %add3A_782 = arith.constant 1 : i32
        %add3A_783 = arith.addi %scan3A_729, %add3A_782 : i32
        %mul3A_784 = arith.constant 256 : i32
        %mul3A_785 = arith.muli %add3A_783, %mul3A_784 : i32
        %add3A_786 = arith.constant 64 : i32
        %add3A_787 = arith.addi %mul3A_785, %add3A_786 : i32
        %get3A_788 = arith.index_cast %scan3A_573 : i32 to index
        %get3A_789 = arith.index_cast %add3A_787 : i32 to index
        %get3A_790 = tpu.vector_load %arg4[%get3A_788, %get3A_789] {strides = array<i32>} : memref<4x8192xi32, #tpu.memory_space<vmem>>, vector<16xi32>,
        %add3A_791 = arith.constant 1 : i32
        %add3A_792 = arith.addi %scan3A_729, %add3A_791 : i32
        %mul3A_793 = arith.constant 256 : i32
        %mul3A_794 = arith.muli %add3A_792, %mul3A_793 : i32
        %add3A_795 = arith.constant 80 : i32
        %add3A_796 = arith.addi %mul3A_794, %add3A_795 : i32
        %get3A_797 = arith.index_cast %scan3A_573 : i32 to index
        %get3A_798 = arith.index_cast %add3A_796 : i32 to index
        %get3A_799 = tpu.vector_load %arg4[%get3A_797, %get3A_798] {strides = array<i32>} : memref<4x8192xi32, #tpu.memory_space<vmem>>, vector<16xi32>,
        %add3A_800 = arith.constant 1 : i32
        %add3A_801 = arith.addi %scan3A_729, %add3A_800 : i32
        %mul3A_802 = arith.constant 256 : i32
        %mul3A_803 = arith.muli %add3A_801, %mul3A_802 : i32
        %add3A_804 = arith.constant 96 : i32
        %add3A_805 = arith.addi %mul3A_803, %add3A_804 : i32
        %get3A_806 = arith.index_cast %scan3A_573 : i32 to index
        %get3A_807 = arith.index_cast %add3A_805 : i32 to index
        %get3A_808 = tpu.vector_load %arg4[%get3A_806, %get3A_807] {strides = array<i32>} : memref<4x8192xi32, #tpu.memory_space<vmem>>, vector<16xi32>,
        %add3A_809 = arith.constant 1 : i32
        %add3A_810 = arith.addi %scan3A_729, %add3A_809 : i32
        %mul3A_811 = arith.constant 256 : i32
        %mul3A_812 = arith.muli %add3A_810, %mul3A_811 : i32
        %add3A_813 = arith.constant 112 : i32
        %add3A_814 = arith.addi %mul3A_812, %add3A_813 : i32
        %get3A_815 = arith.index_cast %scan3A_573 : i32 to index
        %get3A_816 = arith.index_cast %add3A_814 : i32 to index
        %get3A_817 = tpu.vector_load %arg4[%get3A_815, %get3A_816] {strides = array<i32>} : memref<4x8192xi32, #tpu.memory_space<vmem>>, vector<16xi32>,
        %add3A_818 = arith.constant 1 : i32
        %add3A_819 = arith.addi %scan3A_729, %add3A_818 : i32
        %mul3A_820 = arith.constant 256 : i32
        %mul3A_821 = arith.muli %add3A_819, %mul3A_820 : i32
        %add3A_822 = arith.constant 128 : i32
        %add3A_823 = arith.addi %mul3A_821, %add3A_822 : i32
        %get3A_824 = arith.index_cast %scan3A_573 : i32 to index
        %get3A_825 = arith.index_cast %add3A_823 : i32 to index
        %get3A_826 = tpu.vector_load %arg4[%get3A_824, %get3A_825] {strides = array<i32>} : memref<4x8192xi32, #tpu.memory_space<vmem>>, vector<16xi32>,
        %add3A_827 = arith.constant 1 : i32
        %add3A_828 = arith.addi %scan3A_729, %add3A_827 : i32
        %mul3A_829 = arith.constant 256 : i32
        %mul3A_830 = arith.muli %add3A_828, %mul3A_829 : i32
        %add3A_831 = arith.constant 144 : i32
        %add3A_832 = arith.addi %mul3A_830, %add3A_831 : i32
        %get3A_833 = arith.index_cast %scan3A_573 : i32 to index
        %get3A_834 = arith.index_cast %add3A_832 : i32 to index
        %get3A_835 = tpu.vector_load %arg4[%get3A_833, %get3A_834] {strides = array<i32>} : memref<4x8192xi32, #tpu.memory_space<vmem>>, vector<16xi32>,
        %add3A_836 = arith.constant 1 : i32
        %add3A_837 = arith.addi %scan3A_729, %add3A_836 : i32
        %mul3A_838 = arith.constant 256 : i32
        %mul3A_839 = arith.muli %add3A_837, %mul3A_838 : i32
        %add3A_840 = arith.constant 160 : i32
        %add3A_841 = arith.addi %mul3A_839, %add3A_840 : i32
        %get3A_842 = arith.index_cast %scan3A_573 : i32 to index
        %get3A_843 = arith.index_cast %add3A_841 : i32 to index
        %get3A_844 = tpu.vector_load %arg4[%get3A_842, %get3A_843] {strides = array<i32>} : memref<4x8192xi32, #tpu.memory_space<vmem>>, vector<16xi32>,
        %add3A_845 = arith.constant 1 : i32
        %add3A_846 = arith.addi %scan3A_729, %add3A_845 : i32
        %mul3A_847 = arith.constant 256 : i32
        %mul3A_848 = arith.muli %add3A_846, %mul3A_847 : i32
        %add3A_849 = arith.constant 176 : i32
        %add3A_850 = arith.addi %mul3A_848, %add3A_849 : i32
        %get3A_851 = arith.index_cast %scan3A_573 : i32 to index
        %get3A_852 = arith.index_cast %add3A_850 : i32 to index
        %get3A_853 = tpu.vector_load %arg4[%get3A_851, %get3A_852] {strides = array<i32>} : memref<4x8192xi32, #tpu.memory_space<vmem>>, vector<16xi32>,
        %add3A_854 = arith.constant 1 : i32
        %add3A_855 = arith.addi %scan3A_729, %add3A_854 : i32
        %mul3A_856 = arith.constant 256 : i32
        %mul3A_857 = arith.muli %add3A_855, %mul3A_856 : i32
        %add3A_858 = arith.constant 192 : i32
        %add3A_859 = arith.addi %mul3A_857, %add3A_858 : i32
        %get3A_860 = arith.index_cast %scan3A_573 : i32 to index
        %get3A_861 = arith.index_cast %add3A_859 : i32 to index
        %get3A_862 = tpu.vector_load %arg4[%get3A_860, %get3A_861] {strides = array<i32>} : memref<4x8192xi32, #tpu.memory_space<vmem>>, vector<16xi32>,
        %add3A_863 = arith.constant 1 : i32
        %add3A_864 = arith.addi %scan3A_729, %add3A_863 : i32
        %mul3A_865 = arith.constant 256 : i32
        %mul3A_866 = arith.muli %add3A_864, %mul3A_865 : i32
        %add3A_867 = arith.constant 208 : i32
        %add3A_868 = arith.addi %mul3A_866, %add3A_867 : i32
        %get3A_869 = arith.index_cast %scan3A_573 : i32 to index
        %get3A_870 = arith.index_cast %add3A_868 : i32 to index
        %get3A_871 = tpu.vector_load %arg4[%get3A_869, %get3A_870] {strides = array<i32>} : memref<4x8192xi32, #tpu.memory_space<vmem>>, vector<16xi32>,
        %add3A_872 = arith.constant 1 : i32
        %add3A_873 = arith.addi %scan3A_729, %add3A_872 : i32
        %mul3A_874 = arith.constant 256 : i32
        %mul3A_875 = arith.muli %add3A_873, %mul3A_874 : i32
        %add3A_876 = arith.constant 224 : i32
        %add3A_877 = arith.addi %mul3A_875, %add3A_876 : i32
        %get3A_878 = arith.index_cast %scan3A_573 : i32 to index
        %get3A_879 = arith.index_cast %add3A_877 : i32 to index
        %get3A_880 = tpu.vector_load %arg4[%get3A_878, %get3A_879] {strides = array<i32>} : memref<4x8192xi32, #tpu.memory_space<vmem>>, vector<16xi32>,
        %add3A_881 = arith.constant 1 : i32
        %add3A_882 = arith.addi %scan3A_729, %add3A_881 : i32
        %mul3A_883 = arith.constant 256 : i32
        %mul3A_884 = arith.muli %add3A_882, %mul3A_883 : i32
        %add3A_885 = arith.constant 240 : i32
        %add3A_886 = arith.addi %mul3A_884, %add3A_885 : i32
        %get3A_887 = arith.index_cast %scan3A_573 : i32 to index
        %get3A_888 = arith.index_cast %add3A_886 : i32 to index
        %get3A_889 = tpu.vector_load %arg4[%get3A_887, %get3A_888] {strides = array<i32>} : memref<4x8192xi32, #tpu.memory_space<vmem>>, vector<16xi32>,
        %mul3A_890 = arith.constant 16 : i32
        %mul3A_891 = vector.broadcast %mul3A_890 : i32 to vector<16xi32>
        %mul3A_892 = arith.muli %scan3A_730, %mul3A_891 : vector<16xi32>
        %add3A_893 = arith.addi %mul3A_892, %add3A_577 : vector<16xi32>
        tpu.vector_store_idx %arg5[%add3A_893], %broadcast_in_dim3A_537 {add = true} : memref<4096xf32, #tpu.memory_space<vmem>>[vector<16xi32>], vector<16xf32>,
        %mul3A_894 = arith.constant 16 : i32
        %mul3A_895 = vector.broadcast %mul3A_894 : i32 to vector<16xi32>
        %mul3A_896 = arith.muli %scan3A_731, %mul3A_895 : vector<16xi32>
        %add3A_897 = arith.addi %mul3A_896, %add3A_577 : vector<16xi32>
        tpu.vector_store_idx %arg5[%add3A_897], %broadcast_in_dim3A_537 {add = true} : memref<4096xf32, #tpu.memory_space<vmem>>[vector<16xi32>], vector<16xf32>,
        %mul3A_898 = arith.constant 16 : i32
        %mul3A_899 = vector.broadcast %mul3A_898 : i32 to vector<16xi32>
        %mul3A_900 = arith.muli %scan3A_732, %mul3A_899 : vector<16xi32>
        %add3A_901 = arith.addi %mul3A_900, %add3A_577 : vector<16xi32>
        tpu.vector_store_idx %arg5[%add3A_901], %broadcast_in_dim3A_537 {add = true} : memref<4096xf32, #tpu.memory_space<vmem>>[vector<16xi32>], vector<16xf32>,
        %mul3A_902 = arith.constant 16 : i32
        %mul3A_903 = vector.broadcast %mul3A_902 : i32 to vector<16xi32>
        %mul3A_904 = arith.muli %scan3A_733, %mul3A_903 : vector<16xi32>
        %add3A_905 = arith.addi %mul3A_904, %add3A_577 : vector<16xi32>
        tpu.vector_store_idx %arg5[%add3A_905], %broadcast_in_dim3A_537 {add = true} : memref<4096xf32, #tpu.memory_space<vmem>>[vector<16xi32>], vector<16xf32>,
        %mul3A_906 = arith.constant 16 : i32
        %mul3A_907 = vector.broadcast %mul3A_906 : i32 to vector<16xi32>
        %mul3A_908 = arith.muli %scan3A_734, %mul3A_907 : vector<16xi32>
        %add3A_909 = arith.addi %mul3A_908, %add3A_577 : vector<16xi32>
        tpu.vector_store_idx %arg5[%add3A_909], %broadcast_in_dim3A_537 {add = true} : memref<4096xf32, #tpu.memory_space<vmem>>[vector<16xi32>], vector<16xf32>,
        %mul3A_910 = arith.constant 16 : i32
        %mul3A_911 = vector.broadcast %mul3A_910 : i32 to vector<16xi32>
        %mul3A_912 = arith.muli %scan3A_735, %mul3A_911 : vector<16xi32>
        %add3A_913 = arith.addi %mul3A_912, %add3A_577 : vector<16xi32>
        tpu.vector_store_idx %arg5[%add3A_913], %broadcast_in_dim3A_537 {add = true} : memref<4096xf32, #tpu.memory_space<vmem>>[vector<16xi32>], vector<16xf32>,
        %mul3A_914 = arith.constant 16 : i32
        %mul3A_915 = vector.broadcast %mul3A_914 : i32 to vector<16xi32>
        %mul3A_916 = arith.muli %scan3A_736, %mul3A_915 : vector<16xi32>
        %add3A_917 = arith.addi %mul3A_916, %add3A_577 : vector<16xi32>
        tpu.vector_store_idx %arg5[%add3A_917], %broadcast_in_dim3A_537 {add = true} : memref<4096xf32, #tpu.memory_space<vmem>>[vector<16xi32>], vector<16xf32>,
        %mul3A_918 = arith.constant 16 : i32
        %mul3A_919 = vector.broadcast %mul3A_918 : i32 to vector<16xi32>
        %mul3A_920 = arith.muli %scan3A_737, %mul3A_919 : vector<16xi32>
        %add3A_921 = arith.addi %mul3A_920, %add3A_577 : vector<16xi32>
        tpu.vector_store_idx %arg5[%add3A_921], %broadcast_in_dim3A_537 {add = true} : memref<4096xf32, #tpu.memory_space<vmem>>[vector<16xi32>], vector<16xf32>,
        %mul3A_922 = arith.constant 16 : i32
        %mul3A_923 = vector.broadcast %mul3A_922 : i32 to vector<16xi32>
        %mul3A_924 = arith.muli %scan3A_738, %mul3A_923 : vector<16xi32>
        %add3A_925 = arith.addi %mul3A_924, %add3A_577 : vector<16xi32>
        tpu.vector_store_idx %arg5[%add3A_925], %broadcast_in_dim3A_537 {add = true} : memref<4096xf32, #tpu.memory_space<vmem>>[vector<16xi32>], vector<16xf32>,
        %mul3A_926 = arith.constant 16 : i32
        %mul3A_927 = vector.broadcast %mul3A_926 : i32 to vector<16xi32>
        %mul3A_928 = arith.muli %scan3A_739, %mul3A_927 : vector<16xi32>
        %add3A_929 = arith.addi %mul3A_928, %add3A_577 : vector<16xi32>
        tpu.vector_store_idx %arg5[%add3A_929], %broadcast_in_dim3A_537 {add = true} : memref<4096xf32, #tpu.memory_space<vmem>>[vector<16xi32>], vector<16xf32>,
        %mul3A_930 = arith.constant 16 : i32
        %mul3A_931 = vector.broadcast %mul3A_930 : i32 to vector<16xi32>
        %mul3A_932 = arith.muli %scan3A_740, %mul3A_931 : vector<16xi32>
        %add3A_933 = arith.addi %mul3A_932, %add3A_577 : vector<16xi32>
        tpu.vector_store_idx %arg5[%add3A_933], %broadcast_in_dim3A_537 {add = true} : memref<4096xf32, #tpu.memory_space<vmem>>[vector<16xi32>], vector<16xf32>,
        %mul3A_934 = arith.constant 16 : i32
        %mul3A_935 = vector.broadcast %mul3A_934 : i32 to vector<16xi32>
        %mul3A_936 = arith.muli %scan3A_741, %mul3A_935 : vector<16xi32>
        %add3A_937 = arith.addi %mul3A_936, %add3A_577 : vector<16xi32>
        tpu.vector_store_idx %arg5[%add3A_937], %broadcast_in_dim3A_537 {add = true} : memref<4096xf32, #tpu.memory_space<vmem>>[vector<16xi32>], vector<16xf32>,
        %mul3A_938 = arith.constant 16 : i32
        %mul3A_939 = vector.broadcast %mul3A_938 : i32 to vector<16xi32>
        %mul3A_940 = arith.muli %scan3A_742, %mul3A_939 : vector<16xi32>
        %add3A_941 = arith.addi %mul3A_940, %add3A_577 : vector<16xi32>
        tpu.vector_store_idx %arg5[%add3A_941], %broadcast_in_dim3A_537 {add = true} : memref<4096xf32, #tpu.memory_space<vmem>>[vector<16xi32>], vector<16xf32>,
        %mul3A_942 = arith.constant 16 : i32
        %mul3A_943 = vector.broadcast %mul3A_942 : i32 to vector<16xi32>
        %mul3A_944 = arith.muli %scan3A_743, %mul3A_943 : vector<16xi32>
        %add3A_945 = arith.addi %mul3A_944, %add3A_577 : vector<16xi32>
        tpu.vector_store_idx %arg5[%add3A_945], %broadcast_in_dim3A_537 {add = true} : memref<4096xf32, #tpu.memory_space<vmem>>[vector<16xi32>], vector<16xf32>,
        %mul3A_946 = arith.constant 16 : i32
        %mul3A_947 = vector.broadcast %mul3A_946 : i32 to vector<16xi32>
        %mul3A_948 = arith.muli %scan3A_744, %mul3A_947 : vector<16xi32>
        %add3A_949 = arith.addi %mul3A_948, %add3A_577 : vector<16xi32>
        tpu.vector_store_idx %arg5[%add3A_949], %broadcast_in_dim3A_537 {add = true} : memref<4096xf32, #tpu.memory_space<vmem>>[vector<16xi32>], vector<16xf32>,
        %mul3A_950 = arith.constant 16 : i32
        %mul3A_951 = vector.broadcast %mul3A_950 : i32 to vector<16xi32>
        %mul3A_952 = arith.muli %scan3A_745, %mul3A_951 : vector<16xi32>
        %add3A_953 = arith.addi %mul3A_952, %add3A_577 : vector<16xi32>
        tpu.vector_store_idx %arg5[%add3A_953], %broadcast_in_dim3A_537 {add = true} : memref<4096xf32, #tpu.memory_space<vmem>>[vector<16xi32>], vector<16xf32>,
        scf.yield %get3A_754, %get3A_763, %get3A_772, %get3A_781, %get3A_790, %get3A_799, %get3A_808, %get3A_817, %get3A_826, %get3A_835, %get3A_844, %get3A_853, %get3A_862, %get3A_871, %get3A_880, %get3A_889 : vector<16xi32>, vector<16xi32>, vector<16xi32>, vector<16xi32>, vector<16xi32>, vector<16xi32>, vector<16xi32>, vector<16xi32>, vector<16xi32>, vector<16xi32>, vector<16xi32>, vector<16xi32>, vector<16xi32>, vector<16xi32>, vector<16xi32>, vector<16xi32>
      }
      %scan3A_630 = arith.constant 31 : i32
      %mul3A_631 = arith.constant 16 : i32
      %mul3A_632 = vector.broadcast %mul3A_631 : i32 to vector<16xi32>
      %mul3A_633 = arith.muli %scan3A_629#0, %mul3A_632 : vector<16xi32>
      %add3A_634 = arith.addi %mul3A_633, %add3A_577 : vector<16xi32>
      tpu.vector_store_idx %arg5[%add3A_634], %broadcast_in_dim3A_537 {add = true} : memref<4096xf32, #tpu.memory_space<vmem>>[vector<16xi32>], vector<16xf32>,
      %mul3A_635 = arith.constant 16 : i32
      %mul3A_636 = vector.broadcast %mul3A_635 : i32 to vector<16xi32>
      %mul3A_637 = arith.muli %scan3A_629#1, %mul3A_636 : vector<16xi32>
      %add3A_638 = arith.addi %mul3A_637, %add3A_577 : vector<16xi32>
      tpu.vector_store_idx %arg5[%add3A_638], %broadcast_in_dim3A_537 {add = true} : memref<4096xf32, #tpu.memory_space<vmem>>[vector<16xi32>], vector<16xf32>,
      %mul3A_639 = arith.constant 16 : i32
      %mul3A_640 = vector.broadcast %mul3A_639 : i32 to vector<16xi32>
      %mul3A_641 = arith.muli %scan3A_629#2, %mul3A_640 : vector<16xi32>
      %add3A_642 = arith.addi %mul3A_641, %add3A_577 : vector<16xi32>
      tpu.vector_store_idx %arg5[%add3A_642], %broadcast_in_dim3A_537 {add = true} : memref<4096xf32, #tpu.memory_space<vmem>>[vector<16xi32>], vector<16xf32>,
      %mul3A_643 = arith.constant 16 : i32
      %mul3A_644 = vector.broadcast %mul3A_643 : i32 to vector<16xi32>
      %mul3A_645 = arith.muli %scan3A_629#3, %mul3A_644 : vector<16xi32>
      %add3A_646 = arith.addi %mul3A_645, %add3A_577 : vector<16xi32>
      tpu.vector_store_idx %arg5[%add3A_646], %broadcast_in_dim3A_537 {add = true} : memref<4096xf32, #tpu.memory_space<vmem>>[vector<16xi32>], vector<16xf32>,
      %mul3A_647 = arith.constant 16 : i32
      %mul3A_648 = vector.broadcast %mul3A_647 : i32 to vector<16xi32>
      %mul3A_649 = arith.muli %scan3A_629#4, %mul3A_648 : vector<16xi32>
      %add3A_650 = arith.addi %mul3A_649, %add3A_577 : vector<16xi32>
      tpu.vector_store_idx %arg5[%add3A_650], %broadcast_in_dim3A_537 {add = true} : memref<4096xf32, #tpu.memory_space<vmem>>[vector<16xi32>], vector<16xf32>,
      %mul3A_651 = arith.constant 16 : i32
      %mul3A_652 = vector.broadcast %mul3A_651 : i32 to vector<16xi32>
      %mul3A_653 = arith.muli %scan3A_629#5, %mul3A_652 : vector<16xi32>
      %add3A_654 = arith.addi %mul3A_653, %add3A_577 : vector<16xi32>
      tpu.vector_store_idx %arg5[%add3A_654], %broadcast_in_dim3A_537 {add = true} : memref<4096xf32, #tpu.memory_space<vmem>>[vector<16xi32>], vector<16xf32>,
      %mul3A_655 = arith.constant 16 : i32
      %mul3A_656 = vector.broadcast %mul3A_655 : i32 to vector<16xi32>
      %mul3A_657 = arith.muli %scan3A_629#6, %mul3A_656 : vector<16xi32>
      %add3A_658 = arith.addi %mul3A_657, %add3A_577 : vector<16xi32>
      tpu.vector_store_idx %arg5[%add3A_658], %broadcast_in_dim3A_537 {add = true} : memref<4096xf32, #tpu.memory_space<vmem>>[vector<16xi32>], vector<16xf32>,
      %mul3A_659 = arith.constant 16 : i32
      %mul3A_660 = vector.broadcast %mul3A_659 : i32 to vector<16xi32>
      %mul3A_661 = arith.muli %scan3A_629#7, %mul3A_660 : vector<16xi32>
      %add3A_662 = arith.addi %mul3A_661, %add3A_577 : vector<16xi32>
      tpu.vector_store_idx %arg5[%add3A_662], %broadcast_in_dim3A_537 {add = true} : memref<4096xf32, #tpu.memory_space<vmem>>[vector<16xi32>], vector<16xf32>,
      %mul3A_663 = arith.constant 16 : i32
      %mul3A_664 = vector.broadcast %mul3A_663 : i32 to vector<16xi32>
      %mul3A_665 = arith.muli %scan3A_629#8, %mul3A_664 : vector<16xi32>
      %add3A_666 = arith.addi %mul3A_665, %add3A_577 : vector<16xi32>
      tpu.vector_store_idx %arg5[%add3A_666], %broadcast_in_dim3A_537 {add = true} : memref<4096xf32, #tpu.memory_space<vmem>>[vector<16xi32>], vector<16xf32>,
      %mul3A_667 = arith.constant 16 : i32
      %mul3A_668 = vector.broadcast %mul3A_667 : i32 to vector<16xi32>
      %mul3A_669 = arith.muli %scan3A_629#9, %mul3A_668 : vector<16xi32>
      %add3A_670 = arith.addi %mul3A_669, %add3A_577 : vector<16xi32>
      tpu.vector_store_idx %arg5[%add3A_670], %broadcast_in_dim3A_537 {add = true} : memref<4096xf32, #tpu.memory_space<vmem>>[vector<16xi32>], vector<16xf32>,
      %mul3A_671 = arith.constant 16 : i32
      %mul3A_672 = vector.broadcast %mul3A_671 : i32 to vector<16xi32>
      %mul3A_673 = arith.muli %scan3A_629#10, %mul3A_672 : vector<16xi32>
      %add3A_674 = arith.addi %mul3A_673, %add3A_577 : vector<16xi32>
      tpu.vector_store_idx %arg5[%add3A_674], %broadcast_in_dim3A_537 {add = true} : memref<4096xf32, #tpu.memory_space<vmem>>[vector<16xi32>], vector<16xf32>,
      %mul3A_675 = arith.constant 16 : i32
      %mul3A_676 = vector.broadcast %mul3A_675 : i32 to vector<16xi32>
      %mul3A_677 = arith.muli %scan3A_629#11, %mul3A_676 : vector<16xi32>
      %add3A_678 = arith.addi %mul3A_677, %add3A_577 : vector<16xi32>
      tpu.vector_store_idx %arg5[%add3A_678], %broadcast_in_dim3A_537 {add = true} : memref<4096xf32, #tpu.memory_space<vmem>>[vector<16xi32>], vector<16xf32>,
      %mul3A_679 = arith.constant 16 : i32
      %mul3A_680 = vector.broadcast %mul3A_679 : i32 to vector<16xi32>
      %mul3A_681 = arith.muli %scan3A_629#12, %mul3A_680 : vector<16xi32>
      %add3A_682 = arith.addi %mul3A_681, %add3A_577 : vector<16xi32>
      tpu.vector_store_idx %arg5[%add3A_682], %broadcast_in_dim3A_537 {add = true} : memref<4096xf32, #tpu.memory_space<vmem>>[vector<16xi32>], vector<16xf32>,
      %mul3A_683 = arith.constant 16 : i32
      %mul3A_684 = vector.broadcast %mul3A_683 : i32 to vector<16xi32>
      %mul3A_685 = arith.muli %scan3A_629#13, %mul3A_684 : vector<16xi32>
      %add3A_686 = arith.addi %mul3A_685, %add3A_577 : vector<16xi32>
      tpu.vector_store_idx %arg5[%add3A_686], %broadcast_in_dim3A_537 {add = true} : memref<4096xf32, #tpu.memory_space<vmem>>[vector<16xi32>], vector<16xf32>,
      %mul3A_687 = arith.constant 16 : i32
      %mul3A_688 = vector.broadcast %mul3A_687 : i32 to vector<16xi32>
      %mul3A_689 = arith.muli %scan3A_629#14, %mul3A_688 : vector<16xi32>
      %add3A_690 = arith.addi %mul3A_689, %add3A_577 : vector<16xi32>
      tpu.vector_store_idx %arg5[%add3A_690], %broadcast_in_dim3A_537 {add = true} : memref<4096xf32, #tpu.memory_space<vmem>>[vector<16xi32>], vector<16xf32>,
      %mul3A_691 = arith.constant 16 : i32
      %mul3A_692 = vector.broadcast %mul3A_691 : i32 to vector<16xi32>
      %mul3A_693 = arith.muli %scan3A_629#15, %mul3A_692 : vector<16xi32>
      %add3A_694 = arith.addi %mul3A_693, %add3A_577 : vector<16xi32>
      tpu.vector_store_idx %arg5[%add3A_694], %broadcast_in_dim3A_537 {add = true} : memref<4096xf32, #tpu.memory_space<vmem>>[vector<16xi32>], vector<16xf32>,
      %add3A_695 = arith.constant 0 : i32
      %add3A_696 = arith.addi %mul3A_575, %add3A_695 : i32
      %add3A_697 = vector.broadcast %add3A_696 : i32 to vector<16xi32>
      %add3A_698 = arith.addi %mul3A_540, %add3A_697 : vector<16xi32>
      %add3A_699 = arith.constant 256 : i32
      %add3A_700 = arith.addi %mul3A_575, %add3A_699 : i32
      %add3A_701 = vector.broadcast %add3A_700 : i32 to vector<16xi32>
      %add3A_702 = arith.addi %mul3A_540, %add3A_701 : vector<16xi32>
      %add3A_703 = arith.constant 512 : i32
      %add3A_704 = arith.addi %mul3A_575, %add3A_703 : i32
      %add3A_705 = vector.broadcast %add3A_704 : i32 to vector<16xi32>
      %add3A_706 = arith.addi %mul3A_540, %add3A_705 : vector<16xi32>
      %add3A_707 = arith.constant 768 : i32
      %add3A_708 = arith.addi %mul3A_575, %add3A_707 : i32
      %add3A_709 = vector.broadcast %add3A_708 : i32 to vector<16xi32>
      %add3A_710 = arith.addi %mul3A_540, %add3A_709 : vector<16xi32>
      %scan3A_711 = arith.constant 0 : i32
      %scan3A_712 = arith.constant 16 : i32
      %scan3A_713 = arith.addi %scan3A_711, %scan3A_712 : i32
      %scan3A_714 = arith.constant 2 : i32
      %scan3A_715:4 = scf.for %scan3A_729 = %scan3A_711 to %scan3A_713 step %scan3A_714 iter_args(%scan3A_730 = %broadcast_in_dim3A_24, %scan3A_731 = %broadcast_in_dim3A_24, %scan3A_732 = %broadcast_in_dim3A_24, %scan3A_733 = %broadcast_in_dim3A_24) -> (vector<16xf32>, vector<16xf32>, vector<16xf32>, vector<16xf32>)  : i32 {
        %add3A_734 = vector.broadcast %scan3A_729 : i32 to vector<16xi32>
        %add3A_735 = arith.addi %add3A_698, %add3A_734 : vector<16xi32>
        %gather3A = tpu.vector_load_idx %arg5[%add3A_735] : memref<4096xf32, #tpu.memory_space<vmem>>[vector<16xi32>], vector<16xf32>,
        %add3A_736 = arith.addf %scan3A_730, %gather3A : vector<16xf32>
        %add3A_737 = vector.broadcast %scan3A_729 : i32 to vector<16xi32>
        %add3A_738 = arith.addi %add3A_702, %add3A_737 : vector<16xi32>
        %gather3A_739 = tpu.vector_load_idx %arg5[%add3A_738] : memref<4096xf32, #tpu.memory_space<vmem>>[vector<16xi32>], vector<16xf32>,
        %add3A_740 = arith.addf %scan3A_731, %gather3A_739 : vector<16xf32>
        %add3A_741 = vector.broadcast %scan3A_729 : i32 to vector<16xi32>
        %add3A_742 = arith.addi %add3A_706, %add3A_741 : vector<16xi32>
        %gather3A_743 = tpu.vector_load_idx %arg5[%add3A_742] : memref<4096xf32, #tpu.memory_space<vmem>>[vector<16xi32>], vector<16xf32>,
        %add3A_744 = arith.addf %scan3A_732, %gather3A_743 : vector<16xf32>
        %add3A_745 = vector.broadcast %scan3A_729 : i32 to vector<16xi32>
        %add3A_746 = arith.addi %add3A_710, %add3A_745 : vector<16xi32>
        %gather3A_747 = tpu.vector_load_idx %arg5[%add3A_746] : memref<4096xf32, #tpu.memory_space<vmem>>[vector<16xi32>], vector<16xf32>,
        %add3A_748 = arith.addf %scan3A_733, %gather3A_747 : vector<16xf32>
        %scan3A_749 = arith.constant 1 : i32
        %scan3A_750 = arith.addi %scan3A_729, %scan3A_749 : i32
        %add3A_751 = vector.broadcast %scan3A_750 : i32 to vector<16xi32>
        %add3A_752 = arith.addi %add3A_698, %add3A_751 : vector<16xi32>
        %gather3A_753 = tpu.vector_load_idx %arg5[%add3A_752] : memref<4096xf32, #tpu.memory_space<vmem>>[vector<16xi32>], vector<16xf32>,
        %add3A_754 = arith.addf %add3A_736, %gather3A_753 : vector<16xf32>
        %add3A_755 = vector.broadcast %scan3A_750 : i32 to vector<16xi32>
        %add3A_756 = arith.addi %add3A_702, %add3A_755 : vector<16xi32>
        %gather3A_757 = tpu.vector_load_idx %arg5[%add3A_756] : memref<4096xf32, #tpu.memory_space<vmem>>[vector<16xi32>], vector<16xf32>,
        %add3A_758 = arith.addf %add3A_740, %gather3A_757 : vector<16xf32>
        %add3A_759 = vector.broadcast %scan3A_750 : i32 to vector<16xi32>
        %add3A_760 = arith.addi %add3A_706, %add3A_759 : vector<16xi32>
        %gather3A_761 = tpu.vector_load_idx %arg5[%add3A_760] : memref<4096xf32, #tpu.memory_space<vmem>>[vector<16xi32>], vector<16xf32>,
        %add3A_762 = arith.addf %add3A_744, %gather3A_761 : vector<16xf32>
        %add3A_763 = vector.broadcast %scan3A_750 : i32 to vector<16xi32>
        %add3A_764 = arith.addi %add3A_710, %add3A_763 : vector<16xi32>
        %gather3A_765 = tpu.vector_load_idx %arg5[%add3A_764] : memref<4096xf32, #tpu.memory_space<vmem>>[vector<16xi32>], vector<16xf32>,
        %add3A_766 = arith.addf %add3A_748, %gather3A_765 : vector<16xf32>
        scf.yield %add3A_754, %add3A_758, %add3A_762, %add3A_766 : vector<16xf32>, vector<16xf32>, vector<16xf32>, vector<16xf32>
      }
      %scan3A_716 = arith.constant 16 : i32
      %swap3A_717 = arith.index_cast %scan3A_573 : i32 to index
      %swap3A_718 = arith.constant 0 : index
      %swap3A_719 = tpu.vector_load %arg6[%swap3A_717, %swap3A_718] {strides = array<i32>} : memref<4x64xf32, #tpu.memory_space<vmem>>, vector<16xf32>,
      tpu.vector_store %arg6[%swap3A_717, %swap3A_718], %scan3A_715#0 {strides = array<i32>} : memref<4x64xf32, #tpu.memory_space<vmem>>, vector<16xf32>,
      %swap3A_720 = arith.index_cast %scan3A_573 : i32 to index
      %swap3A_721 = arith.constant 16 : index
      %swap3A_722 = tpu.vector_load %arg6[%swap3A_720, %swap3A_721] {strides = array<i32>} : memref<4x64xf32, #tpu.memory_space<vmem>>, vector<16xf32>,
      tpu.vector_store %arg6[%swap3A_720, %swap3A_721], %scan3A_715#1 {strides = array<i32>} : memref<4x64xf32, #tpu.memory_space<vmem>>, vector<16xf32>,
      %swap3A_723 = arith.index_cast %scan3A_573 : i32 to index
      %swap3A_724 = arith.constant 32 : index
      %swap3A_725 = tpu.vector_load %arg6[%swap3A_723, %swap3A_724] {strides = array<i32>} : memref<4x64xf32, #tpu.memory_space<vmem>>, vector<16xf32>,
      tpu.vector_store %arg6[%swap3A_723, %swap3A_724], %scan3A_715#2 {strides = array<i32>} : memref<4x64xf32, #tpu.memory_space<vmem>>, vector<16xf32>,
      %swap3A_726 = arith.index_cast %scan3A_573 : i32 to index
      %swap3A_727 = arith.constant 48 : index
      %swap3A_728 = tpu.vector_load %arg6[%swap3A_726, %swap3A_727] {strides = array<i32>} : memref<4x64xf32, #tpu.memory_space<vmem>>, vector<16xf32>,
      tpu.vector_store %arg6[%swap3A_726, %swap3A_727], %scan3A_715#3 {strides = array<i32>} : memref<4x64xf32, #tpu.memory_space<vmem>>, vector<16xf32>,
    }
    %scan3A_570 = arith.constant 2 : i32
    %mul3A_571 = arith.constant 4 : i32
    %mul3A_572 = arith.muli %add3A, %mul3A_571 : i32
    "tpu.region"() ({
      %run_scoped3A = tpu.sem_alloc : memref<!tpu.dma_semaphore, #tpu.memory_space<semaphore_mem>>
      %dma_start3A_573 = arith.constant 0 : i32
      %dma_start3A_574 = tpu.memref_slice %arg3[%mul3A_572, %dma_start3A_573] : memref<128x64xf32, #tpu.memory_space<hbm>> -> memref<4x64xf32, #tpu.memory_space<hbm>>
      %dma_start3A_575 = arith.constant 0 : i32
      %dma_start3A_576 = tpu.memref_slice %arg3[%mul3A_572, %dma_start3A_575] : memref<128x64xf32, #tpu.memory_space<hbm>> -> memref<4x64xf32, #tpu.memory_space<hbm>>
      tpu.enqueue_dma source(%arg6 : memref<4x64xf32, #tpu.memory_space<vmem>>) target(%dma_start3A_576 : memref<4x64xf32, #tpu.memory_space<hbm>>) target_semaphore(%run_scoped3A : memref<!tpu.dma_semaphore, #tpu.memory_space<semaphore_mem>>)
      %dma_wait3A_577 = arith.constant 0 : i32
      %dma_wait3A_578 = tpu.memref_slice %arg3[%mul3A_572, %dma_wait3A_577] : memref<128x64xf32, #tpu.memory_space<hbm>> -> memref<4x64xf32, #tpu.memory_space<hbm>>
      %dma_wait3A_579 = arith.constant 0 : i32
      %dma_wait3A_580 = tpu.memref_slice %arg3[%mul3A_572, %dma_wait3A_579] : memref<128x64xf32, #tpu.memory_space<hbm>> -> memref<4x64xf32, #tpu.memory_space<hbm>>
      tpu.wait_dma2 semaphore(%run_scoped3A : memref<!tpu.dma_semaphore, #tpu.memory_space<semaphore_mem>>) src(%arg6 : memref<4x64xf32, #tpu.memory_space<vmem>>) dst(%dma_wait3A_580 : memref<4x64xf32, #tpu.memory_space<hbm>>)
      tpu.yield
    }) : () -> ()
    return
  }
}

module attributes {stable_mosaic.version = 14 : i64} {
  func.func @_final_body(%arg0: i32, %arg1: memref<128x64xf32, #tpu.memory_space<vmem>>, %arg2: memref<128x128xi32, #tpu.memory_space<vmem>>, %arg3: memref<64x64xf32, #tpu.memory_space<vmem>>, %arg4: memref<64x64xf32, #tpu.memory_space<vmem>>, %arg5: memref<64x1xf32, #tpu.memory_space<vmem>>, %arg6: memref<1x64xf32, #tpu.memory_space<vmem>>, %arg7: memref<64x64xf32, #tpu.memory_space<vmem>>, %arg8: memref<64x1xf32, #tpu.memory_space<vmem>>, %arg9: memref<64x128xf32, #tpu.memory_space<vmem>>) attributes {dimension_semantics = [#tpu.dimension_semantics<arbitrary>], iteration_bounds = array<i64: 1>, scalar_prefetch = 0 : i64, scratch_operands = 0 : i64, tpu.core_type = #tpu.core_type<tc>, window_params = [{pipeline_mode = #tpu.pipeline_mode<synchronous>, transform_indices = @transform_0, window_bounds = array<i64: 128, 64>}, {transform_indices = @transform_1, window_bounds = array<i64: 128, 128>}, {pipeline_mode = #tpu.pipeline_mode<synchronous>, transform_indices = @transform_2, window_bounds = array<i64: 64, 64>}, {pipeline_mode = #tpu.pipeline_mode<synchronous>, transform_indices = @transform_3, window_bounds = array<i64: 64, 64>}, {pipeline_mode = #tpu.pipeline_mode<synchronous>, transform_indices = @transform_4, window_bounds = array<i64: 64, 1>}, {pipeline_mode = #tpu.pipeline_mode<synchronous>, transform_indices = @transform_5, window_bounds = array<i64: 1, 64>}, {pipeline_mode = #tpu.pipeline_mode<synchronous>, transform_indices = @transform_6, window_bounds = array<i64: 64, 64>}, {pipeline_mode = #tpu.pipeline_mode<synchronous>, transform_indices = @transform_7, window_bounds = array<i64: 64, 1>}, {pipeline_mode = #tpu.pipeline_mode<synchronous>, transform_indices = @transform_8, window_bounds = array<i64: 64, 128>}]} {
    %get3A = arith.constant 0 : index
    %get3A_0 = arith.constant 0 : index
    %get3A_1 = vector.load %arg3[%get3A, %get3A_0] : memref<64x64xf32, #tpu.memory_space<vmem>>, vector<64x64xf32>
    %get3A_2 = arith.constant 0 : index
    %get3A_3 = arith.constant 0 : index
    %get3A_4 = vector.load %arg5[%get3A_2, %get3A_3] : memref<64x1xf32, #tpu.memory_space<vmem>>, vector<64x1xf32>
    %broadcast_in_dim3A = arith.constant 1.000000e+00 : f32
    %broadcast_in_dim3A_5 = vector.broadcast %broadcast_in_dim3A : f32 to vector<64x1xf32>
    %dot_general3A = arith.constant dense<0.000000e+00> : vector<64x64xf32>
    %dot_general3A_6 = tpu.matmul %broadcast_in_dim3A_5, %get3A_4, %dot_general3A {dimension_numbers = #tpu.dot_dimension_numbers<[1], [1], [0], [0], [0, 0, 1, 0], [], []>, transpose_lhs_hint = false} : vector<64x1xf32>, vector<64x1xf32>, vector<64x64xf32> -> vector<64x64xf32>
    %broadcast_in_dim3A_7 = vector.shape_cast %get3A_4 : vector<64x1xf32> to vector<64x1xf32>
    %broadcast_in_dim3A_8 = vector.broadcast %broadcast_in_dim3A_7 : vector<64x1xf32> to vector<64x64xf32>
    %gt3A = arith.cmpf ogt, %broadcast_in_dim3A_8, %dot_general3A_6 : vector<64x64xf32>
    %convert_element_type3A = arith.extui %gt3A : vector<64x64xi1> to vector<64x64xi32>
    %convert_element_type3A_9 = arith.sitofp %convert_element_type3A : vector<64x64xi32> to vector<64x64xf32>
    %get3A_10 = arith.constant 0 : index
    %get3A_11 = arith.constant 0 : index
    %get3A_12 = vector.load %arg1[%get3A_10, %get3A_11] : memref<128x64xf32, #tpu.memory_space<vmem>>, vector<128x64xf32>
    %dot_general3A_13 = arith.constant dense<0.000000e+00> : vector<128x64xf32>
    %dot_general3A_14 = tpu.matmul %get3A_12, %convert_element_type3A_9, %dot_general3A_13 {dimension_numbers = #tpu.dot_dimension_numbers<[1], [0], [0], [1], [0, 0, 1, 1], [], []>, transpose_lhs_hint = false} : vector<128x64xf32>, vector<64x64xf32>, vector<128x64xf32> -> vector<128x64xf32>
    %sub3A = arith.constant 8.000000e+00 : f32
    %sub3A_15 = vector.broadcast %sub3A : f32 to vector<128x64xf32>
    %sub3A_16 = arith.subf %sub3A_15, %dot_general3A_14 : vector<128x64xf32>
    %max3A = arith.constant 0.000000e+00 : f32
    %max3A_17 = vector.broadcast %max3A : f32 to vector<128x64xf32>
    %max3A_18 = arith.maximumf %sub3A_16, %max3A_17 : vector<128x64xf32>
    %min3A = arith.minimumf %max3A_18, %get3A_12 : vector<128x64xf32>
    %get3A_19 = arith.constant 0 : index
    %get3A_20 = arith.constant 0 : index
    %get3A_21 = vector.load %arg2[%get3A_19, %get3A_20] : memref<128x128xi32, #tpu.memory_space<vmem>>, vector<128x128xi32>
    %slice3A = vector.extract_strided_slice %get3A_21 {offsets = [0, 127], sizes = [128, 1], strides = [1, 1]} : vector<128x128xi32> to vector<128x1xi32>
    %broadcast_in_dim3A_22 = vector.shape_cast %slice3A : vector<128x1xi32> to vector<128x1xi32>
    %broadcast_in_dim3A_23 = vector.broadcast %broadcast_in_dim3A_22 : vector<128x1xi32> to vector<128x64xi32>
    %iota3A = tpu.iota {dimensions = array<i32: 1>} : vector<128x64xi32>
    %eq3A = arith.cmpi eq, %broadcast_in_dim3A_23, %iota3A : vector<128x64xi32>
    %convert_element_type3A_24 = arith.extui %eq3A : vector<128x64xi1> to vector<128x64xi32>
    %convert_element_type3A_25 = arith.sitofp %convert_element_type3A_24 : vector<128x64xi32> to vector<128x64xf32>
    %get3A_26 = arith.constant 0 : index
    %get3A_27 = arith.constant 0 : index
    %get3A_28 = vector.load %arg4[%get3A_26, %get3A_27] : memref<64x64xf32, #tpu.memory_space<vmem>>, vector<64x64xf32>
    %dot_general3A_29 = arith.constant dense<0.000000e+00> : vector<128x64xf32>
    %dot_general3A_30 = tpu.matmul %convert_element_type3A_25, %get3A_28, %dot_general3A_29 {dimension_numbers = #tpu.dot_dimension_numbers<[1], [0], [0], [1], [0, 0, 1, 1], [], []>, transpose_lhs_hint = false} : vector<128x64xf32>, vector<64x64xf32>, vector<128x64xf32> -> vector<128x64xf32>
    %get3A_31 = arith.constant 0 : index
    %get3A_32 = arith.constant 0 : index
    %get3A_33 = vector.load %arg6[%get3A_31, %get3A_32] : memref<1x64xf32, #tpu.memory_space<vmem>>, vector<1x64xf32>
    %add3A = vector.broadcast %get3A_33 : vector<1x64xf32> to vector<128x64xf32>
    %add3A_34 = arith.addf %dot_general3A_30, %add3A : vector<128x64xf32>
    %dot_general3A_35 = arith.constant dense<0.000000e+00> : vector<128x64xf32>
    %dot_general3A_36 = tpu.matmul %add3A_34, %get3A_1, %dot_general3A_35 {dimension_numbers = #tpu.dot_dimension_numbers<[1], [1], [0], [0], [0, 0, 1, 0], [], []>, transpose_lhs_hint = false} : vector<128x64xf32>, vector<64x64xf32>, vector<128x64xf32> -> vector<128x64xf32>
    %gt3A_37 = arith.constant 0.000000e+00 : f32
    %gt3A_38 = vector.broadcast %gt3A_37 : f32 to vector<128x64xf32>
    %gt3A_39 = arith.cmpf ogt, %min3A, %gt3A_38 : vector<128x64xf32>
    %jit3A = arith.constant -1.000000e+30 : f32
    %broadcast_in_dim3A_40 = vector.broadcast %jit3A : f32 to vector<128x64xf32>
    %select_n3A = arith.select %gt3A_39, %dot_general3A_36, %broadcast_in_dim3A_40 : vector<128x64xi1>, vector<128x64xf32>
    %reduce_max3A = arith.constant dense<0xFF800000> : vector<128xf32>
    %reduce_max3A_41 = vector.multi_reduction <maximumf>, %select_n3A, %reduce_max3A [1] : vector<128x64xf32> to vector<128xf32>
    %broadcast_in_dim3A_42 = vector.shape_cast %reduce_max3A_41 : vector<128xf32> to vector<128x1xf32>
    %sub3A_43 = vector.broadcast %broadcast_in_dim3A_42 : vector<128x1xf32> to vector<128x64xf32>
    %sub3A_44 = arith.subf %dot_general3A_36, %sub3A_43 : vector<128x64xf32>
    %min3A_45 = arith.constant 0.000000e+00 : f32
    %min3A_46 = vector.broadcast %min3A_45 : f32 to vector<128x64xf32>
    %min3A_47 = arith.minimumf %sub3A_44, %min3A_46 : vector<128x64xf32>
    %exp3A = math.exp %min3A_47 : vector<128x64xf32>
    %mul3A = arith.mulf %min3A, %exp3A : vector<128x64xf32>
    %dot_general3A_48 = arith.constant dense<0.000000e+00> : vector<128x64xf32>
    %dot_general3A_49 = tpu.matmul %mul3A, %get3A_1, %dot_general3A_48 {dimension_numbers = #tpu.dot_dimension_numbers<[1], [0], [0], [1], [0, 0, 1, 1], [], []>, transpose_lhs_hint = false} : vector<128x64xf32>, vector<64x64xf32>, vector<128x64xf32> -> vector<128x64xf32>
    %reduce_sum3A = arith.constant dense<0.000000e+00> : vector<128xf32>
    %reduce_sum3A_50 = vector.multi_reduction <add>, %mul3A, %reduce_sum3A [1] : vector<128x64xf32> to vector<128xf32>
    %broadcast_in_dim3A_51 = vector.shape_cast %reduce_sum3A_50 : vector<128xf32> to vector<128x1xf32>
    %div3A = vector.broadcast %broadcast_in_dim3A_51 : vector<128x1xf32> to vector<128x64xf32>
    %div3A_52 = arith.divf %dot_general3A_49, %div3A : vector<128x64xf32>
    %get3A_53 = arith.constant 0 : index
    %get3A_54 = arith.constant 0 : index
    %get3A_55 = vector.load %arg7[%get3A_53, %get3A_54] : memref<64x64xf32, #tpu.memory_space<vmem>>, vector<64x64xf32>
    %dot_general3A_56 = arith.constant dense<0.000000e+00> : vector<64x128xf32>
    %dot_general3A_57 = tpu.matmul %get3A_55, %div3A_52, %dot_general3A_56 {dimension_numbers = #tpu.dot_dimension_numbers<[0], [1], [1], [0], [0, 1, 1, 0], [], []>, transpose_lhs_hint = false} : vector<64x64xf32>, vector<128x64xf32>, vector<64x128xf32> -> vector<64x128xf32>
    %get3A_58 = arith.constant 0 : index
    %get3A_59 = arith.constant 0 : index
    %get3A_60 = vector.load %arg8[%get3A_58, %get3A_59] : memref<64x1xf32, #tpu.memory_space<vmem>>, vector<64x1xf32>
    %add3A_61 = vector.broadcast %get3A_60 : vector<64x1xf32> to vector<64x128xf32>
    %add3A_62 = arith.addf %dot_general3A_57, %add3A_61 : vector<64x128xf32>
    %swap3A = arith.constant 0 : index
    %swap3A_63 = arith.constant 0 : index
    %swap3A_64 = vector.load %arg9[%swap3A, %swap3A_63] : memref<64x128xf32, #tpu.memory_space<vmem>>, vector<64x128xf32>
    tpu.vector_store %arg9[%swap3A, %swap3A_63], %add3A_62 {strides = array<i32>} : memref<64x128xf32, #tpu.memory_space<vmem>>, vector<64x128xf32>,
    return
  }
  func.func @transform_0(%arg0: i32) -> (i32, i32) {
    %c0_i32 = arith.constant 0 : i32
    %c0_i32_0 = arith.constant 0 : i32
    %c0_i32_1 = arith.constant 0 : i32
    return %c0_i32, %c0_i32_0 : i32, i32
  }
  func.func @transform_1(%arg0: i32) -> (i32, i32) {
    %c0_i32 = arith.constant 0 : i32
    %c63_i32 = arith.constant 63 : i32
    %c0_i32_0 = arith.constant 0 : i32
    return %c0_i32, %c63_i32 : i32, i32
  }
  func.func @transform_2(%arg0: i32) -> (i32, i32) {
    %c0_i32 = arith.constant 0 : i32
    %c0_i32_0 = arith.constant 0 : i32
    %c0_i32_1 = arith.constant 0 : i32
    return %c0_i32, %c0_i32_0 : i32, i32
  }
  func.func @transform_3(%arg0: i32) -> (i32, i32) {
    %c0_i32 = arith.constant 0 : i32
    %c0_i32_0 = arith.constant 0 : i32
    %c0_i32_1 = arith.constant 0 : i32
    return %c0_i32, %c0_i32_0 : i32, i32
  }
  func.func @transform_4(%arg0: i32) -> (i32, i32) {
    %c0_i32 = arith.constant 0 : i32
    %c0_i32_0 = arith.constant 0 : i32
    %c0_i32_1 = arith.constant 0 : i32
    return %c0_i32, %c0_i32_0 : i32, i32
  }
  func.func @transform_5(%arg0: i32) -> (i32, i32) {
    %c0_i32 = arith.constant 0 : i32
    %c0_i32_0 = arith.constant 0 : i32
    %c0_i32_1 = arith.constant 0 : i32
    return %c0_i32, %c0_i32_0 : i32, i32
  }
  func.func @transform_6(%arg0: i32) -> (i32, i32) {
    %c0_i32 = arith.constant 0 : i32
    %c0_i32_0 = arith.constant 0 : i32
    %c0_i32_1 = arith.constant 0 : i32
    return %c0_i32, %c0_i32_0 : i32, i32
  }
  func.func @transform_7(%arg0: i32) -> (i32, i32) {
    %c0_i32 = arith.constant 0 : i32
    %c0_i32_0 = arith.constant 0 : i32
    %c0_i32_1 = arith.constant 0 : i32
    return %c0_i32, %c0_i32_0 : i32, i32
  }
  func.func @transform_8(%arg0: i32) -> (i32, i32) {
    %c0_i32 = arith.constant 0 : i32
    %c0_i32_0 = arith.constant 0 : i32
    %c0_i32_1 = arith.constant 0 : i32
    return %c0_i32, %c0_i32_0 : i32, i32
  }
}

module attributes {stable_mosaic.version = 14 : i64} {
  func.func @_table_body(%arg0: i32, %arg1: memref<64x64xf32, #tpu.memory_space<vmem>>, %arg2: memref<64x128xf32, #tpu.memory_space<vmem>>, %arg3: memref<1x128xf32, #tpu.memory_space<vmem>>, %arg4: memref<128x64xf32, #tpu.memory_space<vmem>>, %arg5: memref<1x64xf32, #tpu.memory_space<vmem>>, %arg6: memref<1x64xf32, #tpu.memory_space<vmem>>, %arg7: memref<1x64xf32, #tpu.memory_space<vmem>>, %arg8: memref<64x1xf32, #tpu.memory_space<vmem>>, %arg9: memref<64x64xf32, #tpu.memory_space<vmem>>, %arg10: memref<64x64xf32, #tpu.memory_space<vmem>>, %arg11: memref<64x64xf32, #tpu.memory_space<vmem>>, %arg12: memref<64x1xf32, #tpu.memory_space<vmem>>) attributes {dimension_semantics = [#tpu.dimension_semantics<arbitrary>], iteration_bounds = array<i64: 1>, scalar_prefetch = 0 : i64, scratch_operands = 0 : i64, tpu.core_type = #tpu.core_type<tc>, window_params = [{pipeline_mode = #tpu.pipeline_mode<synchronous>, transform_indices = @transform_0, window_bounds = array<i64: 64, 64>}, {pipeline_mode = #tpu.pipeline_mode<synchronous>, transform_indices = @transform_1, window_bounds = array<i64: 64, 128>}, {pipeline_mode = #tpu.pipeline_mode<synchronous>, transform_indices = @transform_2, window_bounds = array<i64: 1, 128>}, {pipeline_mode = #tpu.pipeline_mode<synchronous>, transform_indices = @transform_3, window_bounds = array<i64: 128, 64>}, {pipeline_mode = #tpu.pipeline_mode<synchronous>, transform_indices = @transform_4, window_bounds = array<i64: 1, 64>}, {pipeline_mode = #tpu.pipeline_mode<synchronous>, transform_indices = @transform_5, window_bounds = array<i64: 1, 64>}, {pipeline_mode = #tpu.pipeline_mode<synchronous>, transform_indices = @transform_6, window_bounds = array<i64: 1, 64>}, {pipeline_mode = #tpu.pipeline_mode<synchronous>, transform_indices = @transform_7, window_bounds = array<i64: 64, 1>}, {pipeline_mode = #tpu.pipeline_mode<synchronous>, transform_indices = @transform_8, window_bounds = array<i64: 64, 64>}, {pipeline_mode = #tpu.pipeline_mode<synchronous>, transform_indices = @transform_9, window_bounds = array<i64: 64, 64>}, {pipeline_mode = #tpu.pipeline_mode<synchronous>, transform_indices = @transform_10, window_bounds = array<i64: 64, 64>}, {pipeline_mode = #tpu.pipeline_mode<synchronous>, transform_indices = @transform_11, window_bounds = array<i64: 64, 1>}]} {
    %get3A = arith.constant 0 : index
    %get3A_0 = arith.constant 0 : index
    %get3A_1 = vector.load %arg1[%get3A, %get3A_0] : memref<64x64xf32, #tpu.memory_space<vmem>>, vector<64x64xf32>
    %get3A_2 = arith.constant 0 : index
    %get3A_3 = arith.constant 0 : index
    %get3A_4 = vector.load %arg2[%get3A_2, %get3A_3] : memref<64x128xf32, #tpu.memory_space<vmem>>, vector<64x128xf32>
    %dot_general3A = arith.constant dense<0.000000e+00> : vector<64x128xf32>
    %dot_general3A_5 = tpu.matmul %get3A_1, %get3A_4, %dot_general3A {dimension_numbers = #tpu.dot_dimension_numbers<[1], [0], [0], [1], [0, 0, 1, 1], [], []>, transpose_lhs_hint = false} : vector<64x64xf32>, vector<64x128xf32>, vector<64x128xf32> -> vector<64x128xf32>
    %get3A_6 = arith.constant 0 : index
    %get3A_7 = arith.constant 0 : index
    %get3A_8 = vector.load %arg3[%get3A_6, %get3A_7] : memref<1x128xf32, #tpu.memory_space<vmem>>, vector<1x128xf32>
    %add3A = vector.broadcast %get3A_8 : vector<1x128xf32> to vector<64x128xf32>
    %add3A_9 = arith.addf %dot_general3A_5, %add3A : vector<64x128xf32>
    %max3A = arith.constant 0.000000e+00 : f32
    %max3A_10 = vector.broadcast %max3A : f32 to vector<64x128xf32>
    %max3A_11 = arith.maximumf %add3A_9, %max3A_10 : vector<64x128xf32>
    %get3A_12 = arith.constant 0 : index
    %get3A_13 = arith.constant 0 : index
    %get3A_14 = vector.load %arg4[%get3A_12, %get3A_13] : memref<128x64xf32, #tpu.memory_space<vmem>>, vector<128x64xf32>
    %dot_general3A_15 = arith.constant dense<0.000000e+00> : vector<64x64xf32>
    %dot_general3A_16 = tpu.matmul %max3A_11, %get3A_14, %dot_general3A_15 {dimension_numbers = #tpu.dot_dimension_numbers<[1], [0], [0], [1], [0, 0, 1, 1], [], []>, transpose_lhs_hint = false} : vector<64x128xf32>, vector<128x64xf32>, vector<64x64xf32> -> vector<64x64xf32>
    %add3A_17 = arith.addf %get3A_1, %dot_general3A_16 : vector<64x64xf32>
    %get3A_18 = arith.constant 0 : index
    %get3A_19 = arith.constant 0 : index
    %get3A_20 = vector.load %arg5[%get3A_18, %get3A_19] : memref<1x64xf32, #tpu.memory_space<vmem>>, vector<1x64xf32>
    %add3A_21 = vector.broadcast %get3A_20 : vector<1x64xf32> to vector<64x64xf32>
    %add3A_22 = arith.addf %add3A_17, %add3A_21 : vector<64x64xf32>
    %reduce_sum3A = arith.constant dense<0.000000e+00> : vector<64xf32>
    %reduce_sum3A_23 = vector.multi_reduction <add>, %add3A_22, %reduce_sum3A [1] : vector<64x64xf32> to vector<64xf32>
    %broadcast_in_dim3A = vector.shape_cast %reduce_sum3A_23 : vector<64xf32> to vector<64x1xf32>
    %div3A = arith.constant 6.400000e+01 : f32
    %div3A_24 = vector.broadcast %div3A : f32 to vector<64x1xf32>
    %div3A_25 = arith.divf %broadcast_in_dim3A, %div3A_24 : vector<64x1xf32>
    %sub3A = vector.broadcast %div3A_25 : vector<64x1xf32> to vector<64x64xf32>
    %sub3A_26 = arith.subf %add3A_22, %sub3A : vector<64x64xf32>
    %integer_pow3A = arith.mulf %sub3A_26, %sub3A_26 : vector<64x64xf32>
    %reduce_sum3A_27 = arith.constant dense<0.000000e+00> : vector<64xf32>
    %reduce_sum3A_28 = vector.multi_reduction <add>, %integer_pow3A, %reduce_sum3A_27 [1] : vector<64x64xf32> to vector<64xf32>
    %broadcast_in_dim3A_29 = vector.shape_cast %reduce_sum3A_28 : vector<64xf32> to vector<64x1xf32>
    %div3A_30 = arith.constant 6.400000e+01 : f32
    %div3A_31 = vector.broadcast %div3A_30 : f32 to vector<64x1xf32>
    %div3A_32 = arith.divf %broadcast_in_dim3A_29, %div3A_31 : vector<64x1xf32>
    %sub3A_33 = vector.broadcast %div3A_25 : vector<64x1xf32> to vector<64x64xf32>
    %sub3A_34 = arith.subf %add3A_22, %sub3A_33 : vector<64x64xf32>
    %add3A_35 = arith.constant 9.99999974E-6 : f32
    %add3A_36 = vector.broadcast %add3A_35 : f32 to vector<64x1xf32>
    %add3A_37 = arith.addf %div3A_32, %add3A_36 : vector<64x1xf32>
    %rsqrt3A = math.rsqrt %add3A_37 : vector<64x1xf32>
    %mul3A = vector.broadcast %rsqrt3A : vector<64x1xf32> to vector<64x64xf32>
    %mul3A_38 = arith.mulf %sub3A_34, %mul3A : vector<64x64xf32>
    %get3A_39 = arith.constant 0 : index
    %get3A_40 = arith.constant 0 : index
    %get3A_41 = vector.load %arg6[%get3A_39, %get3A_40] : memref<1x64xf32, #tpu.memory_space<vmem>>, vector<1x64xf32>
    %mul3A_42 = vector.broadcast %get3A_41 : vector<1x64xf32> to vector<64x64xf32>
    %mul3A_43 = arith.mulf %mul3A_38, %mul3A_42 : vector<64x64xf32>
    %get3A_44 = arith.constant 0 : index
    %get3A_45 = arith.constant 0 : index
    %get3A_46 = vector.load %arg7[%get3A_44, %get3A_45] : memref<1x64xf32, #tpu.memory_space<vmem>>, vector<1x64xf32>
    %add3A_47 = vector.broadcast %get3A_46 : vector<1x64xf32> to vector<64x64xf32>
    %add3A_48 = arith.addf %mul3A_43, %add3A_47 : vector<64x64xf32>
    %swap3A = arith.constant 0 : index
    %swap3A_49 = arith.constant 0 : index
    %swap3A_50 = vector.load %arg10[%swap3A, %swap3A_49] : memref<64x64xf32, #tpu.memory_space<vmem>>, vector<64x64xf32>
    tpu.vector_store %arg10[%swap3A, %swap3A_49], %add3A_48 {strides = array<i32>} : memref<64x64xf32, #tpu.memory_space<vmem>>, vector<64x64xf32>,
    %get3A_51 = arith.constant 0 : index
    %get3A_52 = arith.constant 0 : index
    %get3A_53 = vector.load %arg9[%get3A_51, %get3A_52] : memref<64x64xf32, #tpu.memory_space<vmem>>, vector<64x64xf32>
    %dot_general3A_54 = arith.constant dense<0.000000e+00> : vector<64x64xf32>
    %dot_general3A_55 = tpu.matmul %add3A_48, %get3A_53, %dot_general3A_54 {dimension_numbers = #tpu.dot_dimension_numbers<[1], [0], [0], [1], [0, 0, 1, 1], [], []>, transpose_lhs_hint = false} : vector<64x64xf32>, vector<64x64xf32>, vector<64x64xf32> -> vector<64x64xf32>
    %swap3A_56 = arith.constant 0 : index
    %swap3A_57 = arith.constant 0 : index
    %swap3A_58 = vector.load %arg11[%swap3A_56, %swap3A_57] : memref<64x64xf32, #tpu.memory_space<vmem>>, vector<64x64xf32>
    tpu.vector_store %arg11[%swap3A_56, %swap3A_57], %dot_general3A_55 {strides = array<i32>} : memref<64x64xf32, #tpu.memory_space<vmem>>, vector<64x64xf32>,
    %get3A_59 = arith.constant 0 : index
    %get3A_60 = arith.constant 0 : index
    %get3A_61 = vector.load %arg8[%get3A_59, %get3A_60] : memref<64x1xf32, #tpu.memory_space<vmem>>, vector<64x1xf32>
    %dot_general3A_62 = arith.constant dense<0.000000e+00> : vector<64x1xf32>
    %dot_general3A_63 = tpu.matmul %add3A_48, %get3A_61, %dot_general3A_62 {dimension_numbers = #tpu.dot_dimension_numbers<[1], [0], [0], [1], [0, 0, 1, 1], [], []>, transpose_lhs_hint = false} : vector<64x64xf32>, vector<64x1xf32>, vector<64x1xf32> -> vector<64x1xf32>
    %swap3A_64 = arith.constant 0 : index
    %swap3A_65 = arith.constant 0 : index
    %swap3A_66 = vector.load %arg12[%swap3A_64, %swap3A_65] : memref<64x1xf32, #tpu.memory_space<vmem>>, vector<64x1xf32>
    tpu.vector_store %arg12[%swap3A_64, %swap3A_65], %dot_general3A_63 {strides = array<i32>} : memref<64x1xf32, #tpu.memory_space<vmem>>, vector<64x1xf32>,
    return
  }
  func.func @transform_0(%arg0: i32) -> (i32, i32) {
    %c0_i32 = arith.constant 0 : i32
    %c0_i32_0 = arith.constant 0 : i32
    %c0_i32_1 = arith.constant 0 : i32
    return %c0_i32, %c0_i32_0 : i32, i32
  }
  func.func @transform_1(%arg0: i32) -> (i32, i32) {
    %c0_i32 = arith.constant 0 : i32
    %c0_i32_0 = arith.constant 0 : i32
    %c0_i32_1 = arith.constant 0 : i32
    return %c0_i32, %c0_i32_0 : i32, i32
  }
  func.func @transform_2(%arg0: i32) -> (i32, i32) {
    %c0_i32 = arith.constant 0 : i32
    %c0_i32_0 = arith.constant 0 : i32
    %c0_i32_1 = arith.constant 0 : i32
    return %c0_i32, %c0_i32_0 : i32, i32
  }
  func.func @transform_3(%arg0: i32) -> (i32, i32) {
    %c0_i32 = arith.constant 0 : i32
    %c0_i32_0 = arith.constant 0 : i32
    %c0_i32_1 = arith.constant 0 : i32
    return %c0_i32, %c0_i32_0 : i32, i32
  }
  func.func @transform_4(%arg0: i32) -> (i32, i32) {
    %c0_i32 = arith.constant 0 : i32
    %c0_i32_0 = arith.constant 0 : i32
    %c0_i32_1 = arith.constant 0 : i32
    return %c0_i32, %c0_i32_0 : i32, i32
  }
  func.func @transform_5(%arg0: i32) -> (i32, i32) {
    %c0_i32 = arith.constant 0 : i32
    %c0_i32_0 = arith.constant 0 : i32
    %c0_i32_1 = arith.constant 0 : i32
    return %c0_i32, %c0_i32_0 : i32, i32
  }
  func.func @transform_6(%arg0: i32) -> (i32, i32) {
    %c0_i32 = arith.constant 0 : i32
    %c0_i32_0 = arith.constant 0 : i32
    %c0_i32_1 = arith.constant 0 : i32
    return %c0_i32, %c0_i32_0 : i32, i32
  }
  func.func @transform_7(%arg0: i32) -> (i32, i32) {
    %c0_i32 = arith.constant 0 : i32
    %c0_i32_0 = arith.constant 0 : i32
    %c0_i32_1 = arith.constant 0 : i32
    return %c0_i32, %c0_i32_0 : i32, i32
  }
  func.func @transform_8(%arg0: i32) -> (i32, i32) {
    %c0_i32 = arith.constant 0 : i32
    %c0_i32_0 = arith.constant 0 : i32
    %c0_i32_1 = arith.constant 0 : i32
    return %c0_i32, %c0_i32_0 : i32, i32
  }
  func.func @transform_9(%arg0: i32) -> (i32, i32) {
    %c0_i32 = arith.constant 0 : i32
    %c0_i32_0 = arith.constant 0 : i32
    %c0_i32_1 = arith.constant 0 : i32
    return %c0_i32, %c0_i32_0 : i32, i32
  }
  func.func @transform_10(%arg0: i32) -> (i32, i32) {
    %c0_i32 = arith.constant 0 : i32
    %c0_i32_0 = arith.constant 0 : i32
    %c0_i32_1 = arith.constant 0 : i32
    return %c0_i32, %c0_i32_0 : i32, i32
  }
  func.func @transform_11(%arg0: i32) -> (i32, i32) {
    %c0_i32 = arith.constant 0 : i32
    %c0_i32_0 = arith.constant 0 : i32
    %c0_i32_1 = arith.constant 0 : i32
    return %c0_i32, %c0_i32_0 : i32, i32
  }
}

</mosaic_0001>

<sc_bundles>
// kernel: kernel.5.cloned.1.call-start
scs
__scs_entry_jumppad:
0x0: {  	(pc) =	sbr.rel $0x88, $3  }
0x1: {  	(tag) =	ssettag $0x0;
	lr =	simm.s32 $0x1  }
0x2: {  	[smem:$0x3F94] =	sst lr;
	_ =	strace $0xD0000000  }
0x3: {  	_ = 	snop  }
0x4: {  	_ = 	snop  }
0x5: {  	_ = 	snop  }
0x6: {  	_ = 	snop  }
0x7: {  	_ = 	snop  }
__scs_overlays_trampoline_lowered:
0x8: {  	[smem:$0x3FA3] =	sst s0  }
0x9: {  	[smem:$0x3FA4] =	sst s1  }
0xa: {  	[smem:$0x3FA5] =	sst s2  }
0xb: {  	[smem:$0x3FA6] =	sst s3  }
0xc: {  	[smem:$0x3FA7] =	sst s4  }
0xd: {  	[smem:$0x3FA8] =	sst s5  }
0xe: {  	[smem:$0x3FA9] =	sst s6  }
0xf: {  	[smem:$0x3FAA] =	sst s7  }
0x10: {  	[smem:$0x3FAB] =	sst s8  }
0x11: {  	[smem:$0x3FAC] =	sst s9;
	s0 =	simm.s32 @!p0 $0x0  }
0x12: {  	s1 =	sld [smem:$0x3F92];
	s0 =	simm.s32 @p0 $0x1  }
0x13: {  	[smem:$0x3FAD] =	sst s0;
	s0 =	simm.s32 @!p1 $0x0  }
0x14: {  	s2 =	sld [smem:$0x3F91];
	s0 =	simm.s32 @p1 $0x1  }
0x15: {  	[smem:$0x3FAE] =	sst s0;
	s0 =	simm.s32 @!p2 $0x0  }
0x16: {  	s3 =	sld [smem:$0x3FDB];
	s0 =	simm.s32 @p2 $0x1  }
0x17: {  	s4 =	simm.s32 $0x1BF5;
	[smem:$0x3FB0] =	sst s0  }
0x18: {  	s0 =	sld [smem:$0x3F93];
	_ =	swait.ge [sflag:s4], $0x0  }
0x19: {  	s7 =	sld [smem:$0x3F94]  }
0x1a: {  	s8 =	sadd.s32 $0xFFFFE003, lr  }
0x1b: {  	s9 =	sadd.s32 $0xFFFFFEF7, lr;
	s5 =	simm.s32 $0xFFFFFFFF;
	p2 =	slt.u32 s8, $0xFFFFF086  }
0x1c: {  	p1 =	slt.u32 s9, $0xF7A;
	s5 =	simm.s32 @!p2 $0x0  }
0x1d: {  	s5 =	simm.s32 @p1 $0x1;
	p0 =	seq.s32 s7, s2  }
0x1e: {  	s7 =	smul.u32 @!p0 $0xF7A, s2;
	p2 =	seq.s32 @!p0 s5, $0x0  }
0x1f: {  	s9 =	smul.u32 $0xF7A, s1;
	s8 =	simm.s32 @!p0 $0x1BF5;
	p2 =	por !p2, p0  }
0x20: {  	[sflag:s8] =	ssyncset.s32 @!p0 $0xFFFFF086;
	s6 =	sadd.s32 @!p0 s3, s7;
	s7 =	simm.s32 @!p0 $0x108  }
0x21: {  	s3 =	sadd.s32 s3, s9;
	s6 =	sadd.s32 @!p0 $0x88, s6;
	s7 =	simm.s32 @p2 $0x1082  }
0x22: {  	[simem:s7], [sflag:s8] =	dma.local @!p0 [hbm:s6], $0xF7A  }
0x23: {  	s9 =	sor.u32 $0xD0000000, s2;
	s6 =	simm.s32 $0x108;
	_ =	swait.ge @!p0 [sflag:s8], $0x0  }
0x24: {  	s3 =	sadd.s32 $0x88, s3;
	s6 =	simm.s32 @!p1 $0x1082;
	[sflag:s4] =	ssyncset.s32 $0xFFFFF086  }
0x25: {  	[simem:s6], [sflag:s4] =	dma.local [hbm:s3], $0xF7A  }
0x26: {  	[smem:$0x3F94] =	sst s1;
	(tag) =	ssettag s2;
	_ =	strace s9  }
0x27: {  	s1 =	sld [smem:$0x3FA4]  }
0x28: {  	s2 =	sld [smem:$0x3FA5]  }
0x29: {  	s4 =	sld [smem:$0x3FA7]  }
0x2a: {  	p0 =	seq.s32 s5, $0x0;
	s5 =	sld [smem:$0x3FA8]  }
0x2b: {  	s6 =	sld [smem:$0x3FA9]  }
0x2c: {  	s7 =	sld [smem:$0x3FAA]  }
0x2d: {  	s3 =	simm.s32 $0x108;
	s8 =	sld [smem:$0x3FAB]  }
0x2e: {  	s3 =	simm.s32 @!p0 $0x1082;
	s9 =	sld [smem:$0x3FAC]  }
0x2f: {  	lr =	sadd.s32 s0, s3;
	s0 =	sld [smem:$0x3FA3]  }
0x30: {  	s3 =	sld [smem:$0x3FA6]  }
0x31: {  	[smem:$0x3FAF] =	sst s10  }
0x32: {  	s10 =	sld [smem:$0x3FAD];
	_ =	sdelay $0x3  }
0x33: {  	p0 =	seq.s32 s10, $0x1;
	s10 =	sld [smem:$0x3FAF];
	_ =	sdelay $0x3  }
0x34: {  	[smem:$0x3FAF] =	sst s10  }
0x35: {  	s10 =	sld [smem:$0x3FAE];
	_ =	sdelay $0x3  }
0x36: {  	p1 =	seq.s32 s10, $0x1;
	s10 =	sld [smem:$0x3FAF];
	_ =	sdelay $0x3  }
0x37: {  	[smem:$0x3FAF] =	sst s10  }
0x38: {  	s10 =	sld [smem:$0x3FB0]  }
0x39: {  	_ = 	snop;
	(pc) =	sbr.ind lr, $3  }
0x3a: {  	_ = 	snop  }
0x3b: {  	_ = 	snop  }
0x3c: {  	p2 =	seq.s32 s10, $0x1;
	s10 =	sld [smem:$0x3FAF]  }
0x3d: {  	_ =	shalt  }
0x3e: {  	_ =	shalt  }
0x3f: {  	_ =	shalt  }
0x40: {  	_ =	shalt  }
0x41: {  	_ =	shalt  }
0x42: {  	_ =	shalt  }
0x43: {  	_ =	shalt  }
0x44: {  	_ =	shalt  }
0x45: {  	_ =	shalt  }
0x46: {  	_ =	shalt  }
0x47: {  	_ =	shalt  }
0x48: {  	_ =	shalt  }
0x49: {  	_ =	shalt  }
0x4a: {  	_ =	shalt  }
0x4b: {  	_ =	shalt  }
0x4c: {  	_ =	shalt  }
0x4d: {  	_ =	shalt  }
0x4e: {  	_ =	shalt  }
0x4f: {  	_ =	shalt  }
0x50: {  	_ =	shalt  }
0x51: {  	_ =	shalt  }
0x52: {  	_ =	shalt  }
0x53: {  	_ =	shalt  }
0x54: {  	_ =	shalt  }
0x55: {  	_ =	shalt  }
0x56: {  	_ =	shalt  }
0x57: {  	_ =	shalt  }
0x58: {  	_ =	shalt  }
0x59: {  	_ =	shalt  }
0x5a: {  	_ =	shalt  }
0x5b: {  	_ =	shalt  }
0x5c: {  	_ =	shalt  }
0x5d: {  	_ =	shalt  }
0x5e: {  	_ =	shalt  }
0x5f: {  	_ =	shalt  }
0x60: {  	_ =	shalt  }
0x61: {  	_ =	shalt  }
0x62: {  	_ =	shalt  }
0x63: {  	_ =	shalt  }
0x64: {  	_ =	shalt  }
0x65: {  	_ =	shalt  }
0x66: {  	_ =	shalt  }
0x67: {  	_ =	shalt  }
0x68: {  	_ =	shalt  }
0x69: {  	_ =	shalt  }
0x6a: {  	_ =	shalt  }
0x6b: {  	_ =	shalt  }
0x6c: {  	_ =	shalt  }
0x6d: {  	_ =	shalt  }
0x6e: {  	_ =	shalt  }
0x6f: {  	_ =	shalt  }
0x70: {  	_ =	shalt  }
0x71: {  	_ =	shalt  }
0x72: {  	_ =	shalt  }
0x73: {  	_ =	shalt  }
0x74: {  	_ =	shalt  }
0x75: {  	_ =	shalt  }
0x76: {  	_ =	shalt  }
0x77: {  	_ =	shalt  }
0x78: {  	_ =	shalt  }
0x79: {  	_ =	shalt  }
0x7a: {  	_ =	shalt  }
0x7b: {  	_ =	shalt  }
0x7c: {  	_ =	shalt  }
0x7d: {  	_ =	shalt  }
0x7e: {  	_ =	shalt  }
0x7f: {  	_ =	shalt  }
0x80: {  	_ =	shalt  }
0x81: {  	_ =	shalt  }
0x82: {  	_ =	shalt  }
0x83: {  	_ =	shalt  }
0x84: {  	_ =	shalt  }
0x85: {  	_ =	shalt  }
0x86: {  	_ =	shalt  }
0x87: {  	_ =	shalt  }
.Lfunc_end0:
.L_simem_size_0:
called_computation_lowered:
.L_overlay_start_0:
0x88: {  	s2 =	sld [smem:$0x3FD9]  }
0x89: {  	s3 =	sld [smem:$0x3FFE];
	_ =	sdelay $0x1  }
0x8a: {  	s1 =	srdreg.scid  }
0x8b: {  	s0 =	sand.u32 $0x1, s1  }
0x8c: {  	s17 =	sshll.u32 s0, $0xA;
	s2 =	sadd.s32 s3, s2  }
0x8d: {  	s2 =	sadd.s32 s2, s17  }
0x8e: {  	[smem:$0x3FBB] =	sst s2  }
0x8f: {  	_ = 	snop  }
0x90: {  	s2 =	sld [smem:$0x3FC9];
	(tm) =	ssettm $0x1  }
0x91: {  	s18 =	sld [smem:$0x3FFB];
	_ =	sdelay $0x3  }
0x92: {  	_ =	strace s18  }
0x93: {  	s3 =	sld [smem:$0x3FFC];
	_ =	sdelay $0x3  }
0x94: {  	_ =	strace s3  }
0x95: {  	s3 =	sld [smem:$0x3FFD];
	_ =	sdelay $0x3  }
0x96: {  	_ =	strace s3  }
0x97: {  	_ =	strace $0x8FFFFFFF  }
0x98: {  	s19 =	sld [smem:$0x3FDB];
	_ =	sdelay $0x1  }
0x99: {  	s4 =	simm.s32 $_scs_section_size  }
0x9a: {  	s5 =	simm.s32 $_size__tile_overlayer_lowered;
	s6 =	simm.s32 $_tile_overlayer_lowered  }
0x9b: {  	s22 =	simm.s32 $0x1BFF;
	s21 =	sshll.u32 s6, $0x1;
	s3 =	sadd.s32 s4, s19  }
0x9c: {  	s7 =	simm.s32 $0x0;
	s20 =	sshll.u32 s5, $0x1;
	s5 =	sadd.s32 s21, s3  }
0x9d: {  	[timem:s7], [sflag:s22] =	dma.local [hbm:s5], s20  }
0x9e: {  	_ =	swait.ge [sflag:s22], s20  }
0x9f: {  	s4 =	ssub.s32 $0x0, s20;
	[sflag:s22] =	ssyncset.done $0x0  }
0xa0: {  	[sflag:s22] =	ssyncadd.s32 s4;
	_ =	sdelay $0x1  }
0xa1: {  	s23 =	simm.s32 $0x1B8B  }
0xa2: {  	_ =	swait.ge [sflag:s23], $0x1  }
0xa3: {  	[sflag:s23] =	ssyncset.done $0x0  }
0xa4: {  	s25 =	simm.s32 $0x1B8E;
	s24 =	sld [smem:$0x3FFE];
	[sflag:s23] =	ssyncadd.s32 $0xFFFFFFFF  }
0xa5: {  	s26 =	simm.s32 $execute0_lowered;
	[smem:$0x3FD2] =	sst s25  }
0xa6: {  	s5 =	sshll.u32 s26, $0x1;
	_ =	strace $0x80000046;
	[dreg:$0x1] =	wrdreg $0xFFFFFFFF  }
0xa7: {  	s28 =	simm.s32 $_size_execute0_lowered;
	s3 =	sadd.s32 s3, s5;
	[dreg:$0x0] =	wrdreg $0x0  }
0xa8: {  	s5 =	sshll.u32 s28, $0x1;
	[dreg:$0x2] =	wrdreg s3  }
0xa9: {  	[dreg:$0x3] =	wrdreg s5  }
0xaa: {  	[dreg:$0x4] =	wrdreg $0xC0  }
0xab: {  	_ =	task [dreg:s7], $0x5FFFF  }
0xac: {  	[dreg:$0x1] =	wrdreg $0xFFFFFFFF  }
0xad: {  	[dreg:$0x0] =	wrdreg $0x60  }
0xae: {  	[dreg:$0x2] =	wrdreg s2  }
0xaf: {  	[dreg:$0x3] =	wrdreg s24  }
0xb0: {  	[dreg:$0x4] =	wrdreg $0x9  }
0xb1: {  	_ =	task.clear_ibuf [dreg:s7], $0x5FFFF;
	_ =	strace $0x90000046  }
0xb2: {  	s29 =	simm.s32 $0x9;
	_ =	strace $0x80000048  }
0xb3: {  	_ =	swait.ge [sflag:s29], $0x1  }
0xb4: {  	[sflag:s29] =	ssyncadd.s32 $0xFFFFFFFF  }
0xb5: {  	_ =	strace $0x90000048  }
0xb6: {  	_ =	sfence  }
0xb7: {  	s30 =	sld [smem:$0x0];
	_ =	sdelay $0x2  }
0xb8: {  	s31 =	sshll.u32 s1, $0xD;
	s1 =	sshrl.u32 s1, $0x2  }
0xb9: {  	s3 =	sand.u32 $0x4000, s31;
	s1 =	sadd.s32 s1, s30  }
0xba: {  	s0 =	sor.u32 s3, s0;
	s1 =	sshll.u32 s1, $0x11  }
0xbb: {  	s0 =	sor.u32 s1, s0  }
0xbc: {  	s0 =	sadd.s32 $0x8F2B, s0  }
0xbd: {  	[sflag:s0] =	ssyncadd.remote.s32 $0x1  }
0xbe: {  	_ =	sfence.sel $0xFFFF  }
0xbf: {  	[dreg:$0x0] =	wrdreg $0xFFFFFFFF;
	(pc) =	sbr.abs _section_cstart, $3  }
0xc0: {  	[dreg:$0x1] =	wrdreg $0xFFFFFFFF  }
0xc1: {  	_ =	task.clear_ibuf [dreg:s7], $0x2FFFF;
	_ =	strace $0x9FFFFFFF  }
0xc2: {  	(tm) =	ssettm $0x7FFFFFFF  }
0xc3: {  	_ =	shalt  }
tec
execute0_lowered:
.L_overlay_start_1:
0x0: {  	(tag) =	ssettag $0x1  }
0x1: {  	s3 =	rddreg [dreg:$0x0]  }
0x2: {  	s4 =	rddreg [dreg:$0x1]  }
0x3: {  	s0 =	rddreg [dreg:$0x2];
	s2 =	simm.s32 $0x0;
	s5 =	srdreg.scid  }
0x4: {  	s1 =	stileid.u32;
	s9 =	simm.s32 $0x9000;
	s10 =	simm.s32 $0x3  }
0x5: {  	s11 =	simm.s32 $0x0;
	[smem:$0x7FF] =	sst s2;
	s5 =	sand.u32 $0x1, s5  }
0x6: {  	s7 =	sshll.u32 s1, $0xA;
	s8 =	sshll.u32 s1, $0x10;
	s6 =	sshll.u32 s5, $0x9  }
0x7: {  	_ =	strace $0x80000047;
	s5 =	ssub.s32 $0x2, s5;
	s7 =	sor.u32 s6, s7  }
0x8: {  	s6 =	sor.u32 s6, s8;
	s30 =	sshrl.u32 s5, $0x1;
	s8 =	simm.s32 $0x8000  }
0x9: {  	s7 =	sshrl.u32 s7, $0x3;
	s6 =	sshrl.u32 s6, $0x3;
	s31 =	ssub.s32 s5, s30  }
0xa: {  	v0 =	vlaneseq.u32;
	s7 =	sadd.s32 s7, s4;
	s3 =	sadd.s32 s3, s6;
	s6 =	smax.u32 s31, $0x1  }
0xb: {  	v1 =	vimm.f32 $0.0e+00;
	v2 =	vimm.f32 $1.000000000e+00;
	v3 =	vmul.u32 $0x10, v0;
	s4 =	sadd.s32 $0x20, s3;
	s5 =	sadd.s32 $0x2200, s7;
	s7 =	simm.s32 $0x1  }
.LBB2_1:
0xc: {  	s12 =	simm.s32 $0x80  }
0xd: {  	s15 =	sadd.s32 $0x0, s3;
	s13 =	simm.s32 $0x200;
	s14 =	simm.s32 $0x0  }
.LBB2_2:
0xe: {  	[tilespmem:s14], [sflag:$0x1] =	stream.linear.gather [hbm4b:s15+s2], $0x100, $0x38;
	[tilespmem:$0x9200] =	vst v63  }
0xf: {  	s15 =	smov.u32 s12;
	s14 =	smov.u32 s13;
	p0 =	sne.s32 s12, $0x1F80  }
.Ltmp0:
0x10: {  	s12 =	sadd.s32 $0x80, s12;
	(pc) =	sbr.rel @p0 .LBB2_2-.Ltmp0, $2  }
0x11: {  	_ =	sdelay $0x2  }
0x12: {  	s13 =	sadd.s32 $0x200, s13;
	s15 =	sadd.s32 s15, s3  }
0x13: {  	[tilespmem:s14], [sflag:$0x1] =	stream.linear.gather [hbm4b:s15+s2], $0x100, $0x38;
	[tilespmem:$0x9200] =	vst v63  }
0x14: {  	s12 =	simm.s32 $0x100  }
0x15: {  	s13 =	simm.s32 $0x80;
	s15 =	sadd.s32 $0x0, s4;
	s14 =	simm.s32 $0x300  }
.LBB2_4:
0x16: {  	[tilespmem:s12], [sflag:$0x2] =	stream.linear.gather [hbm4b:s15+s2], $0x100, $0x38;
	[tilespmem:$0x9200] =	vst v63  }
0x17: {  	s15 =	smov.u32 s13;
	s12 =	smov.u32 s14;
	p0 =	sne.s32 s13, $0x1F80  }
.Ltmp1:
0x18: {  	s13 =	sadd.s32 $0x80, s13;
	(pc) =	sbr.rel @p0 .LBB2_4-.Ltmp1, $2  }
0x19: {  	_ =	sdelay $0x2  }
0x1a: {  	s14 =	sadd.s32 $0x200, s14;
	s15 =	sadd.s32 s15, s4  }
0x1b: {  	[tilespmem:s12], [sflag:$0x2] =	stream.linear.gather [hbm4b:s15+s2], $0x100, $0x38;
	[tilespmem:$0x9200] =	vst v63  }
0x1c: {  	[tilespmem:$0x8000] =	vst v1  }
0x1d: {  	[tilespmem:$0x8010] =	vst v1  }
0x1e: {  	[tilespmem:$0x8020] =	vst v1  }
0x1f: {  	[tilespmem:$0x8030] =	vst v1  }
0x20: {  	[tilespmem:$0x8040] =	vst v1  }
0x21: {  	[tilespmem:$0x8050] =	vst v1  }
0x22: {  	[tilespmem:$0x8060] =	vst v1  }
0x23: {  	[tilespmem:$0x8070] =	vst v1  }
0x24: {  	[tilespmem:$0x8080] =	vst v1  }
0x25: {  	[tilespmem:$0x8090] =	vst v1  }
0x26: {  	[tilespmem:$0x80A0] =	vst v1  }
0x27: {  	[tilespmem:$0x80B0] =	vst v1  }
0x28: {  	[tilespmem:$0x80C0] =	vst v1  }
0x29: {  	[tilespmem:$0x80D0] =	vst v1  }
0x2a: {  	[tilespmem:$0x80E0] =	vst v1  }
0x2b: {  	[tilespmem:$0x80F0] =	vst v1  }
0x2c: {  	[tilespmem:$0x8100] =	vst v1  }
0x2d: {  	[tilespmem:$0x8110] =	vst v1  }
0x2e: {  	[tilespmem:$0x8120] =	vst v1  }
0x2f: {  	[tilespmem:$0x8130] =	vst v1  }
0x30: {  	[tilespmem:$0x8140] =	vst v1  }
0x31: {  	[tilespmem:$0x8150] =	vst v1  }
0x32: {  	[tilespmem:$0x8160] =	vst v1  }
0x33: {  	[tilespmem:$0x8170] =	vst v1  }
0x34: {  	[tilespmem:$0x8180] =	vst v1  }
0x35: {  	[tilespmem:$0x8190] =	vst v1  }
0x36: {  	[tilespmem:$0x81A0] =	vst v1  }
0x37: {  	[tilespmem:$0x81B0] =	vst v1  }
0x38: {  	[tilespmem:$0x81C0] =	vst v1  }
0x39: {  	[tilespmem:$0x81D0] =	vst v1  }
0x3a: {  	[tilespmem:$0x81E0] =	vst v1  }
0x3b: {  	[tilespmem:$0x81F0] =	vst v1  }
0x3c: {  	[tilespmem:$0x8200] =	vst v1  }
0x3d: {  	[tilespmem:$0x8210] =	vst v1  }
0x3e: {  	[tilespmem:$0x8220] =	vst v1  }
0x3f: {  	[tilespmem:$0x8230] =	vst v1  }
0x40: {  	[tilespmem:$0x8240] =	vst v1  }
0x41: {  	[tilespmem:$0x8250] =	vst v1  }
0x42: {  	[tilespmem:$0x8260] =	vst v1  }
0x43: {  	[tilespmem:$0x8270] =	vst v1  }
0x44: {  	[tilespmem:$0x8280] =	vst v1  }
0x45: {  	[tilespmem:$0x8290] =	vst v1  }
0x46: {  	[tilespmem:$0x82A0] =	vst v1  }
0x47: {  	[tilespmem:$0x82B0] =	vst v1  }
0x48: {  	[tilespmem:$0x82C0] =	vst v1  }
0x49: {  	[tilespmem:$0x82D0] =	vst v1  }
0x4a: {  	[tilespmem:$0x82E0] =	vst v1  }
0x4b: {  	[tilespmem:$0x82F0] =	vst v1  }
0x4c: {  	[tilespmem:$0x8300] =	vst v1  }
0x4d: {  	[tilespmem:$0x8310] =	vst v1  }
0x4e: {  	[tilespmem:$0x8320] =	vst v1  }
0x4f: {  	[tilespmem:$0x8330] =	vst v1  }
0x50: {  	[tilespmem:$0x8340] =	vst v1  }
0x51: {  	[tilespmem:$0x8350] =	vst v1  }
0x52: {  	[tilespmem:$0x8360] =	vst v1  }
0x53: {  	[tilespmem:$0x8370] =	vst v1  }
0x54: {  	[tilespmem:$0x8380] =	vst v1  }
0x55: {  	[tilespmem:$0x8390] =	vst v1  }
0x56: {  	[tilespmem:$0x83A0] =	vst v1  }
0x57: {  	[tilespmem:$0x83B0] =	vst v1  }
0x58: {  	[tilespmem:$0x83C0] =	vst v1  }
0x59: {  	[tilespmem:$0x83D0] =	vst v1  }
0x5a: {  	[tilespmem:$0x83E0] =	vst v1  }
0x5b: {  	[tilespmem:$0x83F0] =	vst v1  }
0x5c: {  	[tilespmem:$0x8400] =	vst v1  }
0x5d: {  	[tilespmem:$0x8410] =	vst v1  }
0x5e: {  	[tilespmem:$0x8420] =	vst v1  }
0x5f: {  	[tilespmem:$0x8430] =	vst v1  }
0x60: {  	[tilespmem:$0x8440] =	vst v1  }
0x61: {  	[tilespmem:$0x8450] =	vst v1  }
0x62: {  	[tilespmem:$0x8460] =	vst v1  }
0x63: {  	[tilespmem:$0x8470] =	vst v1  }
0x64: {  	[tilespmem:$0x8480] =	vst v1  }
0x65: {  	[tilespmem:$0x8490] =	vst v1  }
0x66: {  	[tilespmem:$0x84A0] =	vst v1  }
0x67: {  	[tilespmem:$0x84B0] =	vst v1  }
0x68: {  	[tilespmem:$0x84C0] =	vst v1  }
0x69: {  	[tilespmem:$0x84D0] =	vst v1  }
0x6a: {  	[tilespmem:$0x84E0] =	vst v1  }
0x6b: {  	[tilespmem:$0x84F0] =	vst v1  }
0x6c: {  	[tilespmem:$0x8500] =	vst v1  }
0x6d: {  	[tilespmem:$0x8510] =	vst v1  }
0x6e: {  	[tilespmem:$0x8520] =	vst v1  }
0x6f: {  	[tilespmem:$0x8530] =	vst v1  }
0x70: {  	[tilespmem:$0x8540] =	vst v1  }
0x71: {  	[tilespmem:$0x8550] =	vst v1  }
0x72: {  	[tilespmem:$0x8560] =	vst v1  }
0x73: {  	[tilespmem:$0x8570] =	vst v1  }
0x74: {  	[tilespmem:$0x8580] =	vst v1  }
0x75: {  	[tilespmem:$0x8590] =	vst v1  }
0x76: {  	[tilespmem:$0x85A0] =	vst v1  }
0x77: {  	[tilespmem:$0x85B0] =	vst v1  }
0x78: {  	[tilespmem:$0x85C0] =	vst v1  }
0x79: {  	[tilespmem:$0x85D0] =	vst v1  }
0x7a: {  	[tilespmem:$0x85E0] =	vst v1  }
0x7b: {  	[tilespmem:$0x85F0] =	vst v1  }
0x7c: {  	[tilespmem:$0x8600] =	vst v1  }
0x7d: {  	[tilespmem:$0x8610] =	vst v1  }
0x7e: {  	[tilespmem:$0x8620] =	vst v1  }
0x7f: {  	[tilespmem:$0x8630] =	vst v1  }
0x80: {  	[tilespmem:$0x8640] =	vst v1  }
0x81: {  	[tilespmem:$0x8650] =	vst v1  }
0x82: {  	[tilespmem:$0x8660] =	vst v1  }
0x83: {  	[tilespmem:$0x8670] =	vst v1  }
0x84: {  	[tilespmem:$0x8680] =	vst v1  }
0x85: {  	[tilespmem:$0x8690] =	vst v1  }
0x86: {  	[tilespmem:$0x86A0] =	vst v1  }
0x87: {  	[tilespmem:$0x86B0] =	vst v1  }
0x88: {  	[tilespmem:$0x86C0] =	vst v1  }
0x89: {  	[tilespmem:$0x86D0] =	vst v1  }
0x8a: {  	[tilespmem:$0x86E0] =	vst v1  }
0x8b: {  	[tilespmem:$0x86F0] =	vst v1  }
0x8c: {  	[tilespmem:$0x8700] =	vst v1  }
0x8d: {  	[tilespmem:$0x8710] =	vst v1  }
0x8e: {  	[tilespmem:$0x8720] =	vst v1  }
0x8f: {  	[tilespmem:$0x8730] =	vst v1  }
0x90: {  	[tilespmem:$0x8740] =	vst v1  }
0x91: {  	[tilespmem:$0x8750] =	vst v1  }
0x92: {  	[tilespmem:$0x8760] =	vst v1  }
0x93: {  	[tilespmem:$0x8770] =	vst v1  }
0x94: {  	[tilespmem:$0x8780] =	vst v1  }
0x95: {  	[tilespmem:$0x8790] =	vst v1  }
0x96: {  	[tilespmem:$0x87A0] =	vst v1  }
0x97: {  	[tilespmem:$0x87B0] =	vst v1  }
0x98: {  	[tilespmem:$0x87C0] =	vst v1  }
0x99: {  	[tilespmem:$0x87D0] =	vst v1  }
0x9a: {  	[tilespmem:$0x87E0] =	vst v1  }
0x9b: {  	[tilespmem:$0x87F0] =	vst v1  }
0x9c: {  	[tilespmem:$0x8800] =	vst v1  }
0x9d: {  	[tilespmem:$0x8810] =	vst v1  }
0x9e: {  	[tilespmem:$0x8820] =	vst v1  }
0x9f: {  	[tilespmem:$0x8830] =	vst v1  }
0xa0: {  	[tilespmem:$0x8840] =	vst v1  }
0xa1: {  	[tilespmem:$0x8850] =	vst v1  }
0xa2: {  	[tilespmem:$0x8860] =	vst v1  }
0xa3: {  	[tilespmem:$0x8870] =	vst v1  }
0xa4: {  	[tilespmem:$0x8880] =	vst v1  }
0xa5: {  	[tilespmem:$0x8890] =	vst v1  }
0xa6: {  	[tilespmem:$0x88A0] =	vst v1  }
0xa7: {  	[tilespmem:$0x88B0] =	vst v1  }
0xa8: {  	[tilespmem:$0x88C0] =	vst v1  }
0xa9: {  	[tilespmem:$0x88D0] =	vst v1  }
0xaa: {  	[tilespmem:$0x88E0] =	vst v1  }
0xab: {  	[tilespmem:$0x88F0] =	vst v1  }
0xac: {  	[tilespmem:$0x8900] =	vst v1  }
0xad: {  	[tilespmem:$0x8910] =	vst v1  }
0xae: {  	[tilespmem:$0x8920] =	vst v1  }
0xaf: {  	[tilespmem:$0x8930] =	vst v1  }
0xb0: {  	[tilespmem:$0x8940] =	vst v1  }
0xb1: {  	[tilespmem:$0x8950] =	vst v1  }
0xb2: {  	[tilespmem:$0x8960] =	vst v1  }
0xb3: {  	[tilespmem:$0x8970] =	vst v1  }
0xb4: {  	[tilespmem:$0x8980] =	vst v1  }
0xb5: {  	[tilespmem:$0x8990] =	vst v1  }
0xb6: {  	[tilespmem:$0x89A0] =	vst v1  }
0xb7: {  	[tilespmem:$0x89B0] =	vst v1  }
0xb8: {  	[tilespmem:$0x89C0] =	vst v1  }
0xb9: {  	[tilespmem:$0x89D0] =	vst v1  }
0xba: {  	[tilespmem:$0x89E0] =	vst v1  }
0xbb: {  	[tilespmem:$0x89F0] =	vst v1  }
0xbc: {  	[tilespmem:$0x8A00] =	vst v1  }
0xbd: {  	[tilespmem:$0x8A10] =	vst v1  }
0xbe: {  	[tilespmem:$0x8A20] =	vst v1  }
0xbf: {  	[tilespmem:$0x8A30] =	vst v1  }
0xc0: {  	[tilespmem:$0x8A40] =	vst v1  }
0xc1: {  	[tilespmem:$0x8A50] =	vst v1  }
0xc2: {  	[tilespmem:$0x8A60] =	vst v1  }
0xc3: {  	[tilespmem:$0x8A70] =	vst v1  }
0xc4: {  	[tilespmem:$0x8A80] =	vst v1  }
0xc5: {  	[tilespmem:$0x8A90] =	vst v1  }
0xc6: {  	[tilespmem:$0x8AA0] =	vst v1  }
0xc7: {  	[tilespmem:$0x8AB0] =	vst v1  }
0xc8: {  	[tilespmem:$0x8AC0] =	vst v1  }
0xc9: {  	[tilespmem:$0x8AD0] =	vst v1  }
0xca: {  	[tilespmem:$0x8AE0] =	vst v1  }
0xcb: {  	[tilespmem:$0x8AF0] =	vst v1  }
0xcc: {  	[tilespmem:$0x8B00] =	vst v1  }
0xcd: {  	[tilespmem:$0x8B10] =	vst v1  }
0xce: {  	[tilespmem:$0x8B20] =	vst v1  }
0xcf: {  	[tilespmem:$0x8B30] =	vst v1  }
0xd0: {  	[tilespmem:$0x8B40] =	vst v1  }
0xd1: {  	[tilespmem:$0x8B50] =	vst v1  }
0xd2: {  	[tilespmem:$0x8B60] =	vst v1  }
0xd3: {  	[tilespmem:$0x8B70] =	vst v1  }
0xd4: {  	[tilespmem:$0x8B80] =	vst v1  }
0xd5: {  	[tilespmem:$0x8B90] =	vst v1  }
0xd6: {  	[tilespmem:$0x8BA0] =	vst v1  }
0xd7: {  	[tilespmem:$0x8BB0] =	vst v1  }
0xd8: {  	[tilespmem:$0x8BC0] =	vst v1  }
0xd9: {  	[tilespmem:$0x8BD0] =	vst v1  }
0xda: {  	[tilespmem:$0x8BE0] =	vst v1  }
0xdb: {  	[tilespmem:$0x8BF0] =	vst v1  }
0xdc: {  	[tilespmem:$0x8C00] =	vst v1  }
0xdd: {  	[tilespmem:$0x8C10] =	vst v1  }
0xde: {  	[tilespmem:$0x8C20] =	vst v1  }
0xdf: {  	[tilespmem:$0x8C30] =	vst v1  }
0xe0: {  	[tilespmem:$0x8C40] =	vst v1  }
0xe1: {  	[tilespmem:$0x8C50] =	vst v1  }
0xe2: {  	[tilespmem:$0x8C60] =	vst v1  }
0xe3: {  	[tilespmem:$0x8C70] =	vst v1  }
0xe4: {  	[tilespmem:$0x8C80] =	vst v1  }
0xe5: {  	[tilespmem:$0x8C90] =	vst v1  }
0xe6: {  	[tilespmem:$0x8CA0] =	vst v1  }
0xe7: {  	[tilespmem:$0x8CB0] =	vst v1  }
0xe8: {  	[tilespmem:$0x8CC0] =	vst v1  }
0xe9: {  	[tilespmem:$0x8CD0] =	vst v1  }
0xea: {  	[tilespmem:$0x8CE0] =	vst v1  }
0xeb: {  	[tilespmem:$0x8CF0] =	vst v1  }
0xec: {  	[tilespmem:$0x8D00] =	vst v1  }
0xed: {  	[tilespmem:$0x8D10] =	vst v1  }
0xee: {  	[tilespmem:$0x8D20] =	vst v1  }
0xef: {  	[tilespmem:$0x8D30] =	vst v1  }
0xf0: {  	[tilespmem:$0x8D40] =	vst v1  }
0xf1: {  	[tilespmem:$0x8D50] =	vst v1  }
0xf2: {  	[tilespmem:$0x8D60] =	vst v1  }
0xf3: {  	[tilespmem:$0x8D70] =	vst v1  }
0xf4: {  	[tilespmem:$0x8D80] =	vst v1  }
0xf5: {  	[tilespmem:$0x8D90] =	vst v1  }
0xf6: {  	[tilespmem:$0x8DA0] =	vst v1  }
0xf7: {  	[tilespmem:$0x8DB0] =	vst v1  }
0xf8: {  	[tilespmem:$0x8DC0] =	vst v1  }
0xf9: {  	[tilespmem:$0x8DD0] =	vst v1  }
0xfa: {  	[tilespmem:$0x8DE0] =	vst v1  }
0xfb: {  	[tilespmem:$0x8DF0] =	vst v1  }
0xfc: {  	[tilespmem:$0x8E00] =	vst v1  }
0xfd: {  	[tilespmem:$0x8E10] =	vst v1  }
0xfe: {  	[tilespmem:$0x8E20] =	vst v1  }
0xff: {  	[tilespmem:$0x8E30] =	vst v1  }
0x100: {  	[tilespmem:$0x8E40] =	vst v1  }
0x101: {  	[tilespmem:$0x8E50] =	vst v1  }
0x102: {  	[tilespmem:$0x8E60] =	vst v1  }
0x103: {  	[tilespmem:$0x8E70] =	vst v1  }
0x104: {  	[tilespmem:$0x8E80] =	vst v1  }
0x105: {  	[tilespmem:$0x8E90] =	vst v1  }
0x106: {  	[tilespmem:$0x8EA0] =	vst v1  }
0x107: {  	[tilespmem:$0x8EB0] =	vst v1  }
0x108: {  	[tilespmem:$0x8EC0] =	vst v1  }
0x109: {  	[tilespmem:$0x8ED0] =	vst v1  }
0x10a: {  	[tilespmem:$0x8EE0] =	vst v1  }
0x10b: {  	[tilespmem:$0x8EF0] =	vst v1  }
0x10c: {  	[tilespmem:$0x8F00] =	vst v1  }
0x10d: {  	[tilespmem:$0x8F10] =	vst v1  }
0x10e: {  	[tilespmem:$0x8F20] =	vst v1  }
0x10f: {  	[tilespmem:$0x8F30] =	vst v1  }
0x110: {  	[tilespmem:$0x8F40] =	vst v1  }
0x111: {  	[tilespmem:$0x8F50] =	vst v1  }
0x112: {  	[tilespmem:$0x8F60] =	vst v1  }
0x113: {  	[tilespmem:$0x8F70] =	vst v1  }
0x114: {  	[tilespmem:$0x8F80] =	vst v1  }
0x115: {  	[tilespmem:$0x8F90] =	vst v1  }
0x116: {  	[tilespmem:$0x8FA0] =	vst v1  }
0x117: {  	[tilespmem:$0x8FB0] =	vst v1  }
0x118: {  	[tilespmem:$0x8FC0] =	vst v1  }
0x119: {  	[tilespmem:$0x8FD0] =	vst v1  }
0x11a: {  	[tilespmem:$0x8FE0] =	vst v1  }
0x11b: {  	[tilespmem:$0x8FF0] =	vst v1  }
0x11c: {  	_ =	swait.ge [sflag:s7], $0x4000  }
0x11d: {  	[sflag:s7] =	ssyncset.done $0x0  }
0x11e: {  	s13 =	simm.s32 $0x0;
	p1 =	por $0x1, $0x1;
	[sflag:s7] =	ssyncadd.s32 $0xFFFFC000  }
.LBB2_6:
0x11f: {  	s12 =	sshll.u32 s13, $0x7  }
0x120: {  	v16 =	vld [tilespmem:s12+$0x0]  }
0x121: {  	v17 =	vld [tilespmem:s12+$0x10]  }
0x122: {  	v20 =	vld [tilespmem:s12+$0x20]  }
0x123: {  	v21 =	vld [tilespmem:s12+$0x30]  }
0x124: {  	v22 =	vld [tilespmem:s12+$0x40]  }
0x125: {  	v23 =	vld [tilespmem:s12+$0x50]  }
0x126: {  	v24 =	vld [tilespmem:s12+$0x60]  }
0x127: {  	v25 =	vld [tilespmem:s12+$0x70]  }
0x128: {  	v26 =	vld [tilespmem:s12+$0x200]  }
0x129: {  	v27 =	vld [tilespmem:s12+$0x210];
	s14 =	sand.u32 $0x3FFFFF80, s12  }
0x12a: {  	v28 =	vld [tilespmem:s12+$0x220];
	s14 =	sadd.s32 $0x670, s14  }
0x12b: {  	v29 =	vld [tilespmem:s12+$0x230];
	v10 =	vmov s14  }
0x12c: {  	v30 =	vld [tilespmem:s12+$0x240]  }
0x12d: {  	v31 =	vld [tilespmem:s12+$0x250]  }
0x12e: {  	v32 =	vld [tilespmem:s12+$0x260]  }
0x12f: {  	s31 =	simm.s32 $0x0;
	v33 =	vld [tilespmem:s12+$0x270]  }
0x130: {  	v5 =	vld.idx.msk [tilespmem:v10+s31+$0xFFFFFFE0 ss:$0x1], $0xffff  }
0x131: {  	v6 =	vld.idx.msk [tilespmem:v10+s31+$0x0 ss:$0x1], $0xffff  }
0x132: {  	v7 =	vld.idx.msk [tilespmem:v10+s31+$0xFFFFFFF0 ss:$0x1], $0xffff  }
0x133: {  	v8 =	vld.idx.msk [tilespmem:v10+s31+$0xFFFFFFD0 ss:$0x1], $0xffff  }
0x134: {  	v9 =	vld.idx.msk [tilespmem:v10+s31+$0xFFFFFFC0 ss:$0x1], $0xffff  }
0x135: {  	v11 =	vld.idx.msk [tilespmem:v10+s31+$0xFFFFFFB0 ss:$0x1], $0xffff  }
0x136: {  	v12 =	vld.idx.msk [tilespmem:v10+s31+$0xFFFFFFA0 ss:$0x1], $0xffff  }
0x137: {  	v13 =	vld.idx.msk [tilespmem:v10+s31+$0xFFFFFF90 ss:$0x1], $0xffff  }
0x138: {  	v14 =	vld.idx.msk [tilespmem:v10+s31+$0xFFFFFE00 ss:$0x1], $0xffff  }
0x139: {  	s13 =	sshll.u32 s13, $0xA;
	v15 =	vld.idx.msk [tilespmem:v10+s31+$0xFFFFFDF0 ss:$0x1], $0xffff  }
0x13a: {  	v4 =	vor.u32 s13, v0;
	v16 =	vshll.u32 v16, $0x4;
	v18 =	vld.idx.msk [tilespmem:v10+s31+$0xFFFFFDE0 ss:$0x1], $0xffff  }
0x13b: {  	v34 =	vadd.s32 v4, v16;
	v16 =	vshll.u32 v17, $0x4;
	v19 =	vld.idx.msk [tilespmem:v10+s31+$0xFFFFFDD0 ss:$0x1], $0xffff  }
0x13c: {  	v17 =	vadd.s32 v4, v16;
	v16 =	vshll.u32 v20, $0x4;
	v20 =	vld.idx.msk [tilespmem:v10+s31+$0xFFFFFDB0 ss:$0x1], $0xffff  }
0x13d: {  	v36 =	vshll.u32 v21, $0x4;
	v22 =	vshll.u32 v22, $0x4;
	v21 =	vld.idx.msk [tilespmem:v10+s31+$0xFFFFFDA0 ss:$0x1], $0xffff;
	v35 =	vadd.s32 v4, v16  }
0x13e: {  	v36 =	vadd.s32 v4, v36;
	v37 =	vadd.s32 v4, v22;
	v22 =	vld.idx.msk [tilespmem:v10+s31+$0xFFFFFD90 ss:$0x1], $0xffff  }
0x13f: {  	v23 =	vshll.u32 v23, $0x4;
	v16 =	vld.idx.msk [tilespmem:v10+s31+$0xFFFFFDC0 ss:$0x1], $0xffff  }
0x140: {  	v24 =	vshll.u32 v24, $0x4;
	v23 =	vadd.s32 v4, v23;
	[tilespmem:v34+s8+$0x0] =	vst.idx.add.f32.msk $0xffff, v2  }
0x141: {  	v53 =	vshll.u32 v25, $0x4;
	[tilespmem:v17+s8+$0x0] =	vst.idx.add.f32.msk $0xffff, v2;
	v17 =	vadd.s32 v4, v24  }
0x142: {  	v54 =	vshll.u32 v26, $0x4;
	v24 =	vadd.s32 v4, v53;
	[tilespmem:v35+s8+$0x0] =	vst.idx.add.f32.msk $0xffff, v2  }
0x143: {  	v55 =	vshll.u32 v27, $0x4;
	v25 =	vadd.s32 v4, v54;
	[tilespmem:v36+s8+$0x0] =	vst.idx.add.f32.msk $0xffff, v2  }
0x144: {  	v56 =	vshll.u32 v28, $0x4;
	v26 =	vadd.s32 v4, v55;
	[tilespmem:v37+s8+$0x0] =	vst.idx.add.f32.msk $0xffff, v2  }
0x145: {  	[tilespmem:v23+s8+$0x0] =	vst.idx.add.f32.msk $0xffff, v2;
	v23 =	vadd.s32 v4, v56  }
0x146: {  	v57 =	vshll.u32 v29, $0x4;
	[tilespmem:v17+s8+$0x0] =	vst.idx.add.f32.msk $0xffff, v2  }
0x147: {  	v58 =	vshll.u32 v30, $0x4;
	v17 =	vadd.s32 v4, v57;
	[tilespmem:v24+s8+$0x0] =	vst.idx.add.f32.msk $0xffff, v2  }
0x148: {  	v60 =	vshll.u32 v31, $0x4;
	v59 =	vadd.s32 v4, v58;
	[tilespmem:v25+s8+$0x0] =	vst.idx.add.f32.msk $0xffff, v2  }
0x149: {  	v62 =	vshll.u32 v32, $0x4;
	v61 =	vadd.s32 v4, v60;
	[tilespmem:v26+s8+$0x0] =	vst.idx.add.f32.msk $0xffff, v2  }
0x14a: {  	v63 =	vadd.s32 v4, v62;
	[tilespmem:v23+s8+$0x0] =	vst.idx.add.f32.msk $0xffff, v2;
	v23 =	vshll.u32 v33, $0x4  }
0x14b: {  	v23 =	vadd.s32 v4, v23  }
0x14c: {  	[tilespmem:v17+s8+$0x0] =	vst.idx.add.f32.msk $0xffff, v2  }
0x14d: {  	[tilespmem:v59+s8+$0x0] =	vst.idx.add.f32.msk $0xffff, v2  }
0x14e: {  	[tilespmem:v61+s8+$0x0] =	vst.idx.add.f32.msk $0xffff, v2  }
0x14f: {  	p0 =	por p1, p1;
	s14 =	simm.s32 $0x1000;
	v17 =	vmov s13;
	[tilespmem:v63+s8+$0x0] =	vst.idx.add.f32.msk $0xffff, v2  }
.LBB2_7:
0x150: {  	s15 =	sshra.s32 s14, $0x2;
	v22 =	vshll.u32 v22, $0x4;
	p1 =	sne.s32 s14, $0x1E000;
	s14 =	sadd.s32 $0x1000, s14;
	[tilespmem:v23+s8+$0x0] =	vst.idx.add.f32.msk $0xffff, v2;
	v23 =	vmovc v5;
	v24 =	vmovc v6;
	v25 =	vmov v7;
	v26 =	vmov v8  }
0x151: {  	v7 =	vshll.u32 v21, $0x4;
	v28 =	vmovc v9;
	v29 =	vmovc v11;
	v30 =	vmov v12;
	v5 =	vld.idx.msk [tilespmem:v10+s15+$0xFFFFFFE0 ss:$0x1], $0xffff;
	v27 =	vadd.s32 v4, v22  }
0x152: {  	v8 =	vshll.u32 v20, $0x4;
	v32 =	vmovc v13;
	v33 =	vmovc v14;
	v34 =	vmov v15;
	v31 =	vadd.s32 v4, v7;
	v6 =	vld.idx.msk [tilespmem:v10+s15+$0x0 ss:$0x1], $0xffff  }
0x153: {  	v36 =	vmov v18;
	v35 =	vadd.s32 v4, v8;
	v7 =	vld.idx.msk [tilespmem:v10+s15+$0xFFFFFFF0 ss:$0x1], $0xffff  }
0x154: {  	v11 =	vshll.u32 v19, $0x4;
	v8 =	vld.idx.msk [tilespmem:v10+s15+$0xFFFFFFD0 ss:$0x1], $0xffff  }
0x155: {  	v37 =	vadd.s32 v4, v11;
	v9 =	vld.idx.msk [tilespmem:v10+s15+$0xFFFFFFC0 ss:$0x1], $0xffff  }
0x156: {  	v11 =	vld.idx.msk [tilespmem:v10+s15+$0xFFFFFFB0 ss:$0x1], $0xffff  }
0x157: {  	v12 =	vld.idx.msk [tilespmem:v10+s15+$0xFFFFFFA0 ss:$0x1], $0xffff  }
0x158: {  	v13 =	vld.idx.msk [tilespmem:v10+s15+$0xFFFFFF90 ss:$0x1], $0xffff  }
0x159: {  	v14 =	vld.idx.msk [tilespmem:v10+s15+$0xFFFFFE00 ss:$0x1], $0xffff  }
0x15a: {  	v15 =	vld.idx.msk [tilespmem:v10+s15+$0xFFFFFDF0 ss:$0x1], $0xffff  }
0x15b: {  	v18 =	vld.idx.msk [tilespmem:v10+s15+$0xFFFFFDE0 ss:$0x1], $0xffff  }
0x15c: {  	v19 =	vld.idx.msk [tilespmem:v10+s15+$0xFFFFFDD0 ss:$0x1], $0xffff  }
0x15d: {  	v20 =	vld.idx.msk [tilespmem:v10+s15+$0xFFFFFDB0 ss:$0x1], $0xffff  }
0x15e: {  	v22 =	vshll.u32 v16, $0x4;
	v16 =	vld.idx.msk [tilespmem:v10+s15+$0xFFFFFDC0 ss:$0x1], $0xffff  }
0x15f: {  	v38 =	vadd.s32 v4, v22;
	v21 =	vld.idx.msk [tilespmem:v10+s15+$0xFFFFFDA0 ss:$0x1], $0xffff  }
0x160: {  	v36 =	vshll.u32 v36, $0x4;
	v22 =	vld.idx.msk [tilespmem:v10+s15+$0xFFFFFD90 ss:$0x1], $0xffff  }
0x161: {  	v34 =	vshll.u32 v34, $0x4;
	[tilespmem:v27+s8+$0x0] =	vst.idx.add.f32.msk $0xffff, v2;
	v27 =	vadd.s32 v4, v36  }
0x162: {  	v33 =	vshll.u32 v33, $0x4;
	[tilespmem:v31+s8+$0x0] =	vst.idx.add.f32.msk $0xffff, v2;
	v31 =	vadd.s32 v4, v34  }
0x163: {  	v32 =	vshll.u32 v32, $0x4;
	v33 =	vadd.s32 v4, v33;
	[tilespmem:v35+s8+$0x0] =	vst.idx.add.f32.msk $0xffff, v2  }
0x164: {  	v30 =	vshll.u32 v30, $0x4;
	v32 =	vadd.s32 v4, v32;
	[tilespmem:v38+s8+$0x0] =	vst.idx.add.f32.msk $0xffff, v2  }
0x165: {  	v29 =	vshll.u32 v29, $0x4;
	v30 =	vadd.s32 v4, v30;
	[tilespmem:v37+s8+$0x0] =	vst.idx.add.f32.msk $0xffff, v2  }
0x166: {  	v28 =	vshll.u32 v28, $0x4;
	[tilespmem:v27+s8+$0x0] =	vst.idx.add.f32.msk $0xffff, v2;
	v27 =	vadd.s32 v4, v29  }
0x167: {  	v26 =	vshll.u32 v26, $0x4;
	v28 =	vadd.s32 v4, v28;
	[tilespmem:v31+s8+$0x0] =	vst.idx.add.f32.msk $0xffff, v2  }
0x168: {  	v23 =	vshll.u32 v23, $0x4;
	v26 =	vadd.s32 v4, v26;
	[tilespmem:v33+s8+$0x0] =	vst.idx.add.f32.msk $0xffff, v2  }
0x169: {  	v29 =	vadd.s32 v4, v23;
	v23 =	vshll.u32 v25, $0x4;
	[tilespmem:v32+s8+$0x0] =	vst.idx.add.f32.msk $0xffff, v2  }
0x16a: {  	v25 =	vadd.s32 v4, v23;
	v23 =	vshll.u32 v24, $0x4;
	[tilespmem:v30+s8+$0x0] =	vst.idx.add.f32.msk $0xffff, v2  }
.Ltmp2:
0x16b: {  	v23 =	vadd.s32 v4, v23;
	[tilespmem:v27+s8+$0x0] =	vst.idx.add.f32.msk $0xffff, v2;
	(pc) =	sbr.rel @p1 .LBB2_7-.Ltmp2, $4  }
0x16c: {  	[tilespmem:v28+s8+$0x0] =	vst.idx.add.f32.msk $0xffff, v2  }
0x16d: {  	[tilespmem:v26+s8+$0x0] =	vst.idx.add.f32.msk $0xffff, v2  }
0x16e: {  	[tilespmem:v29+s8+$0x0] =	vst.idx.add.f32.msk $0xffff, v2  }
0x16f: {  	[tilespmem:v25+s8+$0x0] =	vst.idx.add.f32.msk $0xffff, v2  }
0x170: {  	v10 =	vshll.u32 v22, $0x4  }
0x171: {  	v21 =	vshll.u32 v21, $0x4;
	v10 =	vadd.s32 v4, v10  }
0x172: {  	v20 =	vshll.u32 v20, $0x4;
	v21 =	vadd.s32 v4, v21  }
0x173: {  	v16 =	vshll.u32 v16, $0x4;
	v20 =	vadd.s32 v4, v20  }
0x174: {  	v19 =	vshll.u32 v19, $0x4;
	v16 =	vadd.s32 v4, v16  }
0x175: {  	[tilespmem:v23+s8+$0x0] =	vst.idx.add.f32.msk $0xffff, v2;
	v18 =	vshll.u32 v18, $0x4;
	v19 =	vadd.s32 v4, v19  }
0x176: {  	v15 =	vshll.u32 v15, $0x4;
	[tilespmem:v10+s8+$0x0] =	vst.idx.add.f32.msk $0xffff, v2;
	v10 =	vadd.s32 v4, v18  }
0x177: {  	v14 =	vshll.u32 v14, $0x4;
	v15 =	vadd.s32 v4, v15;
	[tilespmem:v21+s8+$0x0] =	vst.idx.add.f32.msk $0xffff, v2  }
0x178: {  	v13 =	vshll.u32 v13, $0x4;
	v14 =	vadd.s32 v4, v14;
	[tilespmem:v20+s8+$0x0] =	vst.idx.add.f32.msk $0xffff, v2  }
0x179: {  	v12 =	vshll.u32 v12, $0x4;
	v13 =	vadd.s32 v4, v13;
	[tilespmem:v16+s8+$0x0] =	vst.idx.add.f32.msk $0xffff, v2  }
0x17a: {  	v11 =	vshll.u32 v11, $0x4;
	v12 =	vadd.s32 v4, v12;
	[tilespmem:v19+s8+$0x0] =	vst.idx.add.f32.msk $0xffff, v2  }
0x17b: {  	v9 =	vshll.u32 v9, $0x4;
	[tilespmem:v10+s8+$0x0] =	vst.idx.add.f32.msk $0xffff, v2;
	v10 =	vadd.s32 v4, v11  }
0x17c: {  	v8 =	vshll.u32 v8, $0x4;
	v9 =	vadd.s32 v4, v9;
	[tilespmem:v15+s8+$0x0] =	vst.idx.add.f32.msk $0xffff, v2  }
0x17d: {  	v5 =	vshll.u32 v5, $0x4;
	v8 =	vadd.s32 v4, v8;
	[tilespmem:v14+s8+$0x0] =	vst.idx.add.f32.msk $0xffff, v2  }
0x17e: {  	v11 =	vadd.s32 v4, v5;
	v5 =	vshll.u32 v7, $0x4;
	[tilespmem:v13+s8+$0x0] =	vst.idx.add.f32.msk $0xffff, v2  }
0x17f: {  	[tilespmem:v12+s8+$0x0] =	vst.idx.add.f32.msk $0xffff, v2;
	v12 =	vadd.s32 v4, v5;
	v5 =	vshll.u32 v6, $0x4  }
0x180: {  	s14 =	sor.u32 $0x100, s13;
	s15 =	simm.s32 $0x0;
	[tilespmem:v10+s8+$0x0] =	vst.idx.add.f32.msk $0xffff, v2;
	v10 =	vadd.s32 v4, v5;
	v4 =	vor.u32 v3, v17  }
0x181: {  	s28 =	sor.u32 $0x200, s13;
	v5 =	vor.u32 s14, v3;
	[tilespmem:v9+s8+$0x0] =	vst.idx.add.f32.msk $0xffff, v2;
	v9 =	vor.u32 s15, v4  }
0x182: {  	v6 =	vor.u32 s28, v3;
	[tilespmem:v8+s8+$0x0] =	vst.idx.add.f32.msk $0xffff, v2;
	v8 =	vor.u32 s15, v5  }
0x183: {  	s29 =	sor.u32 $0x300, s13;
	s30 =	simm.s32 $0x1;
	[tilespmem:v11+s8+$0x0] =	vst.idx.add.f32.msk $0xffff, v2;
	v11 =	vor.u32 s15, v6  }
0x184: {  	v7 =	vor.u32 s29, v3;
	v18 =	vor.u32 s30, v6;
	[tilespmem:v12+s8+$0x0] =	vst.idx.add.f32.msk $0xffff, v2  }
0x185: {  	v12 =	vor.u32 s15, v7;
	[tilespmem:v10+s8+$0x0] =	vst.idx.add.f32.msk $0xffff, v2  }
0x186: {  	v20 =	vor.u32 s30, v7;
	v15 =	vld.idx.msk [tilespmem:v9+s8+$0x0], $0xffff  }
0x187: {  	v10 =	vor.u32 s30, v4;
	v16 =	vld.idx.msk [tilespmem:v8+s8+$0x0], $0xffff  }
0x188: {  	s31 =	simm.s32 $0x2;
	v13 =	vor.u32 s30, v5;
	v17 =	vld.idx.msk [tilespmem:v11+s8+$0x0], $0xffff  }
0x189: {  	v21 =	vor.u32 s31, v4;
	v11 =	vld.idx.msk [tilespmem:v18+s8+$0x0], $0xffff  }
0x18a: {  	v22 =	vor.u32 s31, v5;
	v8 =	vld.idx.msk [tilespmem:v12+s8+$0x0], $0xffff  }
0x18b: {  	v23 =	vor.u32 s31, v6;
	v12 =	vld.idx.msk [tilespmem:v20+s8+$0x0], $0xffff  }
0x18c: {  	s14 =	simm.s32 $0x3;
	v18 =	vor.u32 s31, v7;
	v9 =	vld.idx.msk [tilespmem:v10+s8+$0x0], $0xffff  }
0x18d: {  	v24 =	vimm.f32 $0.0e+00;
	v25 =	vimm.f32 $0.0e+00;
	v19 =	vor.u32 s14, v4;
	v10 =	vld.idx.msk [tilespmem:v13+s8+$0x0], $0xffff  }
0x18e: {  	s13 =	simm.s32 $0x4;
	v14 =	vimm.f32 $0.0e+00;
	v20 =	vor.u32 s14, v5;
	v13 =	vld.idx.msk [tilespmem:v21+s8+$0x0], $0xffff;
	v21 =	vimm.f32 $0.0e+00  }
.LBB2_9:
0x18f: {  	p1 =	slt.u32 s13, $0xE;
	v26 =	vld.idx.msk [tilespmem:v22+s8+$0x0], $0xffff;
	v27 =	vor.u32 s14, v6  }
0x190: {  	v29 =	vor.u32 s14, v7;
	v14 =	vadd.f32 v15, v14;
	v15 =	vadd.f32 v16, v24;
	v28 =	vld.idx.msk [tilespmem:v23+s8+$0x0], $0xffff  }
0x191: {  	v30 =	vor.u32 s13, v4;
	v16 =	vadd.f32 v17, v25;
	v17 =	vadd.f32 v8, v21;
	v8 =	vld.idx.msk [tilespmem:v18+s8+$0x0], $0xffff  }
.Ltmp3:
0x192: {  	v22 =	vor.u32 s13, v5;
	v14 =	vadd.f32 v9, v14;
	v24 =	vadd.f32 v10, v15;
	v9 =	vld.idx.msk [tilespmem:v19+s8+$0x0], $0xffff;
	(pc) =	sbr.rel @p1 .LBB2_9-.Ltmp3, $4  }
0x193: {  	v23 =	vor.u32 s13, v6;
	v25 =	vadd.f32 v11, v16;
	v21 =	vadd.f32 v12, v17;
	v10 =	vld.idx.msk [tilespmem:v20+s8+$0x0], $0xffff  }
0x194: {  	s14 =	sadd.s32 $0x1, s13;
	v18 =	vor.u32 s13, v7;
	v15 =	vmov v13;
	v11 =	vld.idx.msk [tilespmem:v27+s8+$0x0], $0xffff  }
0x195: {  	v19 =	vor.u32 s14, v4;
	v16 =	vmov v26;
	v12 =	vld.idx.msk [tilespmem:v29+s8+$0x0], $0xffff  }
0x196: {  	s13 =	sadd.s32 $0x2, s13;
	v20 =	vor.u32 s14, v5;
	v17 =	vmov v28;
	v13 =	vld.idx.msk [tilespmem:v30+s8+$0x0], $0xffff  }
0x197: {  	_ =	sdelay $0x3  }
0x198: {  	v4 =	vld.idx.msk [tilespmem:v22+s8+$0x0], $0xffff;
	v5 =	vor.u32 s14, v6  }
0x199: {  	v59 =	vld.idx.msk [tilespmem:v23+s8+$0x0], $0xffff;
	v7 =	vor.u32 s14, v7  }
0x19a: {  	v14 =	vadd.f32 v15, v14;
	v60 =	vld.idx.msk [tilespmem:v18+s8+$0x0], $0xffff  }
0x19b: {  	v16 =	vadd.f32 v16, v24;
	v61 =	vld.idx.msk [tilespmem:v19+s8+$0x0], $0xffff  }
0x19c: {  	v17 =	vadd.f32 v17, v25;
	v62 =	vld.idx.msk [tilespmem:v20+s8+$0x0], $0xffff;
	v9 =	vadd.f32 v9, v14  }
0x19d: {  	v8 =	vadd.f32 v8, v21;
	v10 =	vadd.f32 v10, v16;
	v5 =	vld.idx.msk [tilespmem:v5+s8+$0x0], $0xffff  }
0x19e: {  	v11 =	vadd.f32 v11, v17;
	v9 =	vadd.f32 v13, v9;
	v7 =	vld.idx.msk [tilespmem:v7+s8+$0x0], $0xffff  }
0x19f: {  	v8 =	vadd.f32 v12, v8;
	v4 =	vadd.f32 v4, v10  }
0x1a0: {  	v6 =	vadd.f32 v59, v11;
	v9 =	vadd.f32 v61, v9  }
.Ltmp4:
0x1a1: {  	v8 =	vadd.f32 v60, v8;
	v4 =	vadd.f32 v62, v4;
	(pc) =	sbr.rel @p0 .LBB2_6-.Ltmp4, $4  }
0x1a2: {  	[tilespmem:s12+$0x9000] =	vst v9;
	v5 =	vadd.f32 v5, v6  }
0x1a3: {  	[tilespmem:s12+$0x9010] =	vst v4;
	v63 =	vadd.f32 v7, v8  }
0x1a4: {  	[tilespmem:s12+$0x9020] =	vst v5  }
0x1a5: {  	s13 =	simm.s32 $0x1;
	p1 =	por $0x0, $0x0;
	[tilespmem:s12+$0x9030] =	vst v63  }
0x1a6: {  	s13 =	simm.s32 $0x2  }
0x1a7: {  	_ =	swait.ge [sflag:s13], $0x4000  }
0x1a8: {  	[sflag:s13] =	ssyncset.done $0x0  }
0x1a9: {  	p1 =	por $0x0, $0x0;
	[sflag:s13] =	ssyncadd.s32 $0xFFFFC000  }
.LBB2_12:
0x1aa: {  	s12 =	sshll.u32 s13, $0x7  }
0x1ab: {  	v16 =	vld [tilespmem:s12+$0x0]  }
0x1ac: {  	v17 =	vld [tilespmem:s12+$0x10]  }
0x1ad: {  	v20 =	vld [tilespmem:s12+$0x20]  }
0x1ae: {  	v21 =	vld [tilespmem:s12+$0x30]  }
0x1af: {  	v22 =	vld [tilespmem:s12+$0x40]  }
0x1b0: {  	v23 =	vld [tilespmem:s12+$0x50]  }
0x1b1: {  	v24 =	vld [tilespmem:s12+$0x60]  }
0x1b2: {  	v25 =	vld [tilespmem:s12+$0x70]  }
0x1b3: {  	v26 =	vld [tilespmem:s12+$0x200]  }
0x1b4: {  	v27 =	vld [tilespmem:s12+$0x210];
	s14 =	sand.u32 $0x3FFFFF80, s12  }
0x1b5: {  	v28 =	vld [tilespmem:s12+$0x220];
	s14 =	sadd.s32 $0x670, s14  }
0x1b6: {  	v29 =	vld [tilespmem:s12+$0x230];
	v10 =	vmov s14  }
0x1b7: {  	v30 =	vld [tilespmem:s12+$0x240]  }
0x1b8: {  	v31 =	vld [tilespmem:s12+$0x250]  }
0x1b9: {  	v32 =	vld [tilespmem:s12+$0x260]  }
0x1ba: {  	s31 =	simm.s32 $0x0;
	v33 =	vld [tilespmem:s12+$0x270]  }
0x1bb: {  	v5 =	vld.idx.msk [tilespmem:v10+s31+$0xFFFFFFE0 ss:$0x1], $0xffff  }
0x1bc: {  	v6 =	vld.idx.msk [tilespmem:v10+s31+$0x0 ss:$0x1], $0xffff  }
0x1bd: {  	v7 =	vld.idx.msk [tilespmem:v10+s31+$0xFFFFFFF0 ss:$0x1], $0xffff  }
0x1be: {  	v8 =	vld.idx.msk [tilespmem:v10+s31+$0xFFFFFFD0 ss:$0x1], $0xffff  }
0x1bf: {  	v9 =	vld.idx.msk [tilespmem:v10+s31+$0xFFFFFFC0 ss:$0x1], $0xffff  }
0x1c0: {  	v11 =	vld.idx.msk [tilespmem:v10+s31+$0xFFFFFFB0 ss:$0x1], $0xffff  }
0x1c1: {  	v12 =	vld.idx.msk [tilespmem:v10+s31+$0xFFFFFFA0 ss:$0x1], $0xffff  }
0x1c2: {  	v13 =	vld.idx.msk [tilespmem:v10+s31+$0xFFFFFF90 ss:$0x1], $0xffff  }
0x1c3: {  	v14 =	vld.idx.msk [tilespmem:v10+s31+$0xFFFFFE00 ss:$0x1], $0xffff  }
0x1c4: {  	s13 =	sshll.u32 s13, $0xA;
	v15 =	vld.idx.msk [tilespmem:v10+s31+$0xFFFFFDF0 ss:$0x1], $0xffff  }
0x1c5: {  	v4 =	vor.u32 s13, v0;
	v16 =	vshll.u32 v16, $0x4;
	v18 =	vld.idx.msk [tilespmem:v10+s31+$0xFFFFFDE0 ss:$0x1], $0xffff  }
0x1c6: {  	v34 =	vadd.s32 v4, v16;
	v16 =	vshll.u32 v17, $0x4;
	v19 =	vld.idx.msk [tilespmem:v10+s31+$0xFFFFFDD0 ss:$0x1], $0xffff  }
0x1c7: {  	v17 =	vadd.s32 v4, v16;
	v16 =	vshll.u32 v20, $0x4;
	v20 =	vld.idx.msk [tilespmem:v10+s31+$0xFFFFFDB0 ss:$0x1], $0xffff  }
0x1c8: {  	v36 =	vshll.u32 v21, $0x4;
	v22 =	vshll.u32 v22, $0x4;
	v21 =	vld.idx.msk [tilespmem:v10+s31+$0xFFFFFDA0 ss:$0x1], $0xffff;
	v35 =	vadd.s32 v4, v16  }
0x1c9: {  	v36 =	vadd.s32 v4, v36;
	v37 =	vadd.s32 v4, v22;
	v22 =	vld.idx.msk [tilespmem:v10+s31+$0xFFFFFD90 ss:$0x1], $0xffff  }
0x1ca: {  	v23 =	vshll.u32 v23, $0x4;
	v16 =	vld.idx.msk [tilespmem:v10+s31+$0xFFFFFDC0 ss:$0x1], $0xffff  }
0x1cb: {  	v24 =	vshll.u32 v24, $0x4;
	v23 =	vadd.s32 v4, v23;
	[tilespmem:v34+s8+$0x0] =	vst.idx.add.f32.msk $0xffff, v2  }
0x1cc: {  	v53 =	vshll.u32 v25, $0x4;
	[tilespmem:v17+s8+$0x0] =	vst.idx.add.f32.msk $0xffff, v2;
	v17 =	vadd.s32 v4, v24  }
0x1cd: {  	v54 =	vshll.u32 v26, $0x4;
	v24 =	vadd.s32 v4, v53;
	[tilespmem:v35+s8+$0x0] =	vst.idx.add.f32.msk $0xffff, v2  }
0x1ce: {  	v55 =	vshll.u32 v27, $0x4;
	v25 =	vadd.s32 v4, v54;
	[tilespmem:v36+s8+$0x0] =	vst.idx.add.f32.msk $0xffff, v2  }
0x1cf: {  	v56 =	vshll.u32 v28, $0x4;
	v26 =	vadd.s32 v4, v55;
	[tilespmem:v37+s8+$0x0] =	vst.idx.add.f32.msk $0xffff, v2  }
0x1d0: {  	[tilespmem:v23+s8+$0x0] =	vst.idx.add.f32.msk $0xffff, v2;
	v23 =	vadd.s32 v4, v56  }
0x1d1: {  	v57 =	vshll.u32 v29, $0x4;
	[tilespmem:v17+s8+$0x0] =	vst.idx.add.f32.msk $0xffff, v2  }
0x1d2: {  	v58 =	vshll.u32 v30, $0x4;
	v17 =	vadd.s32 v4, v57;
	[tilespmem:v24+s8+$0x0] =	vst.idx.add.f32.msk $0xffff, v2  }
0x1d3: {  	v60 =	vshll.u32 v31, $0x4;
	v59 =	vadd.s32 v4, v58;
	[tilespmem:v25+s8+$0x0] =	vst.idx.add.f32.msk $0xffff, v2  }
0x1d4: {  	v62 =	vshll.u32 v32, $0x4;
	v61 =	vadd.s32 v4, v60;
	[tilespmem:v26+s8+$0x0] =	vst.idx.add.f32.msk $0xffff, v2  }
0x1d5: {  	v63 =	vadd.s32 v4, v62;
	[tilespmem:v23+s8+$0x0] =	vst.idx.add.f32.msk $0xffff, v2;
	v23 =	vshll.u32 v33, $0x4  }
0x1d6: {  	v23 =	vadd.s32 v4, v23  }
0x1d7: {  	[tilespmem:v17+s8+$0x0] =	vst.idx.add.f32.msk $0xffff, v2  }
0x1d8: {  	[tilespmem:v59+s8+$0x0] =	vst.idx.add.f32.msk $0xffff, v2  }
0x1d9: {  	[tilespmem:v61+s8+$0x0] =	vst.idx.add.f32.msk $0xffff, v2  }
0x1da: {  	p0 =	por p1, p1;
	s14 =	simm.s32 $0x1000;
	v17 =	vmov s13;
	[tilespmem:v63+s8+$0x0] =	vst.idx.add.f32.msk $0xffff, v2  }
.LBB2_13:
0x1db: {  	s15 =	sshra.s32 s14, $0x2;
	v22 =	vshll.u32 v22, $0x4;
	p1 =	sne.s32 s14, $0x1E000;
	s14 =	sadd.s32 $0x1000, s14;
	[tilespmem:v23+s8+$0x0] =	vst.idx.add.f32.msk $0xffff, v2;
	v23 =	vmovc v5;
	v24 =	vmovc v6;
	v25 =	vmov v7;
	v26 =	vmov v8  }
0x1dc: {  	v7 =	vshll.u32 v21, $0x4;
	v28 =	vmovc v9;
	v29 =	vmovc v11;
	v30 =	vmov v12;
	v5 =	vld.idx.msk [tilespmem:v10+s15+$0xFFFFFFE0 ss:$0x1], $0xffff;
	v27 =	vadd.s32 v4, v22  }
0x1dd: {  	v8 =	vshll.u32 v20, $0x4;
	v32 =	vmovc v13;
	v33 =	vmovc v14;
	v34 =	vmov v15;
	v31 =	vadd.s32 v4, v7;
	v6 =	vld.idx.msk [tilespmem:v10+s15+$0x0 ss:$0x1], $0xffff  }
0x1de: {  	v36 =	vmov v18;
	v35 =	vadd.s32 v4, v8;
	v7 =	vld.idx.msk [tilespmem:v10+s15+$0xFFFFFFF0 ss:$0x1], $0xffff  }
0x1df: {  	v11 =	vshll.u32 v19, $0x4;
	v8 =	vld.idx.msk [tilespmem:v10+s15+$0xFFFFFFD0 ss:$0x1], $0xffff  }
0x1e0: {  	v37 =	vadd.s32 v4, v11;
	v9 =	vld.idx.msk [tilespmem:v10+s15+$0xFFFFFFC0 ss:$0x1], $0xffff  }
0x1e1: {  	v11 =	vld.idx.msk [tilespmem:v10+s15+$0xFFFFFFB0 ss:$0x1], $0xffff  }
0x1e2: {  	v12 =	vld.idx.msk [tilespmem:v10+s15+$0xFFFFFFA0 ss:$0x1], $0xffff  }
0x1e3: {  	v13 =	vld.idx.msk [tilespmem:v10+s15+$0xFFFFFF90 ss:$0x1], $0xffff  }
0x1e4: {  	v14 =	vld.idx.msk [tilespmem:v10+s15+$0xFFFFFE00 ss:$0x1], $0xffff  }
0x1e5: {  	v15 =	vld.idx.msk [tilespmem:v10+s15+$0xFFFFFDF0 ss:$0x1], $0xffff  }
0x1e6: {  	v18 =	vld.idx.msk [tilespmem:v10+s15+$0xFFFFFDE0 ss:$0x1], $0xffff  }
0x1e7: {  	v19 =	vld.idx.msk [tilespmem:v10+s15+$0xFFFFFDD0 ss:$0x1], $0xffff  }
0x1e8: {  	v20 =	vld.idx.msk [tilespmem:v10+s15+$0xFFFFFDB0 ss:$0x1], $0xffff  }
0x1e9: {  	v22 =	vshll.u32 v16, $0x4;
	v16 =	vld.idx.msk [tilespmem:v10+s15+$0xFFFFFDC0 ss:$0x1], $0xffff  }
0x1ea: {  	v38 =	vadd.s32 v4, v22;
	v21 =	vld.idx.msk [tilespmem:v10+s15+$0xFFFFFDA0 ss:$0x1], $0xffff  }
0x1eb: {  	v36 =	vshll.u32 v36, $0x4;
	v22 =	vld.idx.msk [tilespmem:v10+s15+$0xFFFFFD90 ss:$0x1], $0xffff  }
0x1ec: {  	v34 =	vshll.u32 v34, $0x4;
	[tilespmem:v27+s8+$0x0] =	vst.idx.add.f32.msk $0xffff, v2;
	v27 =	vadd.s32 v4, v36  }
0x1ed: {  	v33 =	vshll.u32 v33, $0x4;
	[tilespmem:v31+s8+$0x0] =	vst.idx.add.f32.msk $0xffff, v2;
	v31 =	vadd.s32 v4, v34  }
0x1ee: {  	v32 =	vshll.u32 v32, $0x4;
	v33 =	vadd.s32 v4, v33;
	[tilespmem:v35+s8+$0x0] =	vst.idx.add.f32.msk $0xffff, v2  }
0x1ef: {  	v30 =	vshll.u32 v30, $0x4;
	v32 =	vadd.s32 v4, v32;
	[tilespmem:v38+s8+$0x0] =	vst.idx.add.f32.msk $0xffff, v2  }
0x1f0: {  	v29 =	vshll.u32 v29, $0x4;
	v30 =	vadd.s32 v4, v30;
	[tilespmem:v37+s8+$0x0] =	vst.idx.add.f32.msk $0xffff, v2  }
0x1f1: {  	v28 =	vshll.u32 v28, $0x4;
	[tilespmem:v27+s8+$0x0] =	vst.idx.add.f32.msk $0xffff, v2;
	v27 =	vadd.s32 v4, v29  }
0x1f2: {  	v26 =	vshll.u32 v26, $0x4;
	v28 =	vadd.s32 v4, v28;
	[tilespmem:v31+s8+$0x0] =	vst.idx.add.f32.msk $0xffff, v2  }
0x1f3: {  	v23 =	vshll.u32 v23, $0x4;
	v26 =	vadd.s32 v4, v26;
	[tilespmem:v33+s8+$0x0] =	vst.idx.add.f32.msk $0xffff, v2  }
0x1f4: {  	v29 =	vadd.s32 v4, v23;
	v23 =	vshll.u32 v25, $0x4;
	[tilespmem:v32+s8+$0x0] =	vst.idx.add.f32.msk $0xffff, v2  }
0x1f5: {  	v25 =	vadd.s32 v4, v23;
	v23 =	vshll.u32 v24, $0x4;
	[tilespmem:v30+s8+$0x0] =	vst.idx.add.f32.msk $0xffff, v2  }
.Ltmp5:
0x1f6: {  	v23 =	vadd.s32 v4, v23;
	[tilespmem:v27+s8+$0x0] =	vst.idx.add.f32.msk $0xffff, v2;
	(pc) =	sbr.rel @p1 .LBB2_13-.Ltmp5, $4  }
0x1f7: {  	[tilespmem:v28+s8+$0x0] =	vst.idx.add.f32.msk $0xffff, v2  }
0x1f8: {  	[tilespmem:v26+s8+$0x0] =	vst.idx.add.f32.msk $0xffff, v2  }
0x1f9: {  	[tilespmem:v29+s8+$0x0] =	vst.idx.add.f32.msk $0xffff, v2  }
0x1fa: {  	[tilespmem:v25+s8+$0x0] =	vst.idx.add.f32.msk $0xffff, v2  }
0x1fb: {  	v10 =	vshll.u32 v22, $0x4  }
0x1fc: {  	v21 =	vshll.u32 v21, $0x4;
	v10 =	vadd.s32 v4, v10  }
0x1fd: {  	v20 =	vshll.u32 v20, $0x4;
	v21 =	vadd.s32 v4, v21  }
0x1fe: {  	v16 =	vshll.u32 v16, $0x4;
	v20 =	vadd.s32 v4, v20  }
0x1ff: {  	v19 =	vshll.u32 v19, $0x4;
	v16 =	vadd.s32 v4, v16  }
0x200: {  	[tilespmem:v23+s8+$0x0] =	vst.idx.add.f32.msk $0xffff, v2;
	v18 =	vshll.u32 v18, $0x4;
	v19 =	vadd.s32 v4, v19  }
0x201: {  	v15 =	vshll.u32 v15, $0x4;
	[tilespmem:v10+s8+$0x0] =	vst.idx.add.f32.msk $0xffff, v2;
	v10 =	vadd.s32 v4, v18  }
0x202: {  	v14 =	vshll.u32 v14, $0x4;
	v15 =	vadd.s32 v4, v15;
	[tilespmem:v21+s8+$0x0] =	vst.idx.add.f32.msk $0xffff, v2  }
0x203: {  	v13 =	vshll.u32 v13, $0x4;
	v14 =	vadd.s32 v4, v14;
	[tilespmem:v20+s8+$0x0] =	vst.idx.add.f32.msk $0xffff, v2  }
0x204: {  	v12 =	vshll.u32 v12, $0x4;
	v13 =	vadd.s32 v4, v13;
	[tilespmem:v16+s8+$0x0] =	vst.idx.add.f32.msk $0xffff, v2  }
0x205: {  	v11 =	vshll.u32 v11, $0x4;
	v12 =	vadd.s32 v4, v12;
	[tilespmem:v19+s8+$0x0] =	vst.idx.add.f32.msk $0xffff, v2  }
0x206: {  	v9 =	vshll.u32 v9, $0x4;
	[tilespmem:v10+s8+$0x0] =	vst.idx.add.f32.msk $0xffff, v2;
	v10 =	vadd.s32 v4, v11  }
0x207: {  	v8 =	vshll.u32 v8, $0x4;
	v9 =	vadd.s32 v4, v9;
	[tilespmem:v15+s8+$0x0] =	vst.idx.add.f32.msk $0xffff, v2  }
0x208: {  	v5 =	vshll.u32 v5, $0x4;
	v8 =	vadd.s32 v4, v8;
	[tilespmem:v14+s8+$0x0] =	vst.idx.add.f32.msk $0xffff, v2  }
0x209: {  	v11 =	vadd.s32 v4, v5;
	v5 =	vshll.u32 v7, $0x4;
	[tilespmem:v13+s8+$0x0] =	vst.idx.add.f32.msk $0xffff, v2  }
0x20a: {  	[tilespmem:v12+s8+$0x0] =	vst.idx.add.f32.msk $0xffff, v2;
	v12 =	vadd.s32 v4, v5;
	v5 =	vshll.u32 v6, $0x4  }
0x20b: {  	s14 =	sor.u32 $0x100, s13;
	s15 =	simm.s32 $0x0;
	[tilespmem:v10+s8+$0x0] =	vst.idx.add.f32.msk $0xffff, v2;
	v10 =	vadd.s32 v4, v5;
	v4 =	vor.u32 v3, v17  }
0x20c: {  	s28 =	sor.u32 $0x200, s13;
	v5 =	vor.u32 s14, v3;
	[tilespmem:v9+s8+$0x0] =	vst.idx.add.f32.msk $0xffff, v2;
	v9 =	vor.u32 s15, v4  }
0x20d: {  	v6 =	vor.u32 s28, v3;
	[tilespmem:v8+s8+$0x0] =	vst.idx.add.f32.msk $0xffff, v2;
	v8 =	vor.u32 s15, v5  }
0x20e: {  	s29 =	sor.u32 $0x300, s13;
	s30 =	simm.s32 $0x1;
	[tilespmem:v11+s8+$0x0] =	vst.idx.add.f32.msk $0xffff, v2;
	v11 =	vor.u32 s15, v6  }
0x20f: {  	v7 =	vor.u32 s29, v3;
	v18 =	vor.u32 s30, v6;
	[tilespmem:v12+s8+$0x0] =	vst.idx.add.f32.msk $0xffff, v2  }
0x210: {  	v12 =	vor.u32 s15, v7;
	[tilespmem:v10+s8+$0x0] =	vst.idx.add.f32.msk $0xffff, v2  }
0x211: {  	v20 =	vor.u32 s30, v7;
	v15 =	vld.idx.msk [tilespmem:v9+s8+$0x0], $0xffff  }
0x212: {  	v10 =	vor.u32 s30, v4;
	v16 =	vld.idx.msk [tilespmem:v8+s8+$0x0], $0xffff  }
0x213: {  	s31 =	simm.s32 $0x2;
	v13 =	vor.u32 s30, v5;
	v17 =	vld.idx.msk [tilespmem:v11+s8+$0x0], $0xffff  }
0x214: {  	v21 =	vor.u32 s31, v4;
	v11 =	vld.idx.msk [tilespmem:v18+s8+$0x0], $0xffff  }
0x215: {  	v22 =	vor.u32 s31, v5;
	v8 =	vld.idx.msk [tilespmem:v12+s8+$0x0], $0xffff  }
0x216: {  	v23 =	vor.u32 s31, v6;
	v12 =	vld.idx.msk [tilespmem:v20+s8+$0x0], $0xffff  }
0x217: {  	s14 =	simm.s32 $0x3;
	v18 =	vor.u32 s31, v7;
	v9 =	vld.idx.msk [tilespmem:v10+s8+$0x0], $0xffff  }
0x218: {  	v24 =	vimm.f32 $0.0e+00;
	v25 =	vimm.f32 $0.0e+00;
	v19 =	vor.u32 s14, v4;
	v10 =	vld.idx.msk [tilespmem:v13+s8+$0x0], $0xffff  }
0x219: {  	s13 =	simm.s32 $0x4;
	v14 =	vimm.f32 $0.0e+00;
	v20 =	vor.u32 s14, v5;
	v13 =	vld.idx.msk [tilespmem:v21+s8+$0x0], $0xffff;
	v21 =	vimm.f32 $0.0e+00  }
.LBB2_15:
0x21a: {  	p1 =	slt.u32 s13, $0xE;
	v26 =	vld.idx.msk [tilespmem:v22+s8+$0x0], $0xffff;
	v27 =	vor.u32 s14, v6  }
0x21b: {  	v29 =	vor.u32 s14, v7;
	v14 =	vadd.f32 v15, v14;
	v15 =	vadd.f32 v16, v24;
	v28 =	vld.idx.msk [tilespmem:v23+s8+$0x0], $0xffff  }
0x21c: {  	v30 =	vor.u32 s13, v4;
	v16 =	vadd.f32 v17, v25;
	v17 =	vadd.f32 v8, v21;
	v8 =	vld.idx.msk [tilespmem:v18+s8+$0x0], $0xffff  }
.Ltmp6:
0x21d: {  	v22 =	vor.u32 s13, v5;
	v14 =	vadd.f32 v9, v14;
	v24 =	vadd.f32 v10, v15;
	v9 =	vld.idx.msk [tilespmem:v19+s8+$0x0], $0xffff;
	(pc) =	sbr.rel @p1 .LBB2_15-.Ltmp6, $4  }
0x21e: {  	v23 =	vor.u32 s13, v6;
	v25 =	vadd.f32 v11, v16;
	v21 =	vadd.f32 v12, v17;
	v10 =	vld.idx.msk [tilespmem:v20+s8+$0x0], $0xffff  }
0x21f: {  	s14 =	sadd.s32 $0x1, s13;
	v18 =	vor.u32 s13, v7;
	v15 =	vmov v13;
	v11 =	vld.idx.msk [tilespmem:v27+s8+$0x0], $0xffff  }
0x220: {  	v19 =	vor.u32 s14, v4;
	v16 =	vmov v26;
	v12 =	vld.idx.msk [tilespmem:v29+s8+$0x0], $0xffff  }
0x221: {  	s13 =	sadd.s32 $0x2, s13;
	v20 =	vor.u32 s14, v5;
	v17 =	vmov v28;
	v13 =	vld.idx.msk [tilespmem:v30+s8+$0x0], $0xffff  }
0x222: {  	_ =	sdelay $0x3  }
0x223: {  	v4 =	vld.idx.msk [tilespmem:v22+s8+$0x0], $0xffff;
	v5 =	vor.u32 s14, v6  }
0x224: {  	v59 =	vld.idx.msk [tilespmem:v23+s8+$0x0], $0xffff;
	v7 =	vor.u32 s14, v7  }
0x225: {  	v14 =	vadd.f32 v15, v14;
	v60 =	vld.idx.msk [tilespmem:v18+s8+$0x0], $0xffff  }
0x226: {  	v16 =	vadd.f32 v16, v24;
	v61 =	vld.idx.msk [tilespmem:v19+s8+$0x0], $0xffff  }
0x227: {  	v17 =	vadd.f32 v17, v25;
	v62 =	vld.idx.msk [tilespmem:v20+s8+$0x0], $0xffff;
	v9 =	vadd.f32 v9, v14  }
0x228: {  	v8 =	vadd.f32 v8, v21;
	v10 =	vadd.f32 v10, v16;
	v5 =	vld.idx.msk [tilespmem:v5+s8+$0x0], $0xffff  }
0x229: {  	v11 =	vadd.f32 v11, v17;
	v9 =	vadd.f32 v13, v9;
	v7 =	vld.idx.msk [tilespmem:v7+s8+$0x0], $0xffff  }
0x22a: {  	v8 =	vadd.f32 v12, v8;
	v4 =	vadd.f32 v4, v10  }
0x22b: {  	v6 =	vadd.f32 v59, v11;
	v9 =	vadd.f32 v61, v9  }
.Ltmp7:
0x22c: {  	v8 =	vadd.f32 v60, v8;
	v4 =	vadd.f32 v62, v4;
	(pc) =	sbr.rel @!p0 .LBB2_12-.Ltmp7, $4  }
0x22d: {  	[tilespmem:s12+$0x9000] =	vst v9;
	v5 =	vadd.f32 v5, v6  }
0x22e: {  	[tilespmem:s12+$0x9010] =	vst v4;
	v63 =	vadd.f32 v7, v8  }
0x22f: {  	[tilespmem:s12+$0x9020] =	vst v5  }
0x230: {  	s13 =	simm.s32 $0x3;
	p1 =	por $0x1, $0x1;
	[tilespmem:s12+$0x9030] =	vst v63  }
0x231: {  	s11 =	sadd.s32 $0x1, s11  }
0x232: {  	p0 =	sne.s32 s11, s6  }
.Ltmp8:
0x233: {  	_ = 	snop;
	(pc) =	sbr.rel @p0 .LBB2_1-.Ltmp8, $4  }
0x234: {  	[hbm4b:s5+s2] =	stream.linear.scatter [tilespmem:s9], [sflag:$0x3], $0x200, $0x38;
	[tilespmem:$0x9200] =	vst v63  }
0x235: {  	_ =	swait.ge [sflag:s10], $0x200  }
0x236: {  	[sflag:s10] =	ssyncset.done $0x0  }
0x237: {  	[sflag:s10] =	ssyncadd.s32 $0xFFFFFE00  }
0x238: {  	_ =	sfence.sel $0x180000  }
0x239: {  	[bflag:$0x0] =	sbarrier.arrive $0xFFFF  }
0x23a: {  	p0 =	sne.s32 s1, $0x0;
	_ =	strace $0x90000047  }
0x23b: {  	s0 =	sadd.s32 @!p0 $0x100000, s0;
	[bflag:$0x2] =	sbarrier.arrive $0xFFFF  }
0x23c: {  	[sflag:s0] =	ssyncadd.tile.s32 @!p0 $0x1;
	_ =	shalt  }
.Lfunc_end2:
_tile_overlayer_lowered:
.L_overlay_start_2:
0x23d: {  	(tag) =	ssettag $0x2  }
0x23e: {  	s0 =	rddreg [dreg:$0x0];
	s2 =	stileid.u32  }
0x23f: {  	s1 =	rddreg [dreg:$0x1];
	p0 =	sne.s32 s2, $0x0  }
0x240: {  	s3 =	rddreg [dreg:$0x2];
	[bflag:$0x3] =	sbarrier.arrive $0xFFFF;
	s2 =	simm.s32 @!p0 $0x1C03  }
0x241: {  	[timem:s3], [sflag:s2] =	dma.local @!p0 [hbm:s0], s1  }
0x242: {  	s0 =	simm.s32 @!p0 $0x3  }
0x243: {  	_ =	swait.ge @!p0 [sflag:s0], s1  }
0x244: {  	s1 =	ssub.s32 @!p0 $0x0, s1;
	[sflag:s0] =	ssyncset.done @!p0 $0x0  }
0x245: {  	[sflag:s0] =	ssyncadd.s32 @!p0 s1  }
0x246: {  	[bflag:$0x3] =	sbarrier.arrive $0xFFFF  }
0x247: {  	_ =	shalt  }

</sc_bundles>
